<compile_context>
chip_gen: v7x
topology: tpu7x:2x2x1
jax: 0.10.2.dev20260603
libtpu: 0.0.44.dev20260713+nightly
codegen_flags: <defaults>
</compile_context>

<pallas_src>
import functools

import jax
import jax.numpy as jnp
from jax import lax
from jax.experimental import pallas as pl
from jax.experimental.pallas import tpu as pltpu
from jax.experimental.pallas import tpu_sc as plsc

B, C, H, W = 2, 384, 224, 224
HW = H * W
N = B * HW

NC, NS, L = 2, 16, 16
NW = NC * NS
PPW = N // NW
CHUNKS = PPW // L
CPR = W // L
CPL = C // L

_mesh = plsc.VectorSubcoreMesh(core_axis_name="c", subcore_axis_name="s")


@functools.partial(
    pl.kernel,
    out_type=jax.ShapeDtypeStruct((N, C), jnp.float32),
    mesh=_mesh,
    compiler_params=pltpu.CompilerParams(needs_layout_passes=False),
    scratch_types=[
        pltpu.VMEM((PPW,), jnp.float32),
        pltpu.VMEM((PPW,), jnp.float32),
        [pltpu.VMEM((4 * L, C), jnp.float32)] * 2,
        [pltpu.VMEM((L, C), jnp.float32)] * 2,
        [pltpu.VMEM((L,), jnp.float32)] * 2,
        [pltpu.VMEM((L,), jnp.float32)] * 2,
        [pltpu.VMEM((4 * L,), jnp.int32)] * 2,
        [pltpu.SemaphoreType.DMA] * 2,
        [pltpu.SemaphoreType.DMA] * 2,
    ],
)
def _resample(img, fx_all, fy_all, out, fx_v, fy_v, gbufs, obufs, axbs, aybs,
              ibufs, gsems, osems):
    wid = lax.axis_index("s") * NC + lax.axis_index("c")
    p0 = wid * PPW
    img_base = (p0 // HW) * HW
    ybase = (p0 % HW) // W
    pltpu.sync_copy(fx_all.at[pl.ds(p0, PPW)], fx_v)
    pltpu.sync_copy(fy_all.at[pl.ds(p0, PPW)], fy_v)
    xiota = lax.iota(jnp.int32, L).astype(jnp.float32)

    def stage(k, s):
        y = ybase + k // CPR
        xs = (k % CPR) * L
        fxv = fx_v[pl.ds(k * L, L)]
        fyv = fy_v[pl.ds(k * L, L)]
        xc = jnp.clip(xs * 1.0 + xiota + fxv, 0.0, W - 1.0)
        yc = jnp.clip(y * 1.0 + fyv, 0.0, H - 1.0)
        x0 = jnp.minimum(xc.astype(jnp.int32), W - 2)
        y0 = jnp.minimum(yc.astype(jnp.int32), H - 2)
        axbs[s][...] = xc - x0.astype(jnp.float32)
        aybs[s][...] = yc - y0.astype(jnp.float32)
        row00 = img_base + y0 * W + x0
        ibufs[s][pl.ds(0 * L, L)] = row00
        ibufs[s][pl.ds(1 * L, L)] = row00 + 1
        ibufs[s][pl.ds(2 * L, L)] = row00 + W
        ibufs[s][pl.ds(3 * L, L)] = row00 + W + 1
        pltpu.async_copy(img.at[ibufs[s]], gbufs[s], gsems[s])

    def step(k, s):
        pltpu.make_async_copy(img.at[pl.ds(0, 4 * L)], gbufs[s], gsems[s]).wait()
        @pl.when(k >= 2)
        def _():
            pltpu.make_async_copy(obufs[s], out.at[pl.ds(p0, L)], osems[s]).wait()

        gbuf, obuf = gbufs[s], obufs[s]

        @pl.loop(0, L)
        def _px(i):
            iv = jnp.zeros((L,), jnp.int32) + i
            a_x = plsc.load_gather(axbs[s], [iv])
            a_y = plsc.load_gather(aybs[s], [iv])
            w00 = (1.0 - a_x) * (1.0 - a_y)
            w01 = a_x * (1.0 - a_y)
            w10 = (1.0 - a_x) * a_y
            w11 = a_x * a_y
            for j in range(CPL):
                sl = pl.ds(j * L, L)
                obuf[i, sl] = (gbuf[0 * L + i, sl] * w00
                               + gbuf[1 * L + i, sl] * w01
                               + gbuf[2 * L + i, sl] * w10
                               + gbuf[3 * L + i, sl] * w11)

        @pl.when(k + 2 < CHUNKS)
        def _():
            stage(k + 2, s)

        pltpu.async_copy(obuf, out.at[pl.ds(p0 + k * L, L)], osems[s])

    stage(0, 0)
    stage(1, 1)

    @pl.loop(0, CHUNKS, step=2)
    def _chunk(k):
        step(k, 0)
        step(k + 1, 1)

    pltpu.make_async_copy(obufs[0], out.at[pl.ds(p0, L)], osems[0]).wait()
    pltpu.make_async_copy(obufs[1], out.at[pl.ds(p0, L)], osems[1]).wait()


def kernel(input1, input2):
    img = jnp.transpose(input1, (0, 2, 3, 1)).reshape(N, C)
    fx = input2[:, 0].reshape(-1)
    fy = input2[:, 1].reshape(-1)
    out_cl = _resample(img, fx, fy)
    return jnp.transpose(out_cl.reshape(B, H, W, C), (0, 3, 1, 2))

# --- scband reference (transcript-rebuilt; emitter-appended) ---
"""Pipeline reference for scband-resample2d-4552665333943 (READ-ONLY COPY).

The authoritative reference and input builder live on the scoring server;
editing this copy changes nothing except your own understanding.
"""

import jax, jax.numpy as jnp
import numpy as np


def setup_inputs(seed: int = 0) -> dict:
    key = jax.random.key(seed)
    k1, k2 = jax.random.split(key)
    input1 = jax.random.normal(k1, (2, 384, 224, 224), dtype=jnp.float32)
    input2 = jax.random.normal(k2, (2, 2, 224, 224), dtype=jnp.float32)
    return {"input1": input1, "input2": input2}


def reference(input1, input2):
    # Resample2d (FlowNet2 warping): for each output pixel (y, x), bilinearly
    # sample input1 at (x + flow_x, y + flow_y), clamping corner indices to
    # the valid image range (kernel_size=1, bilinear=True).
    B, C, H, W = input1.shape
    ys = jnp.arange(H, dtype=jnp.float32)[:, None]
    xs = jnp.arange(W, dtype=jnp.float32)[None, :]
    xf = xs[None, :, :] + input2[:, 0]  # [B, H, W]
    yf = ys[None, :, :] + input2[:, 1]  # [B, H, W]
    x0f = jnp.floor(xf)
    y0f = jnp.floor(yf)
    ax = xf - x0f  # fractional part in x
    ay = yf - y0f  # fractional part in y
    x0 = jnp.clip(x0f.astype(jnp.int32), 0, W - 1)
    x1 = jnp.clip(x0f.astype(jnp.int32) + 1, 0, W - 1)
    y0 = jnp.clip(y0f.astype(jnp.int32), 0, H - 1)
    y1 = jnp.clip(y0f.astype(jnp.int32) + 1, 0, H - 1)
    # channels-last flat view for gather
    img = jnp.transpose(input1, (0, 2, 3, 1)).reshape(B, H * W, C)

    def gather(yy, xx):
        idx = (yy * W + xx).reshape(B, H * W, 1)
        return jnp.take_along_axis(img, idx, axis=1).reshape(B, H, W, C)

    v00 = gather(y0, x0)
    v01 = gather(y0, x1)
    v10 = gather(y1, x0)
    v11 = gather(y1, x1)
    ax_ = ax[..., None]
    ay_ = ay[..., None]
    out = (v00 * (1.0 - ax_) * (1.0 - ay_)
           + v01 * ax_ * (1.0 - ay_)
           + v10 * (1.0 - ax_) * ay_
           + v11 * ax_ * ay_)
    return jnp.transpose(out, (0, 3, 1, 2))

if __name__ == "__main__":
    import jax
    _d = setup_inputs()
    print(jax.jit(kernel)(*tuple(_d.values())))

</pallas_src>

<mosaic_0001>
#map = affine_map<(d0, d1) -> (0, 0)>
#map1 = affine_map<(d0, d1) -> (0)>
module attributes {stable_mosaic.version = 14 : i64} {
  func.func @_resample(%arg0: i32, %arg1: i32, %arg2: memref<100352x384xf32, #tpu.memory_space<hbm>>, %arg3: memref<100352xf32, #tpu.memory_space<hbm>>, %arg4: memref<100352xf32, #tpu.memory_space<hbm>>, %arg5: memref<100352x384xf32, #tpu.memory_space<hbm>>, %arg6: memref<3136xf32, #tpu.memory_space<vmem>>, %arg7: memref<3136xf32, #tpu.memory_space<vmem>>, %arg8: memref<64x384xf32, #tpu.memory_space<vmem>>, %arg9: memref<64x384xf32, #tpu.memory_space<vmem>>, %arg10: memref<16x384xf32, #tpu.memory_space<vmem>>, %arg11: memref<16x384xf32, #tpu.memory_space<vmem>>, %arg12: memref<16xf32, #tpu.memory_space<vmem>>, %arg13: memref<16xf32, #tpu.memory_space<vmem>>, %arg14: memref<16xf32, #tpu.memory_space<vmem>>, %arg15: memref<16xf32, #tpu.memory_space<vmem>>, %arg16: memref<64xi32, #tpu.memory_space<vmem>>, %arg17: memref<64xi32, #tpu.memory_space<vmem>>, %arg18: memref<!tpu.dma_semaphore, #tpu.memory_space<semaphore_mem>>, %arg19: memref<!tpu.dma_semaphore, #tpu.memory_space<semaphore_mem>>, %arg20: memref<!tpu.dma_semaphore, #tpu.memory_space<semaphore_mem>>, %arg21: memref<!tpu.dma_semaphore, #tpu.memory_space<semaphore_mem>>) attributes {dimension_semantics = [#tpu.dimension_semantics<core_parallel>, #tpu.dimension_semantics<subcore_parallel>], iteration_bounds = array<i64: 2, 16>, scalar_prefetch = 0 : i64, scratch_operands = 16 : i64, tpu.core_type = #tpu.core_type<sc_vector_subcore>, window_params = [{transform_indices = #map}, {transform_indices = #map1}, {transform_indices = #map1}, {transform_indices = #map}]} {
    %mul3A = arith.constant 2 : i32
    %mul3A_0 = arith.muli %arg1, %mul3A : i32
    %add3A = arith.addi %mul3A_0, %arg0 : i32
    %mul3A_1 = arith.constant 3136 : i32
    %mul3A_2 = arith.muli %add3A, %mul3A_1 : i32
    %jit3A = arith.constant 50176 : i32
    %div3A = arith.divsi %mul3A_2, %jit3A : i32
    %sign3A = arith.constant 0 : i32
    %sign3A_3 = arith.cmpi sgt, %mul3A_2, %sign3A : i32
    %sign3A_4 = arith.extui %sign3A_3 : i1 to i32
    %sign3A_5 = arith.constant 0 : i32
    %sign3A_6 = arith.cmpi slt, %mul3A_2, %sign3A_5 : i32
    %sign3A_7 = arith.extui %sign3A_6 : i1 to i32
    %sign3A_8 = arith.subi %sign3A_4, %sign3A_7 : i32
    %sign3A_9 = arith.constant 0 : i32
    %sign3A_10 = arith.cmpi sgt, %jit3A, %sign3A_9 : i32
    %sign3A_11 = arith.extui %sign3A_10 : i1 to i32
    %sign3A_12 = arith.constant 0 : i32
    %sign3A_13 = arith.cmpi slt, %jit3A, %sign3A_12 : i32
    %sign3A_14 = arith.extui %sign3A_13 : i1 to i32
    %sign3A_15 = arith.subi %sign3A_11, %sign3A_14 : i32
    %ne3A = arith.cmpi ne, %sign3A_8, %sign3A_15 : i32
    %rem3A = arith.remsi %mul3A_2, %jit3A : i32
    %ne3A_16 = arith.constant 0 : i32
    %ne3A_17 = arith.cmpi ne, %rem3A, %ne3A_16 : i32
    %and3A = arith.andi %ne3A, %ne3A_17 : i1
    %sub3A = arith.constant 1 : i32
    %sub3A_18 = arith.subi %div3A, %sub3A : i32
    %select_n3A = arith.select %and3A, %sub3A_18, %div3A : i32
    %mul3A_19 = arith.constant 50176 : i32
    %mul3A_20 = arith.muli %select_n3A, %mul3A_19 : i32
    %jit3A_21 = arith.constant 50176 : i32
    %eq3A = arith.constant 0 : i32
    %eq3A_22 = arith.cmpi eq, %jit3A_21, %eq3A : i32
    %jit3A_23 = arith.constant 1 : i32
    %select_n3A_24 = arith.select %eq3A_22, %jit3A_23, %jit3A_21 : i32
    %rem3A_25 = arith.remsi %mul3A_2, %select_n3A_24 : i32
    %ne3A_26 = arith.constant 0 : i32
    %ne3A_27 = arith.cmpi ne, %rem3A_25, %ne3A_26 : i32
    %lt3A = arith.constant 0 : i32
    %lt3A_28 = arith.cmpi slt, %rem3A_25, %lt3A : i32
    %lt3A_29 = arith.constant 0 : i32
    %lt3A_30 = arith.cmpi slt, %select_n3A_24, %lt3A_29 : i32
    %ne3A_31 = arith.xori %lt3A_28, %lt3A_30 : i1
    %and3A_32 = arith.andi %ne3A_31, %ne3A_27 : i1
    %add3A_33 = arith.addi %rem3A_25, %select_n3A_24 : i32
    %select_n3A_34 = arith.select %and3A_32, %add3A_33, %rem3A_25 : i32
    %jit3A_35 = arith.constant 224 : i32
    %div3A_36 = arith.divsi %select_n3A_34, %jit3A_35 : i32
    %sign3A_37 = arith.constant 0 : i32
    %sign3A_38 = arith.cmpi sgt, %select_n3A_34, %sign3A_37 : i32
    %sign3A_39 = arith.extui %sign3A_38 : i1 to i32
    %sign3A_40 = arith.constant 0 : i32
    %sign3A_41 = arith.cmpi slt, %select_n3A_34, %sign3A_40 : i32
    %sign3A_42 = arith.extui %sign3A_41 : i1 to i32
    %sign3A_43 = arith.subi %sign3A_39, %sign3A_42 : i32
    %sign3A_44 = arith.constant 0 : i32
    %sign3A_45 = arith.cmpi sgt, %jit3A_35, %sign3A_44 : i32
    %sign3A_46 = arith.extui %sign3A_45 : i1 to i32
    %sign3A_47 = arith.constant 0 : i32
    %sign3A_48 = arith.cmpi slt, %jit3A_35, %sign3A_47 : i32
    %sign3A_49 = arith.extui %sign3A_48 : i1 to i32
    %sign3A_50 = arith.subi %sign3A_46, %sign3A_49 : i32
    %ne3A_51 = arith.cmpi ne, %sign3A_43, %sign3A_50 : i32
    %rem3A_52 = arith.remsi %select_n3A_34, %jit3A_35 : i32
    %ne3A_53 = arith.constant 0 : i32
    %ne3A_54 = arith.cmpi ne, %rem3A_52, %ne3A_53 : i32
    %and3A_55 = arith.andi %ne3A_51, %ne3A_54 : i1
    %sub3A_56 = arith.constant 1 : i32
    %sub3A_57 = arith.subi %div3A_36, %sub3A_56 : i32
    %select_n3A_58 = arith.select %and3A_55, %sub3A_57, %div3A_36 : i32
    "tpu.region"() ({
      %run_scoped3A = tpu.sem_alloc : memref<!tpu.dma_semaphore, #tpu.memory_space<semaphore_mem>>
      %dma_start3A_209 = tpu.memref_slice %arg3[%mul3A_2] : memref<100352xf32, #tpu.memory_space<hbm>> -> memref<3136xf32, #tpu.memory_space<hbm>>
      %dma_start3A_210 = tpu.memref_slice %arg3[%mul3A_2] : memref<100352xf32, #tpu.memory_space<hbm>> -> memref<3136xf32, #tpu.memory_space<hbm>>
      tpu.enqueue_dma source(%dma_start3A_210 : memref<3136xf32, #tpu.memory_space<hbm>>) target(%arg6 : memref<3136xf32, #tpu.memory_space<vmem>>) target_semaphore(%run_scoped3A : memref<!tpu.dma_semaphore, #tpu.memory_space<semaphore_mem>>)
      %dma_wait3A_211 = tpu.memref_slice %arg3[%mul3A_2] : memref<100352xf32, #tpu.memory_space<hbm>> -> memref<3136xf32, #tpu.memory_space<hbm>>
      %dma_wait3A_212 = tpu.memref_slice %arg3[%mul3A_2] : memref<100352xf32, #tpu.memory_space<hbm>> -> memref<3136xf32, #tpu.memory_space<hbm>>
      tpu.wait_dma2 semaphore(%run_scoped3A : memref<!tpu.dma_semaphore, #tpu.memory_space<semaphore_mem>>) src(%dma_wait3A_212 : memref<3136xf32, #tpu.memory_space<hbm>>) dst(%arg6 : memref<3136xf32, #tpu.memory_space<vmem>>)
      tpu.yield
    }) : () -> ()
    "tpu.region"() ({
      %run_scoped3A = tpu.sem_alloc : memref<!tpu.dma_semaphore, #tpu.memory_space<semaphore_mem>>
      %dma_start3A_209 = tpu.memref_slice %arg4[%mul3A_2] : memref<100352xf32, #tpu.memory_space<hbm>> -> memref<3136xf32, #tpu.memory_space<hbm>>
      %dma_start3A_210 = tpu.memref_slice %arg4[%mul3A_2] : memref<100352xf32, #tpu.memory_space<hbm>> -> memref<3136xf32, #tpu.memory_space<hbm>>
      tpu.enqueue_dma source(%dma_start3A_210 : memref<3136xf32, #tpu.memory_space<hbm>>) target(%arg7 : memref<3136xf32, #tpu.memory_space<vmem>>) target_semaphore(%run_scoped3A : memref<!tpu.dma_semaphore, #tpu.memory_space<semaphore_mem>>)
      %dma_wait3A_211 = tpu.memref_slice %arg4[%mul3A_2] : memref<100352xf32, #tpu.memory_space<hbm>> -> memref<3136xf32, #tpu.memory_space<hbm>>
      %dma_wait3A_212 = tpu.memref_slice %arg4[%mul3A_2] : memref<100352xf32, #tpu.memory_space<hbm>> -> memref<3136xf32, #tpu.memory_space<hbm>>
      tpu.wait_dma2 semaphore(%run_scoped3A : memref<!tpu.dma_semaphore, #tpu.memory_space<semaphore_mem>>) src(%dma_wait3A_212 : memref<3136xf32, #tpu.memory_space<hbm>>) dst(%arg7 : memref<3136xf32, #tpu.memory_space<vmem>>)
      tpu.yield
    }) : () -> ()
    %iota3A = tpu.iota {dimensions = array<i32: 0>} : vector<16xi32>
    %convert_element_type3A = arith.sitofp %iota3A : vector<16xi32> to vector<16xf32>
    %add3A_59 = arith.constant 0 : i32
    %add3A_60 = arith.addi %select_n3A_58, %add3A_59 : i32
    %get3A = arith.constant 0 : index
    %get3A_61 = tpu.vector_load %arg6[%get3A] {strides = array<i32>} : memref<3136xf32, #tpu.memory_space<vmem>>, vector<16xf32>,
    %get3A_62 = arith.constant 0 : index
    %get3A_63 = tpu.vector_load %arg7[%get3A_62] {strides = array<i32>} : memref<3136xf32, #tpu.memory_space<vmem>>, vector<16xf32>,
    %add3A_64 = arith.constant 0.000000e+00 : f32
    %add3A_65 = vector.broadcast %add3A_64 : f32 to vector<16xf32>
    %add3A_66 = arith.addf %add3A_65, %convert_element_type3A : vector<16xf32>
    %add3A_67 = arith.addf %add3A_66, %get3A_61 : vector<16xf32>
    %jit3A_68 = arith.constant 0.000000e+00 : f32
    %jit3A_69 = arith.constant 2.230000e+02 : f32
    %max3A = vector.broadcast %jit3A_68 : f32 to vector<16xf32>
    %max3A_70 = arith.maximumf %max3A, %add3A_67 : vector<16xf32>
    %min3A = vector.broadcast %jit3A_69 : f32 to vector<16xf32>
    %min3A_71 = arith.minimumf %min3A, %max3A_70 : vector<16xf32>
    %convert_element_type3A_72 = arith.sitofp %add3A_60 : i32 to f32
    %mul3A_73 = arith.constant 1.000000e+00 : f32
    %mul3A_74 = arith.mulf %convert_element_type3A_72, %mul3A_73 : f32
    %add3A_75 = vector.broadcast %mul3A_74 : f32 to vector<16xf32>
    %add3A_76 = arith.addf %add3A_75, %get3A_63 : vector<16xf32>
    %jit3A_77 = arith.constant 0.000000e+00 : f32
    %jit3A_78 = arith.constant 2.230000e+02 : f32
    %max3A_79 = vector.broadcast %jit3A_77 : f32 to vector<16xf32>
    %max3A_80 = arith.maximumf %max3A_79, %add3A_76 : vector<16xf32>
    %min3A_81 = vector.broadcast %jit3A_78 : f32 to vector<16xf32>
    %min3A_82 = arith.minimumf %min3A_81, %max3A_80 : vector<16xf32>
    %convert_element_type3A_83 = arith.fptosi %min3A_71 : vector<16xf32> to vector<16xi32>
    %min3A_84 = arith.constant 222 : i32
    %min3A_85 = vector.broadcast %min3A_84 : i32 to vector<16xi32>
    %min3A_86 = arith.minsi %convert_element_type3A_83, %min3A_85 : vector<16xi32>
    %convert_element_type3A_87 = arith.fptosi %min3A_82 : vector<16xf32> to vector<16xi32>
    %min3A_88 = arith.constant 222 : i32
    %min3A_89 = vector.broadcast %min3A_88 : i32 to vector<16xi32>
    %min3A_90 = arith.minsi %convert_element_type3A_87, %min3A_89 : vector<16xi32>
    %convert_element_type3A_91 = arith.sitofp %min3A_86 : vector<16xi32> to vector<16xf32>
    %sub3A_92 = arith.subf %min3A_71, %convert_element_type3A_91 : vector<16xf32>
    %swap3A = arith.constant 0 : index
    %swap3A_93 = tpu.vector_load %arg12[%swap3A] {strides = array<i32>} : memref<16xf32, #tpu.memory_space<vmem>>, vector<16xf32>,
    tpu.vector_store %arg12[%swap3A], %sub3A_92 {strides = array<i32>} : memref<16xf32, #tpu.memory_space<vmem>>, vector<16xf32>,
    %convert_element_type3A_94 = arith.sitofp %min3A_90 : vector<16xi32> to vector<16xf32>
    %sub3A_95 = arith.subf %min3A_82, %convert_element_type3A_94 : vector<16xf32>
    %swap3A_96 = arith.constant 0 : index
    %swap3A_97 = tpu.vector_load %arg14[%swap3A_96] {strides = array<i32>} : memref<16xf32, #tpu.memory_space<vmem>>, vector<16xf32>,
    tpu.vector_store %arg14[%swap3A_96], %sub3A_95 {strides = array<i32>} : memref<16xf32, #tpu.memory_space<vmem>>, vector<16xf32>,
    %mul3A_98 = arith.constant 224 : i32
    %mul3A_99 = vector.broadcast %mul3A_98 : i32 to vector<16xi32>
    %mul3A_100 = arith.muli %min3A_90, %mul3A_99 : vector<16xi32>
    %add3A_101 = vector.broadcast %mul3A_20 : i32 to vector<16xi32>
    %add3A_102 = arith.addi %add3A_101, %mul3A_100 : vector<16xi32>
    %add3A_103 = arith.addi %add3A_102, %min3A_86 : vector<16xi32>
    %swap3A_104 = arith.constant 0 : index
    %swap3A_105 = tpu.vector_load %arg16[%swap3A_104] {strides = array<i32>} : memref<64xi32, #tpu.memory_space<vmem>>, vector<16xi32>,
    tpu.vector_store %arg16[%swap3A_104], %add3A_103 {strides = array<i32>} : memref<64xi32, #tpu.memory_space<vmem>>, vector<16xi32>,
    %add3A_106 = arith.constant 1 : i32
    %add3A_107 = vector.broadcast %add3A_106 : i32 to vector<16xi32>
    %add3A_108 = arith.addi %add3A_103, %add3A_107 : vector<16xi32>
    %swap3A_109 = arith.constant 16 : index
    %swap3A_110 = tpu.vector_load %arg16[%swap3A_109] {strides = array<i32>} : memref<64xi32, #tpu.memory_space<vmem>>, vector<16xi32>,
    tpu.vector_store %arg16[%swap3A_109], %add3A_108 {strides = array<i32>} : memref<64xi32, #tpu.memory_space<vmem>>, vector<16xi32>,
    %add3A_111 = arith.constant 224 : i32
    %add3A_112 = vector.broadcast %add3A_111 : i32 to vector<16xi32>
    %add3A_113 = arith.addi %add3A_103, %add3A_112 : vector<16xi32>
    %swap3A_114 = arith.constant 32 : index
    %swap3A_115 = tpu.vector_load %arg16[%swap3A_114] {strides = array<i32>} : memref<64xi32, #tpu.memory_space<vmem>>, vector<16xi32>,
    tpu.vector_store %arg16[%swap3A_114], %add3A_113 {strides = array<i32>} : memref<64xi32, #tpu.memory_space<vmem>>, vector<16xi32>,
    %add3A_116 = arith.constant 224 : i32
    %add3A_117 = vector.broadcast %add3A_116 : i32 to vector<16xi32>
    %add3A_118 = arith.addi %add3A_103, %add3A_117 : vector<16xi32>
    %add3A_119 = arith.constant 1 : i32
    %add3A_120 = vector.broadcast %add3A_119 : i32 to vector<16xi32>
    %add3A_121 = arith.addi %add3A_118, %add3A_120 : vector<16xi32>
    %swap3A_122 = arith.constant 48 : index
    %swap3A_123 = tpu.vector_load %arg16[%swap3A_122] {strides = array<i32>} : memref<64xi32, #tpu.memory_space<vmem>>, vector<16xi32>,
    tpu.vector_store %arg16[%swap3A_122], %add3A_121 {strides = array<i32>} : memref<64xi32, #tpu.memory_space<vmem>>, vector<16xi32>,
    %dma_start3A = arith.constant 0 : i32
    %dma_start3A_124 = arith.constant 0 : i32
    %dma_start3A_125 = tpu.memref_slice %arg2[%dma_start3A, %dma_start3A_124] : memref<100352x384xf32, #tpu.memory_space<hbm>> -> memref<100352x384xf32, #tpu.memory_space<hbm>>
    tpu.enqueue_indirect_dma source(%dma_start3A_125 : memref<100352x384xf32, #tpu.memory_space<hbm>>) target(%arg8 : memref<64x384xf32, #tpu.memory_space<vmem>>) offsets(%arg16 : memref<64xi32, #tpu.memory_space<vmem>>) semaphore(%arg18 : memref<!tpu.dma_semaphore, #tpu.memory_space<semaphore_mem>>)
    %add3A_126 = arith.constant 0 : i32
    %add3A_127 = arith.addi %select_n3A_58, %add3A_126 : i32
    %get3A_128 = arith.constant 16 : index
    %get3A_129 = tpu.vector_load %arg6[%get3A_128] {strides = array<i32>} : memref<3136xf32, #tpu.memory_space<vmem>>, vector<16xf32>,
    %get3A_130 = arith.constant 16 : index
    %get3A_131 = tpu.vector_load %arg7[%get3A_130] {strides = array<i32>} : memref<3136xf32, #tpu.memory_space<vmem>>, vector<16xf32>,
    %add3A_132 = arith.constant 1.600000e+01 : f32
    %add3A_133 = vector.broadcast %add3A_132 : f32 to vector<16xf32>
    %add3A_134 = arith.addf %add3A_133, %convert_element_type3A : vector<16xf32>
    %add3A_135 = arith.addf %add3A_134, %get3A_129 : vector<16xf32>
    %jit3A_136 = arith.constant 0.000000e+00 : f32
    %jit3A_137 = arith.constant 2.230000e+02 : f32
    %max3A_138 = vector.broadcast %jit3A_136 : f32 to vector<16xf32>
    %max3A_139 = arith.maximumf %max3A_138, %add3A_135 : vector<16xf32>
    %min3A_140 = vector.broadcast %jit3A_137 : f32 to vector<16xf32>
    %min3A_141 = arith.minimumf %min3A_140, %max3A_139 : vector<16xf32>
    %convert_element_type3A_142 = arith.sitofp %add3A_127 : i32 to f32
    %mul3A_143 = arith.constant 1.000000e+00 : f32
    %mul3A_144 = arith.mulf %convert_element_type3A_142, %mul3A_143 : f32
    %add3A_145 = vector.broadcast %mul3A_144 : f32 to vector<16xf32>
    %add3A_146 = arith.addf %add3A_145, %get3A_131 : vector<16xf32>
    %jit3A_147 = arith.constant 0.000000e+00 : f32
    %jit3A_148 = arith.constant 2.230000e+02 : f32
    %max3A_149 = vector.broadcast %jit3A_147 : f32 to vector<16xf32>
    %max3A_150 = arith.maximumf %max3A_149, %add3A_146 : vector<16xf32>
    %min3A_151 = vector.broadcast %jit3A_148 : f32 to vector<16xf32>
    %min3A_152 = arith.minimumf %min3A_151, %max3A_150 : vector<16xf32>
    %convert_element_type3A_153 = arith.fptosi %min3A_141 : vector<16xf32> to vector<16xi32>
    %min3A_154 = arith.constant 222 : i32
    %min3A_155 = vector.broadcast %min3A_154 : i32 to vector<16xi32>
    %min3A_156 = arith.minsi %convert_element_type3A_153, %min3A_155 : vector<16xi32>
    %convert_element_type3A_157 = arith.fptosi %min3A_152 : vector<16xf32> to vector<16xi32>
    %min3A_158 = arith.constant 222 : i32
    %min3A_159 = vector.broadcast %min3A_158 : i32 to vector<16xi32>
    %min3A_160 = arith.minsi %convert_element_type3A_157, %min3A_159 : vector<16xi32>
    %convert_element_type3A_161 = arith.sitofp %min3A_156 : vector<16xi32> to vector<16xf32>
    %sub3A_162 = arith.subf %min3A_141, %convert_element_type3A_161 : vector<16xf32>
    %swap3A_163 = arith.constant 0 : index
    %swap3A_164 = tpu.vector_load %arg13[%swap3A_163] {strides = array<i32>} : memref<16xf32, #tpu.memory_space<vmem>>, vector<16xf32>,
    tpu.vector_store %arg13[%swap3A_163], %sub3A_162 {strides = array<i32>} : memref<16xf32, #tpu.memory_space<vmem>>, vector<16xf32>,
    %convert_element_type3A_165 = arith.sitofp %min3A_160 : vector<16xi32> to vector<16xf32>
    %sub3A_166 = arith.subf %min3A_152, %convert_element_type3A_165 : vector<16xf32>
    %swap3A_167 = arith.constant 0 : index
    %swap3A_168 = tpu.vector_load %arg15[%swap3A_167] {strides = array<i32>} : memref<16xf32, #tpu.memory_space<vmem>>, vector<16xf32>,
    tpu.vector_store %arg15[%swap3A_167], %sub3A_166 {strides = array<i32>} : memref<16xf32, #tpu.memory_space<vmem>>, vector<16xf32>,
    %mul3A_169 = arith.constant 224 : i32
    %mul3A_170 = vector.broadcast %mul3A_169 : i32 to vector<16xi32>
    %mul3A_171 = arith.muli %min3A_160, %mul3A_170 : vector<16xi32>
    %add3A_172 = vector.broadcast %mul3A_20 : i32 to vector<16xi32>
    %add3A_173 = arith.addi %add3A_172, %mul3A_171 : vector<16xi32>
    %add3A_174 = arith.addi %add3A_173, %min3A_156 : vector<16xi32>
    %swap3A_175 = arith.constant 0 : index
    %swap3A_176 = tpu.vector_load %arg17[%swap3A_175] {strides = array<i32>} : memref<64xi32, #tpu.memory_space<vmem>>, vector<16xi32>,
    tpu.vector_store %arg17[%swap3A_175], %add3A_174 {strides = array<i32>} : memref<64xi32, #tpu.memory_space<vmem>>, vector<16xi32>,
    %add3A_177 = arith.constant 1 : i32
    %add3A_178 = vector.broadcast %add3A_177 : i32 to vector<16xi32>
    %add3A_179 = arith.addi %add3A_174, %add3A_178 : vector<16xi32>
    %swap3A_180 = arith.constant 16 : index
    %swap3A_181 = tpu.vector_load %arg17[%swap3A_180] {strides = array<i32>} : memref<64xi32, #tpu.memory_space<vmem>>, vector<16xi32>,
    tpu.vector_store %arg17[%swap3A_180], %add3A_179 {strides = array<i32>} : memref<64xi32, #tpu.memory_space<vmem>>, vector<16xi32>,
    %add3A_182 = arith.constant 224 : i32
    %add3A_183 = vector.broadcast %add3A_182 : i32 to vector<16xi32>
    %add3A_184 = arith.addi %add3A_174, %add3A_183 : vector<16xi32>
    %swap3A_185 = arith.constant 32 : index
    %swap3A_186 = tpu.vector_load %arg17[%swap3A_185] {strides = array<i32>} : memref<64xi32, #tpu.memory_space<vmem>>, vector<16xi32>,
    tpu.vector_store %arg17[%swap3A_185], %add3A_184 {strides = array<i32>} : memref<64xi32, #tpu.memory_space<vmem>>, vector<16xi32>,
    %add3A_187 = arith.constant 224 : i32
    %add3A_188 = vector.broadcast %add3A_187 : i32 to vector<16xi32>
    %add3A_189 = arith.addi %add3A_174, %add3A_188 : vector<16xi32>
    %add3A_190 = arith.constant 1 : i32
    %add3A_191 = vector.broadcast %add3A_190 : i32 to vector<16xi32>
    %add3A_192 = arith.addi %add3A_189, %add3A_191 : vector<16xi32>
    %swap3A_193 = arith.constant 48 : index
    %swap3A_194 = tpu.vector_load %arg17[%swap3A_193] {strides = array<i32>} : memref<64xi32, #tpu.memory_space<vmem>>, vector<16xi32>,
    tpu.vector_store %arg17[%swap3A_193], %add3A_192 {strides = array<i32>} : memref<64xi32, #tpu.memory_space<vmem>>, vector<16xi32>,
    %dma_start3A_195 = arith.constant 0 : i32
    %dma_start3A_196 = arith.constant 0 : i32
    %dma_start3A_197 = tpu.memref_slice %arg2[%dma_start3A_195, %dma_start3A_196] : memref<100352x384xf32, #tpu.memory_space<hbm>> -> memref<100352x384xf32, #tpu.memory_space<hbm>>
    tpu.enqueue_indirect_dma source(%dma_start3A_197 : memref<100352x384xf32, #tpu.memory_space<hbm>>) target(%arg9 : memref<64x384xf32, #tpu.memory_space<vmem>>) offsets(%arg17 : memref<64xi32, #tpu.memory_space<vmem>>) semaphore(%arg19 : memref<!tpu.dma_semaphore, #tpu.memory_space<semaphore_mem>>)
    %scan3A = arith.constant 0 : i32
    %scan3A_198 = arith.constant 98 : i32
    %scan3A_199 = arith.addi %scan3A, %scan3A_198 : i32
    %scan3A_200 = arith.constant 1 : i32
    scf.for %scan3A_209 = %scan3A to %scan3A_199 step %scan3A_200  : i32 {
      %mul3A_210 = arith.constant 2 : i32
      %mul3A_211 = arith.muli %scan3A_209, %mul3A_210 : i32
      %add3A_212 = arith.constant 0 : i32
      %add3A_213 = arith.addi %add3A_212, %mul3A_211 : i32
      %dma_wait3A_214 = arith.constant 0 : i32
      %dma_wait3A_215 = arith.constant 0 : i32
      %dma_wait3A_216 = tpu.memref_slice %arg2[%dma_wait3A_214, %dma_wait3A_215] : memref<100352x384xf32, #tpu.memory_space<hbm>> -> memref<64x384xf32, #tpu.memory_space<hbm>>
      %dma_wait3A_217 = arith.constant 0 : i32
      %dma_wait3A_218 = arith.constant 0 : i32
      %dma_wait3A_219 = tpu.memref_slice %arg2[%dma_wait3A_217, %dma_wait3A_218] : memref<100352x384xf32, #tpu.memory_space<hbm>> -> memref<64x384xf32, #tpu.memory_space<hbm>>
      tpu.wait_dma2 semaphore(%arg18 : memref<!tpu.dma_semaphore, #tpu.memory_space<semaphore_mem>>) src(%dma_wait3A_219 : memref<64x384xf32, #tpu.memory_space<hbm>>) dst(%arg8 : memref<64x384xf32, #tpu.memory_space<vmem>>)
      %ge3A = arith.constant 2 : i32
      %ge3A_220 = arith.cmpi sge, %add3A_213, %ge3A : i32
      %convert_element_type3A_221 = arith.extui %ge3A_220 : i1 to i32
      %cond3A = arith.constant 0 : i32
      %cond3A_222 = arith.cmpi ne, %convert_element_type3A_221, %cond3A : i32
      scf.if %cond3A_222 {
        %dma_wait3A_274 = arith.constant 0 : i32
        %dma_wait3A_275 = tpu.memref_slice %arg5[%mul3A_2, %dma_wait3A_274] : memref<100352x384xf32, #tpu.memory_space<hbm>> -> memref<16x384xf32, #tpu.memory_space<hbm>>
        %dma_wait3A_276 = arith.constant 0 : i32
        %dma_wait3A_277 = tpu.memref_slice %arg5[%mul3A_2, %dma_wait3A_276] : memref<100352x384xf32, #tpu.memory_space<hbm>> -> memref<16x384xf32, #tpu.memory_space<hbm>>
        tpu.wait_dma2 semaphore(%arg20 : memref<!tpu.dma_semaphore, #tpu.memory_space<semaphore_mem>>) src(%arg10 : memref<16x384xf32, #tpu.memory_space<vmem>>) dst(%dma_wait3A_277 : memref<16x384xf32, #tpu.memory_space<hbm>>)
      } else {
      }
      %scan3A_223 = arith.constant 0 : i32
      %scan3A_224 = arith.constant 16 : i32
      %scan3A_225 = arith.addi %scan3A_223, %scan3A_224 : i32
      %scan3A_226 = arith.constant 1 : i32
      scf.for %scan3A_274 = %scan3A_223 to %scan3A_225 step %scan3A_226  : i32 {
        %mul3A_275 = arith.constant 1 : i32
        %mul3A_276 = arith.muli %scan3A_274, %mul3A_275 : i32
        %add3A_277 = arith.constant 0 : i32
        %add3A_278 = arith.addi %add3A_277, %mul3A_276 : i32
        %broadcast_in_dim3A = arith.constant 0 : i32
        %broadcast_in_dim3A_279 = vector.broadcast %broadcast_in_dim3A : i32 to vector<16xi32>
        %add3A_280 = vector.broadcast %add3A_278 : i32 to vector<16xi32>
        %add3A_281 = arith.addi %broadcast_in_dim3A_279, %add3A_280 : vector<16xi32>
        %gather3A = tpu.vector_load_idx %arg12[%add3A_281] : memref<16xf32, #tpu.memory_space<vmem>>[vector<16xi32>], vector<16xf32>,
        %gather3A_282 = tpu.vector_load_idx %arg14[%add3A_281] : memref<16xf32, #tpu.memory_space<vmem>>[vector<16xi32>], vector<16xf32>,
        %sub3A_283 = arith.constant 1.000000e+00 : f32
        %sub3A_284 = vector.broadcast %sub3A_283 : f32 to vector<16xf32>
        %sub3A_285 = arith.subf %sub3A_284, %gather3A : vector<16xf32>
        %sub3A_286 = arith.constant 1.000000e+00 : f32
        %sub3A_287 = vector.broadcast %sub3A_286 : f32 to vector<16xf32>
        %sub3A_288 = arith.subf %sub3A_287, %gather3A_282 : vector<16xf32>
        %mul3A_289 = arith.mulf %sub3A_285, %sub3A_288 : vector<16xf32>
        %sub3A_290 = arith.constant 1.000000e+00 : f32
        %sub3A_291 = vector.broadcast %sub3A_290 : f32 to vector<16xf32>
        %sub3A_292 = arith.subf %sub3A_291, %gather3A_282 : vector<16xf32>
        %mul3A_293 = arith.mulf %gather3A, %sub3A_292 : vector<16xf32>
        %sub3A_294 = arith.constant 1.000000e+00 : f32
        %sub3A_295 = vector.broadcast %sub3A_294 : f32 to vector<16xf32>
        %sub3A_296 = arith.subf %sub3A_295, %gather3A : vector<16xf32>
        %mul3A_297 = arith.mulf %sub3A_296, %gather3A_282 : vector<16xf32>
        %mul3A_298 = arith.mulf %gather3A, %gather3A_282 : vector<16xf32>
        %add3A_299 = arith.constant 0 : i32
        %add3A_300 = arith.addi %add3A_299, %add3A_278 : i32
        %get3A_301 = arith.index_cast %add3A_300 : i32 to index
        %get3A_302 = arith.constant 0 : index
        %get3A_303 = tpu.vector_load %arg8[%get3A_301, %get3A_302] {strides = array<i32>} : memref<64x384xf32, #tpu.memory_space<vmem>>, vector<16xf32>,
        %mul3A_304 = arith.mulf %get3A_303, %mul3A_289 : vector<16xf32>
        %add3A_305 = arith.constant 16 : i32
        %add3A_306 = arith.addi %add3A_305, %add3A_278 : i32
        %get3A_307 = arith.index_cast %add3A_306 : i32 to index
        %get3A_308 = arith.constant 0 : index
        %get3A_309 = tpu.vector_load %arg8[%get3A_307, %get3A_308] {strides = array<i32>} : memref<64x384xf32, #tpu.memory_space<vmem>>, vector<16xf32>,
        %mul3A_310 = arith.mulf %get3A_309, %mul3A_293 : vector<16xf32>
        %add3A_311 = arith.addf %mul3A_304, %mul3A_310 : vector<16xf32>
        %add3A_312 = arith.constant 32 : i32
        %add3A_313 = arith.addi %add3A_312, %add3A_278 : i32
        %get3A_314 = arith.index_cast %add3A_313 : i32 to index
        %get3A_315 = arith.constant 0 : index
        %get3A_316 = tpu.vector_load %arg8[%get3A_314, %get3A_315] {strides = array<i32>} : memref<64x384xf32, #tpu.memory_space<vmem>>, vector<16xf32>,
        %mul3A_317 = arith.mulf %get3A_316, %mul3A_297 : vector<16xf32>
        %add3A_318 = arith.addf %add3A_311, %mul3A_317 : vector<16xf32>
        %add3A_319 = arith.constant 48 : i32
        %add3A_320 = arith.addi %add3A_319, %add3A_278 : i32
        %get3A_321 = arith.index_cast %add3A_320 : i32 to index
        %get3A_322 = arith.constant 0 : index
        %get3A_323 = tpu.vector_load %arg8[%get3A_321, %get3A_322] {strides = array<i32>} : memref<64x384xf32, #tpu.memory_space<vmem>>, vector<16xf32>,
        %mul3A_324 = arith.mulf %get3A_323, %mul3A_298 : vector<16xf32>
        %add3A_325 = arith.addf %add3A_318, %mul3A_324 : vector<16xf32>
        %swap3A_326 = arith.index_cast %add3A_278 : i32 to index
        %swap3A_327 = arith.constant 0 : index
        %swap3A_328 = tpu.vector_load %arg10[%swap3A_326, %swap3A_327] {strides = array<i32>} : memref<16x384xf32, #tpu.memory_space<vmem>>, vector<16xf32>,
        tpu.vector_store %arg10[%swap3A_326, %swap3A_327], %add3A_325 {strides = array<i32>} : memref<16x384xf32, #tpu.memory_space<vmem>>, vector<16xf32>,
        %add3A_329 = arith.constant 0 : i32
        %add3A_330 = arith.addi %add3A_329, %add3A_278 : i32
        %get3A_331 = arith.index_cast %add3A_330 : i32 to index
        %get3A_332 = arith.constant 16 : index
        %get3A_333 = tpu.vector_load %arg8[%get3A_331, %get3A_332] {strides = array<i32>} : memref<64x384xf32, #tpu.memory_space<vmem>>, vector<16xf32>,
        %mul3A_334 = arith.mulf %get3A_333, %mul3A_289 : vector<16xf32>
        %add3A_335 = arith.constant 16 : i32
        %add3A_336 = arith.addi %add3A_335, %add3A_278 : i32
        %get3A_337 = arith.index_cast %add3A_336 : i32 to index
        %get3A_338 = arith.constant 16 : index
        %get3A_339 = tpu.vector_load %arg8[%get3A_337, %get3A_338] {strides = array<i32>} : memref<64x384xf32, #tpu.memory_space<vmem>>, vector<16xf32>,
        %mul3A_340 = arith.mulf %get3A_339, %mul3A_293 : vector<16xf32>
        %add3A_341 = arith.addf %mul3A_334, %mul3A_340 : vector<16xf32>
        %add3A_342 = arith.constant 32 : i32
        %add3A_343 = arith.addi %add3A_342, %add3A_278 : i32
        %get3A_344 = arith.index_cast %add3A_343 : i32 to index
        %get3A_345 = arith.constant 16 : index
        %get3A_346 = tpu.vector_load %arg8[%get3A_344, %get3A_345] {strides = array<i32>} : memref<64x384xf32, #tpu.memory_space<vmem>>, vector<16xf32>,
        %mul3A_347 = arith.mulf %get3A_346, %mul3A_297 : vector<16xf32>
        %add3A_348 = arith.addf %add3A_341, %mul3A_347 : vector<16xf32>
        %add3A_349 = arith.constant 48 : i32
        %add3A_350 = arith.addi %add3A_349, %add3A_278 : i32
        %get3A_351 = arith.index_cast %add3A_350 : i32 to index
        %get3A_352 = arith.constant 16 : index
        %get3A_353 = tpu.vector_load %arg8[%get3A_351, %get3A_352] {strides = array<i32>} : memref<64x384xf32, #tpu.memory_space<vmem>>, vector<16xf32>,
        %mul3A_354 = arith.mulf %get3A_353, %mul3A_298 : vector<16xf32>
        %add3A_355 = arith.addf %add3A_348, %mul3A_354 : vector<16xf32>
        %swap3A_356 = arith.index_cast %add3A_278 : i32 to index
        %swap3A_357 = arith.constant 16 : index
        %swap3A_358 = tpu.vector_load %arg10[%swap3A_356, %swap3A_357] {strides = array<i32>} : memref<16x384xf32, #tpu.memory_space<vmem>>, vector<16xf32>,
        tpu.vector_store %arg10[%swap3A_356, %swap3A_357], %add3A_355 {strides = array<i32>} : memref<16x384xf32, #tpu.memory_space<vmem>>, vector<16xf32>,
        %add3A_359 = arith.constant 0 : i32
        %add3A_360 = arith.addi %add3A_359, %add3A_278 : i32
        %get3A_361 = arith.index_cast %add3A_360 : i32 to index
        %get3A_362 = arith.constant 32 : index
        %get3A_363 = tpu.vector_load %arg8[%get3A_361, %get3A_362] {strides = array<i32>} : memref<64x384xf32, #tpu.memory_space<vmem>>, vector<16xf32>,
        %mul3A_364 = arith.mulf %get3A_363, %mul3A_289 : vector<16xf32>
        %add3A_365 = arith.constant 16 : i32
        %add3A_366 = arith.addi %add3A_365, %add3A_278 : i32
        %get3A_367 = arith.index_cast %add3A_366 : i32 to index
        %get3A_368 = arith.constant 32 : index
        %get3A_369 = tpu.vector_load %arg8[%get3A_367, %get3A_368] {strides = array<i32>} : memref<64x384xf32, #tpu.memory_space<vmem>>, vector<16xf32>,
        %mul3A_370 = arith.mulf %get3A_369, %mul3A_293 : vector<16xf32>
        %add3A_371 = arith.addf %mul3A_364, %mul3A_370 : vector<16xf32>
        %add3A_372 = arith.constant 32 : i32
        %add3A_373 = arith.addi %add3A_372, %add3A_278 : i32
        %get3A_374 = arith.index_cast %add3A_373 : i32 to index
        %get3A_375 = arith.constant 32 : index
        %get3A_376 = tpu.vector_load %arg8[%get3A_374, %get3A_375] {strides = array<i32>} : memref<64x384xf32, #tpu.memory_space<vmem>>, vector<16xf32>,
        %mul3A_377 = arith.mulf %get3A_376, %mul3A_297 : vector<16xf32>
        %add3A_378 = arith.addf %add3A_371, %mul3A_377 : vector<16xf32>
        %add3A_379 = arith.constant 48 : i32
        %add3A_380 = arith.addi %add3A_379, %add3A_278 : i32
        %get3A_381 = arith.index_cast %add3A_380 : i32 to index
        %get3A_382 = arith.constant 32 : index
        %get3A_383 = tpu.vector_load %arg8[%get3A_381, %get3A_382] {strides = array<i32>} : memref<64x384xf32, #tpu.memory_space<vmem>>, vector<16xf32>,
        %mul3A_384 = arith.mulf %get3A_383, %mul3A_298 : vector<16xf32>
        %add3A_385 = arith.addf %add3A_378, %mul3A_384 : vector<16xf32>
        %swap3A_386 = arith.index_cast %add3A_278 : i32 to index
        %swap3A_387 = arith.constant 32 : index
        %swap3A_388 = tpu.vector_load %arg10[%swap3A_386, %swap3A_387] {strides = array<i32>} : memref<16x384xf32, #tpu.memory_space<vmem>>, vector<16xf32>,
        tpu.vector_store %arg10[%swap3A_386, %swap3A_387], %add3A_385 {strides = array<i32>} : memref<16x384xf32, #tpu.memory_space<vmem>>, vector<16xf32>,
        %add3A_389 = arith.constant 0 : i32
        %add3A_390 = arith.addi %add3A_389, %add3A_278 : i32
        %get3A_391 = arith.index_cast %add3A_390 : i32 to index
        %get3A_392 = arith.constant 48 : index
        %get3A_393 = tpu.vector_load %arg8[%get3A_391, %get3A_392] {strides = array<i32>} : memref<64x384xf32, #tpu.memory_space<vmem>>, vector<16xf32>,
        %mul3A_394 = arith.mulf %get3A_393, %mul3A_289 : vector<16xf32>
        %add3A_395 = arith.constant 16 : i32
        %add3A_396 = arith.addi %add3A_395, %add3A_278 : i32
        %get3A_397 = arith.index_cast %add3A_396 : i32 to index
        %get3A_398 = arith.constant 48 : index
        %get3A_399 = tpu.vector_load %arg8[%get3A_397, %get3A_398] {strides = array<i32>} : memref<64x384xf32, #tpu.memory_space<vmem>>, vector<16xf32>,
        %mul3A_400 = arith.mulf %get3A_399, %mul3A_293 : vector<16xf32>
        %add3A_401 = arith.addf %mul3A_394, %mul3A_400 : vector<16xf32>
        %add3A_402 = arith.constant 32 : i32
        %add3A_403 = arith.addi %add3A_402, %add3A_278 : i32
        %get3A_404 = arith.index_cast %add3A_403 : i32 to index
        %get3A_405 = arith.constant 48 : index
        %get3A_406 = tpu.vector_load %arg8[%get3A_404, %get3A_405] {strides = array<i32>} : memref<64x384xf32, #tpu.memory_space<vmem>>, vector<16xf32>,
        %mul3A_407 = arith.mulf %get3A_406, %mul3A_297 : vector<16xf32>
        %add3A_408 = arith.addf %add3A_401, %mul3A_407 : vector<16xf32>
        %add3A_409 = arith.constant 48 : i32
        %add3A_410 = arith.addi %add3A_409, %add3A_278 : i32
        %get3A_411 = arith.index_cast %add3A_410 : i32 to index
        %get3A_412 = arith.constant 48 : index
        %get3A_413 = tpu.vector_load %arg8[%get3A_411, %get3A_412] {strides = array<i32>} : memref<64x384xf32, #tpu.memory_space<vmem>>, vector<16xf32>,
        %mul3A_414 = arith.mulf %get3A_413, %mul3A_298 : vector<16xf32>
        %add3A_415 = arith.addf %add3A_408, %mul3A_414 : vector<16xf32>
        %swap3A_416 = arith.index_cast %add3A_278 : i32 to index
        %swap3A_417 = arith.constant 48 : index
        %swap3A_418 = tpu.vector_load %arg10[%swap3A_416, %swap3A_417] {strides = array<i32>} : memref<16x384xf32, #tpu.memory_space<vmem>>, vector<16xf32>,
        tpu.vector_store %arg10[%swap3A_416, %swap3A_417], %add3A_415 {strides = array<i32>} : memref<16x384xf32, #tpu.memory_space<vmem>>, vector<16xf32>,
        %add3A_419 = arith.constant 0 : i32
        %add3A_420 = arith.addi %add3A_419, %add3A_278 : i32
        %get3A_421 = arith.index_cast %add3A_420 : i32 to index
        %get3A_422 = arith.constant 64 : index
        %get3A_423 = tpu.vector_load %arg8[%get3A_421, %get3A_422] {strides = array<i32>} : memref<64x384xf32, #tpu.memory_space<vmem>>, vector<16xf32>,
        %mul3A_424 = arith.mulf %get3A_423, %mul3A_289 : vector<16xf32>
        %add3A_425 = arith.constant 16 : i32
        %add3A_426 = arith.addi %add3A_425, %add3A_278 : i32
        %get3A_427 = arith.index_cast %add3A_426 : i32 to index
        %get3A_428 = arith.constant 64 : index
        %get3A_429 = tpu.vector_load %arg8[%get3A_427, %get3A_428] {strides = array<i32>} : memref<64x384xf32, #tpu.memory_space<vmem>>, vector<16xf32>,
        %mul3A_430 = arith.mulf %get3A_429, %mul3A_293 : vector<16xf32>
        %add3A_431 = arith.addf %mul3A_424, %mul3A_430 : vector<16xf32>
        %add3A_432 = arith.constant 32 : i32
        %add3A_433 = arith.addi %add3A_432, %add3A_278 : i32
        %get3A_434 = arith.index_cast %add3A_433 : i32 to index
        %get3A_435 = arith.constant 64 : index
        %get3A_436 = tpu.vector_load %arg8[%get3A_434, %get3A_435] {strides = array<i32>} : memref<64x384xf32, #tpu.memory_space<vmem>>, vector<16xf32>,
        %mul3A_437 = arith.mulf %get3A_436, %mul3A_297 : vector<16xf32>
        %add3A_438 = arith.addf %add3A_431, %mul3A_437 : vector<16xf32>
        %add3A_439 = arith.constant 48 : i32
        %add3A_440 = arith.addi %add3A_439, %add3A_278 : i32
        %get3A_441 = arith.index_cast %add3A_440 : i32 to index
        %get3A_442 = arith.constant 64 : index
        %get3A_443 = tpu.vector_load %arg8[%get3A_441, %get3A_442] {strides = array<i32>} : memref<64x384xf32, #tpu.memory_space<vmem>>, vector<16xf32>,
        %mul3A_444 = arith.mulf %get3A_443, %mul3A_298 : vector<16xf32>
        %add3A_445 = arith.addf %add3A_438, %mul3A_444 : vector<16xf32>
        %swap3A_446 = arith.index_cast %add3A_278 : i32 to index
        %swap3A_447 = arith.constant 64 : index
        %swap3A_448 = tpu.vector_load %arg10[%swap3A_446, %swap3A_447] {strides = array<i32>} : memref<16x384xf32, #tpu.memory_space<vmem>>, vector<16xf32>,
        tpu.vector_store %arg10[%swap3A_446, %swap3A_447], %add3A_445 {strides = array<i32>} : memref<16x384xf32, #tpu.memory_space<vmem>>, vector<16xf32>,
        %add3A_449 = arith.constant 0 : i32
        %add3A_450 = arith.addi %add3A_449, %add3A_278 : i32
        %get3A_451 = arith.index_cast %add3A_450 : i32 to index
        %get3A_452 = arith.constant 80 : index
        %get3A_453 = tpu.vector_load %arg8[%get3A_451, %get3A_452] {strides = array<i32>} : memref<64x384xf32, #tpu.memory_space<vmem>>, vector<16xf32>,
        %mul3A_454 = arith.mulf %get3A_453, %mul3A_289 : vector<16xf32>
        %add3A_455 = arith.constant 16 : i32
        %add3A_456 = arith.addi %add3A_455, %add3A_278 : i32
        %get3A_457 = arith.index_cast %add3A_456 : i32 to index
        %get3A_458 = arith.constant 80 : index
        %get3A_459 = tpu.vector_load %arg8[%get3A_457, %get3A_458] {strides = array<i32>} : memref<64x384xf32, #tpu.memory_space<vmem>>, vector<16xf32>,
        %mul3A_460 = arith.mulf %get3A_459, %mul3A_293 : vector<16xf32>
        %add3A_461 = arith.addf %mul3A_454, %mul3A_460 : vector<16xf32>
        %add3A_462 = arith.constant 32 : i32
        %add3A_463 = arith.addi %add3A_462, %add3A_278 : i32
        %get3A_464 = arith.index_cast %add3A_463 : i32 to index
        %get3A_465 = arith.constant 80 : index
        %get3A_466 = tpu.vector_load %arg8[%get3A_464, %get3A_465] {strides = array<i32>} : memref<64x384xf32, #tpu.memory_space<vmem>>, vector<16xf32>,
        %mul3A_467 = arith.mulf %get3A_466, %mul3A_297 : vector<16xf32>
        %add3A_468 = arith.addf %add3A_461, %mul3A_467 : vector<16xf32>
        %add3A_469 = arith.constant 48 : i32
        %add3A_470 = arith.addi %add3A_469, %add3A_278 : i32
        %get3A_471 = arith.index_cast %add3A_470 : i32 to index
        %get3A_472 = arith.constant 80 : index
        %get3A_473 = tpu.vector_load %arg8[%get3A_471, %get3A_472] {strides = array<i32>} : memref<64x384xf32, #tpu.memory_space<vmem>>, vector<16xf32>,
        %mul3A_474 = arith.mulf %get3A_473, %mul3A_298 : vector<16xf32>
        %add3A_475 = arith.addf %add3A_468, %mul3A_474 : vector<16xf32>
        %swap3A_476 = arith.index_cast %add3A_278 : i32 to index
        %swap3A_477 = arith.constant 80 : index
        %swap3A_478 = tpu.vector_load %arg10[%swap3A_476, %swap3A_477] {strides = array<i32>} : memref<16x384xf32, #tpu.memory_space<vmem>>, vector<16xf32>,
        tpu.vector_store %arg10[%swap3A_476, %swap3A_477], %add3A_475 {strides = array<i32>} : memref<16x384xf32, #tpu.memory_space<vmem>>, vector<16xf32>,
        %add3A_479 = arith.constant 0 : i32
        %add3A_480 = arith.addi %add3A_479, %add3A_278 : i32
        %get3A_481 = arith.index_cast %add3A_480 : i32 to index
        %get3A_482 = arith.constant 96 : index
        %get3A_483 = tpu.vector_load %arg8[%get3A_481, %get3A_482] {strides = array<i32>} : memref<64x384xf32, #tpu.memory_space<vmem>>, vector<16xf32>,
        %mul3A_484 = arith.mulf %get3A_483, %mul3A_289 : vector<16xf32>
        %add3A_485 = arith.constant 16 : i32
        %add3A_486 = arith.addi %add3A_485, %add3A_278 : i32
        %get3A_487 = arith.index_cast %add3A_486 : i32 to index
        %get3A_488 = arith.constant 96 : index
        %get3A_489 = tpu.vector_load %arg8[%get3A_487, %get3A_488] {strides = array<i32>} : memref<64x384xf32, #tpu.memory_space<vmem>>, vector<16xf32>,
        %mul3A_490 = arith.mulf %get3A_489, %mul3A_293 : vector<16xf32>
        %add3A_491 = arith.addf %mul3A_484, %mul3A_490 : vector<16xf32>
        %add3A_492 = arith.constant 32 : i32
        %add3A_493 = arith.addi %add3A_492, %add3A_278 : i32
        %get3A_494 = arith.index_cast %add3A_493 : i32 to index
        %get3A_495 = arith.constant 96 : index
        %get3A_496 = tpu.vector_load %arg8[%get3A_494, %get3A_495] {strides = array<i32>} : memref<64x384xf32, #tpu.memory_space<vmem>>, vector<16xf32>,
        %mul3A_497 = arith.mulf %get3A_496, %mul3A_297 : vector<16xf32>
        %add3A_498 = arith.addf %add3A_491, %mul3A_497 : vector<16xf32>
        %add3A_499 = arith.constant 48 : i32
        %add3A_500 = arith.addi %add3A_499, %add3A_278 : i32
        %get3A_501 = arith.index_cast %add3A_500 : i32 to index
        %get3A_502 = arith.constant 96 : index
        %get3A_503 = tpu.vector_load %arg8[%get3A_501, %get3A_502] {strides = array<i32>} : memref<64x384xf32, #tpu.memory_space<vmem>>, vector<16xf32>,
        %mul3A_504 = arith.mulf %get3A_503, %mul3A_298 : vector<16xf32>
        %add3A_505 = arith.addf %add3A_498, %mul3A_504 : vector<16xf32>
        %swap3A_506 = arith.index_cast %add3A_278 : i32 to index
        %swap3A_507 = arith.constant 96 : index
        %swap3A_508 = tpu.vector_load %arg10[%swap3A_506, %swap3A_507] {strides = array<i32>} : memref<16x384xf32, #tpu.memory_space<vmem>>, vector<16xf32>,
        tpu.vector_store %arg10[%swap3A_506, %swap3A_507], %add3A_505 {strides = array<i32>} : memref<16x384xf32, #tpu.memory_space<vmem>>, vector<16xf32>,
        %add3A_509 = arith.constant 0 : i32
        %add3A_510 = arith.addi %add3A_509, %add3A_278 : i32
        %get3A_511 = arith.index_cast %add3A_510 : i32 to index
        %get3A_512 = arith.constant 112 : index
        %get3A_513 = tpu.vector_load %arg8[%get3A_511, %get3A_512] {strides = array<i32>} : memref<64x384xf32, #tpu.memory_space<vmem>>, vector<16xf32>,
        %mul3A_514 = arith.mulf %get3A_513, %mul3A_289 : vector<16xf32>
        %add3A_515 = arith.constant 16 : i32
        %add3A_516 = arith.addi %add3A_515, %add3A_278 : i32
        %get3A_517 = arith.index_cast %add3A_516 : i32 to index
        %get3A_518 = arith.constant 112 : index
        %get3A_519 = tpu.vector_load %arg8[%get3A_517, %get3A_518] {strides = array<i32>} : memref<64x384xf32, #tpu.memory_space<vmem>>, vector<16xf32>,
        %mul3A_520 = arith.mulf %get3A_519, %mul3A_293 : vector<16xf32>
        %add3A_521 = arith.addf %mul3A_514, %mul3A_520 : vector<16xf32>
        %add3A_522 = arith.constant 32 : i32
        %add3A_523 = arith.addi %add3A_522, %add3A_278 : i32
        %get3A_524 = arith.index_cast %add3A_523 : i32 to index
        %get3A_525 = arith.constant 112 : index
        %get3A_526 = tpu.vector_load %arg8[%get3A_524, %get3A_525] {strides = array<i32>} : memref<64x384xf32, #tpu.memory_space<vmem>>, vector<16xf32>,
        %mul3A_527 = arith.mulf %get3A_526, %mul3A_297 : vector<16xf32>
        %add3A_528 = arith.addf %add3A_521, %mul3A_527 : vector<16xf32>
        %add3A_529 = arith.constant 48 : i32
        %add3A_530 = arith.addi %add3A_529, %add3A_278 : i32
        %get3A_531 = arith.index_cast %add3A_530 : i32 to index
        %get3A_532 = arith.constant 112 : index
        %get3A_533 = tpu.vector_load %arg8[%get3A_531, %get3A_532] {strides = array<i32>} : memref<64x384xf32, #tpu.memory_space<vmem>>, vector<16xf32>,
        %mul3A_534 = arith.mulf %get3A_533, %mul3A_298 : vector<16xf32>
        %add3A_535 = arith.addf %add3A_528, %mul3A_534 : vector<16xf32>
        %swap3A_536 = arith.index_cast %add3A_278 : i32 to index
        %swap3A_537 = arith.constant 112 : index
        %swap3A_538 = tpu.vector_load %arg10[%swap3A_536, %swap3A_537] {strides = array<i32>} : memref<16x384xf32, #tpu.memory_space<vmem>>, vector<16xf32>,
        tpu.vector_store %arg10[%swap3A_536, %swap3A_537], %add3A_535 {strides = array<i32>} : memref<16x384xf32, #tpu.memory_space<vmem>>, vector<16xf32>,
        %add3A_539 = arith.constant 0 : i32
        %add3A_540 = arith.addi %add3A_539, %add3A_278 : i32
        %get3A_541 = arith.index_cast %add3A_540 : i32 to index
        %get3A_542 = arith.constant 128 : index
        %get3A_543 = tpu.vector_load %arg8[%get3A_541, %get3A_542] {strides = array<i32>} : memref<64x384xf32, #tpu.memory_space<vmem>>, vector<16xf32>,
        %mul3A_544 = arith.mulf %get3A_543, %mul3A_289 : vector<16xf32>
        %add3A_545 = arith.constant 16 : i32
        %add3A_546 = arith.addi %add3A_545, %add3A_278 : i32
        %get3A_547 = arith.index_cast %add3A_546 : i32 to index
        %get3A_548 = arith.constant 128 : index
        %get3A_549 = tpu.vector_load %arg8[%get3A_547, %get3A_548] {strides = array<i32>} : memref<64x384xf32, #tpu.memory_space<vmem>>, vector<16xf32>,
        %mul3A_550 = arith.mulf %get3A_549, %mul3A_293 : vector<16xf32>
        %add3A_551 = arith.addf %mul3A_544, %mul3A_550 : vector<16xf32>
        %add3A_552 = arith.constant 32 : i32
        %add3A_553 = arith.addi %add3A_552, %add3A_278 : i32
        %get3A_554 = arith.index_cast %add3A_553 : i32 to index
        %get3A_555 = arith.constant 128 : index
        %get3A_556 = tpu.vector_load %arg8[%get3A_554, %get3A_555] {strides = array<i32>} : memref<64x384xf32, #tpu.memory_space<vmem>>, vector<16xf32>,
        %mul3A_557 = arith.mulf %get3A_556, %mul3A_297 : vector<16xf32>
        %add3A_558 = arith.addf %add3A_551, %mul3A_557 : vector<16xf32>
        %add3A_559 = arith.constant 48 : i32
        %add3A_560 = arith.addi %add3A_559, %add3A_278 : i32
        %get3A_561 = arith.index_cast %add3A_560 : i32 to index
        %get3A_562 = arith.constant 128 : index
        %get3A_563 = tpu.vector_load %arg8[%get3A_561, %get3A_562] {strides = array<i32>} : memref<64x384xf32, #tpu.memory_space<vmem>>, vector<16xf32>,
        %mul3A_564 = arith.mulf %get3A_563, %mul3A_298 : vector<16xf32>
        %add3A_565 = arith.addf %add3A_558, %mul3A_564 : vector<16xf32>
        %swap3A_566 = arith.index_cast %add3A_278 : i32 to index
        %swap3A_567 = arith.constant 128 : index
        %swap3A_568 = tpu.vector_load %arg10[%swap3A_566, %swap3A_567] {strides = array<i32>} : memref<16x384xf32, #tpu.memory_space<vmem>>, vector<16xf32>,
        tpu.vector_store %arg10[%swap3A_566, %swap3A_567], %add3A_565 {strides = array<i32>} : memref<16x384xf32, #tpu.memory_space<vmem>>, vector<16xf32>,
        %add3A_569 = arith.constant 0 : i32
        %add3A_570 = arith.addi %add3A_569, %add3A_278 : i32
        %get3A_571 = arith.index_cast %add3A_570 : i32 to index
        %get3A_572 = arith.constant 144 : index
        %get3A_573 = tpu.vector_load %arg8[%get3A_571, %get3A_572] {strides = array<i32>} : memref<64x384xf32, #tpu.memory_space<vmem>>, vector<16xf32>,
        %mul3A_574 = arith.mulf %get3A_573, %mul3A_289 : vector<16xf32>
        %add3A_575 = arith.constant 16 : i32
        %add3A_576 = arith.addi %add3A_575, %add3A_278 : i32
        %get3A_577 = arith.index_cast %add3A_576 : i32 to index
        %get3A_578 = arith.constant 144 : index
        %get3A_579 = tpu.vector_load %arg8[%get3A_577, %get3A_578] {strides = array<i32>} : memref<64x384xf32, #tpu.memory_space<vmem>>, vector<16xf32>,
        %mul3A_580 = arith.mulf %get3A_579, %mul3A_293 : vector<16xf32>
        %add3A_581 = arith.addf %mul3A_574, %mul3A_580 : vector<16xf32>
        %add3A_582 = arith.constant 32 : i32
        %add3A_583 = arith.addi %add3A_582, %add3A_278 : i32
        %get3A_584 = arith.index_cast %add3A_583 : i32 to index
        %get3A_585 = arith.constant 144 : index
        %get3A_586 = tpu.vector_load %arg8[%get3A_584, %get3A_585] {strides = array<i32>} : memref<64x384xf32, #tpu.memory_space<vmem>>, vector<16xf32>,
        %mul3A_587 = arith.mulf %get3A_586, %mul3A_297 : vector<16xf32>
        %add3A_588 = arith.addf %add3A_581, %mul3A_587 : vector<16xf32>
        %add3A_589 = arith.constant 48 : i32
        %add3A_590 = arith.addi %add3A_589, %add3A_278 : i32
        %get3A_591 = arith.index_cast %add3A_590 : i32 to index
        %get3A_592 = arith.constant 144 : index
        %get3A_593 = tpu.vector_load %arg8[%get3A_591, %get3A_592] {strides = array<i32>} : memref<64x384xf32, #tpu.memory_space<vmem>>, vector<16xf32>,
        %mul3A_594 = arith.mulf %get3A_593, %mul3A_298 : vector<16xf32>
        %add3A_595 = arith.addf %add3A_588, %mul3A_594 : vector<16xf32>
        %swap3A_596 = arith.index_cast %add3A_278 : i32 to index
        %swap3A_597 = arith.constant 144 : index
        %swap3A_598 = tpu.vector_load %arg10[%swap3A_596, %swap3A_597] {strides = array<i32>} : memref<16x384xf32, #tpu.memory_space<vmem>>, vector<16xf32>,
        tpu.vector_store %arg10[%swap3A_596, %swap3A_597], %add3A_595 {strides = array<i32>} : memref<16x384xf32, #tpu.memory_space<vmem>>, vector<16xf32>,
        %add3A_599 = arith.constant 0 : i32
        %add3A_600 = arith.addi %add3A_599, %add3A_278 : i32
        %get3A_601 = arith.index_cast %add3A_600 : i32 to index
        %get3A_602 = arith.constant 160 : index
        %get3A_603 = tpu.vector_load %arg8[%get3A_601, %get3A_602] {strides = array<i32>} : memref<64x384xf32, #tpu.memory_space<vmem>>, vector<16xf32>,
        %mul3A_604 = arith.mulf %get3A_603, %mul3A_289 : vector<16xf32>
        %add3A_605 = arith.constant 16 : i32
        %add3A_606 = arith.addi %add3A_605, %add3A_278 : i32
        %get3A_607 = arith.index_cast %add3A_606 : i32 to index
        %get3A_608 = arith.constant 160 : index
        %get3A_609 = tpu.vector_load %arg8[%get3A_607, %get3A_608] {strides = array<i32>} : memref<64x384xf32, #tpu.memory_space<vmem>>, vector<16xf32>,
        %mul3A_610 = arith.mulf %get3A_609, %mul3A_293 : vector<16xf32>
        %add3A_611 = arith.addf %mul3A_604, %mul3A_610 : vector<16xf32>
        %add3A_612 = arith.constant 32 : i32
        %add3A_613 = arith.addi %add3A_612, %add3A_278 : i32
        %get3A_614 = arith.index_cast %add3A_613 : i32 to index
        %get3A_615 = arith.constant 160 : index
        %get3A_616 = tpu.vector_load %arg8[%get3A_614, %get3A_615] {strides = array<i32>} : memref<64x384xf32, #tpu.memory_space<vmem>>, vector<16xf32>,
        %mul3A_617 = arith.mulf %get3A_616, %mul3A_297 : vector<16xf32>
        %add3A_618 = arith.addf %add3A_611, %mul3A_617 : vector<16xf32>
        %add3A_619 = arith.constant 48 : i32
        %add3A_620 = arith.addi %add3A_619, %add3A_278 : i32
        %get3A_621 = arith.index_cast %add3A_620 : i32 to index
        %get3A_622 = arith.constant 160 : index
        %get3A_623 = tpu.vector_load %arg8[%get3A_621, %get3A_622] {strides = array<i32>} : memref<64x384xf32, #tpu.memory_space<vmem>>, vector<16xf32>,
        %mul3A_624 = arith.mulf %get3A_623, %mul3A_298 : vector<16xf32>
        %add3A_625 = arith.addf %add3A_618, %mul3A_624 : vector<16xf32>
        %swap3A_626 = arith.index_cast %add3A_278 : i32 to index
        %swap3A_627 = arith.constant 160 : index
        %swap3A_628 = tpu.vector_load %arg10[%swap3A_626, %swap3A_627] {strides = array<i32>} : memref<16x384xf32, #tpu.memory_space<vmem>>, vector<16xf32>,
        tpu.vector_store %arg10[%swap3A_626, %swap3A_627], %add3A_625 {strides = array<i32>} : memref<16x384xf32, #tpu.memory_space<vmem>>, vector<16xf32>,
        %add3A_629 = arith.constant 0 : i32
        %add3A_630 = arith.addi %add3A_629, %add3A_278 : i32
        %get3A_631 = arith.index_cast %add3A_630 : i32 to index
        %get3A_632 = arith.constant 176 : index
        %get3A_633 = tpu.vector_load %arg8[%get3A_631, %get3A_632] {strides = array<i32>} : memref<64x384xf32, #tpu.memory_space<vmem>>, vector<16xf32>,
        %mul3A_634 = arith.mulf %get3A_633, %mul3A_289 : vector<16xf32>
        %add3A_635 = arith.constant 16 : i32
        %add3A_636 = arith.addi %add3A_635, %add3A_278 : i32
        %get3A_637 = arith.index_cast %add3A_636 : i32 to index
        %get3A_638 = arith.constant 176 : index
        %get3A_639 = tpu.vector_load %arg8[%get3A_637, %get3A_638] {strides = array<i32>} : memref<64x384xf32, #tpu.memory_space<vmem>>, vector<16xf32>,
        %mul3A_640 = arith.mulf %get3A_639, %mul3A_293 : vector<16xf32>
        %add3A_641 = arith.addf %mul3A_634, %mul3A_640 : vector<16xf32>
        %add3A_642 = arith.constant 32 : i32
        %add3A_643 = arith.addi %add3A_642, %add3A_278 : i32
        %get3A_644 = arith.index_cast %add3A_643 : i32 to index
        %get3A_645 = arith.constant 176 : index
        %get3A_646 = tpu.vector_load %arg8[%get3A_644, %get3A_645] {strides = array<i32>} : memref<64x384xf32, #tpu.memory_space<vmem>>, vector<16xf32>,
        %mul3A_647 = arith.mulf %get3A_646, %mul3A_297 : vector<16xf32>
        %add3A_648 = arith.addf %add3A_641, %mul3A_647 : vector<16xf32>
        %add3A_649 = arith.constant 48 : i32
        %add3A_650 = arith.addi %add3A_649, %add3A_278 : i32
        %get3A_651 = arith.index_cast %add3A_650 : i32 to index
        %get3A_652 = arith.constant 176 : index
        %get3A_653 = tpu.vector_load %arg8[%get3A_651, %get3A_652] {strides = array<i32>} : memref<64x384xf32, #tpu.memory_space<vmem>>, vector<16xf32>,
        %mul3A_654 = arith.mulf %get3A_653, %mul3A_298 : vector<16xf32>
        %add3A_655 = arith.addf %add3A_648, %mul3A_654 : vector<16xf32>
        %swap3A_656 = arith.index_cast %add3A_278 : i32 to index
        %swap3A_657 = arith.constant 176 : index
        %swap3A_658 = tpu.vector_load %arg10[%swap3A_656, %swap3A_657] {strides = array<i32>} : memref<16x384xf32, #tpu.memory_space<vmem>>, vector<16xf32>,
        tpu.vector_store %arg10[%swap3A_656, %swap3A_657], %add3A_655 {strides = array<i32>} : memref<16x384xf32, #tpu.memory_space<vmem>>, vector<16xf32>,
        %add3A_659 = arith.constant 0 : i32
        %add3A_660 = arith.addi %add3A_659, %add3A_278 : i32
        %get3A_661 = arith.index_cast %add3A_660 : i32 to index
        %get3A_662 = arith.constant 192 : index
        %get3A_663 = tpu.vector_load %arg8[%get3A_661, %get3A_662] {strides = array<i32>} : memref<64x384xf32, #tpu.memory_space<vmem>>, vector<16xf32>,
        %mul3A_664 = arith.mulf %get3A_663, %mul3A_289 : vector<16xf32>
        %add3A_665 = arith.constant 16 : i32
        %add3A_666 = arith.addi %add3A_665, %add3A_278 : i32
        %get3A_667 = arith.index_cast %add3A_666 : i32 to index
        %get3A_668 = arith.constant 192 : index
        %get3A_669 = tpu.vector_load %arg8[%get3A_667, %get3A_668] {strides = array<i32>} : memref<64x384xf32, #tpu.memory_space<vmem>>, vector<16xf32>,
        %mul3A_670 = arith.mulf %get3A_669, %mul3A_293 : vector<16xf32>
        %add3A_671 = arith.addf %mul3A_664, %mul3A_670 : vector<16xf32>
        %add3A_672 = arith.constant 32 : i32
        %add3A_673 = arith.addi %add3A_672, %add3A_278 : i32
        %get3A_674 = arith.index_cast %add3A_673 : i32 to index
        %get3A_675 = arith.constant 192 : index
        %get3A_676 = tpu.vector_load %arg8[%get3A_674, %get3A_675] {strides = array<i32>} : memref<64x384xf32, #tpu.memory_space<vmem>>, vector<16xf32>,
        %mul3A_677 = arith.mulf %get3A_676, %mul3A_297 : vector<16xf32>
        %add3A_678 = arith.addf %add3A_671, %mul3A_677 : vector<16xf32>
        %add3A_679 = arith.constant 48 : i32
        %add3A_680 = arith.addi %add3A_679, %add3A_278 : i32
        %get3A_681 = arith.index_cast %add3A_680 : i32 to index
        %get3A_682 = arith.constant 192 : index
        %get3A_683 = tpu.vector_load %arg8[%get3A_681, %get3A_682] {strides = array<i32>} : memref<64x384xf32, #tpu.memory_space<vmem>>, vector<16xf32>,
        %mul3A_684 = arith.mulf %get3A_683, %mul3A_298 : vector<16xf32>
        %add3A_685 = arith.addf %add3A_678, %mul3A_684 : vector<16xf32>
        %swap3A_686 = arith.index_cast %add3A_278 : i32 to index
        %swap3A_687 = arith.constant 192 : index
        %swap3A_688 = tpu.vector_load %arg10[%swap3A_686, %swap3A_687] {strides = array<i32>} : memref<16x384xf32, #tpu.memory_space<vmem>>, vector<16xf32>,
        tpu.vector_store %arg10[%swap3A_686, %swap3A_687], %add3A_685 {strides = array<i32>} : memref<16x384xf32, #tpu.memory_space<vmem>>, vector<16xf32>,
        %add3A_689 = arith.constant 0 : i32
        %add3A_690 = arith.addi %add3A_689, %add3A_278 : i32
        %get3A_691 = arith.index_cast %add3A_690 : i32 to index
        %get3A_692 = arith.constant 208 : index
        %get3A_693 = tpu.vector_load %arg8[%get3A_691, %get3A_692] {strides = array<i32>} : memref<64x384xf32, #tpu.memory_space<vmem>>, vector<16xf32>,
        %mul3A_694 = arith.mulf %get3A_693, %mul3A_289 : vector<16xf32>
        %add3A_695 = arith.constant 16 : i32
        %add3A_696 = arith.addi %add3A_695, %add3A_278 : i32
        %get3A_697 = arith.index_cast %add3A_696 : i32 to index
        %get3A_698 = arith.constant 208 : index
        %get3A_699 = tpu.vector_load %arg8[%get3A_697, %get3A_698] {strides = array<i32>} : memref<64x384xf32, #tpu.memory_space<vmem>>, vector<16xf32>,
        %mul3A_700 = arith.mulf %get3A_699, %mul3A_293 : vector<16xf32>
        %add3A_701 = arith.addf %mul3A_694, %mul3A_700 : vector<16xf32>
        %add3A_702 = arith.constant 32 : i32
        %add3A_703 = arith.addi %add3A_702, %add3A_278 : i32
        %get3A_704 = arith.index_cast %add3A_703 : i32 to index
        %get3A_705 = arith.constant 208 : index
        %get3A_706 = tpu.vector_load %arg8[%get3A_704, %get3A_705] {strides = array<i32>} : memref<64x384xf32, #tpu.memory_space<vmem>>, vector<16xf32>,
        %mul3A_707 = arith.mulf %get3A_706, %mul3A_297 : vector<16xf32>
        %add3A_708 = arith.addf %add3A_701, %mul3A_707 : vector<16xf32>
        %add3A_709 = arith.constant 48 : i32
        %add3A_710 = arith.addi %add3A_709, %add3A_278 : i32
        %get3A_711 = arith.index_cast %add3A_710 : i32 to index
        %get3A_712 = arith.constant 208 : index
        %get3A_713 = tpu.vector_load %arg8[%get3A_711, %get3A_712] {strides = array<i32>} : memref<64x384xf32, #tpu.memory_space<vmem>>, vector<16xf32>,
        %mul3A_714 = arith.mulf %get3A_713, %mul3A_298 : vector<16xf32>
        %add3A_715 = arith.addf %add3A_708, %mul3A_714 : vector<16xf32>
        %swap3A_716 = arith.index_cast %add3A_278 : i32 to index
        %swap3A_717 = arith.constant 208 : index
        %swap3A_718 = tpu.vector_load %arg10[%swap3A_716, %swap3A_717] {strides = array<i32>} : memref<16x384xf32, #tpu.memory_space<vmem>>, vector<16xf32>,
        tpu.vector_store %arg10[%swap3A_716, %swap3A_717], %add3A_715 {strides = array<i32>} : memref<16x384xf32, #tpu.memory_space<vmem>>, vector<16xf32>,
        %add3A_719 = arith.constant 0 : i32
        %add3A_720 = arith.addi %add3A_719, %add3A_278 : i32
        %get3A_721 = arith.index_cast %add3A_720 : i32 to index
        %get3A_722 = arith.constant 224 : index
        %get3A_723 = tpu.vector_load %arg8[%get3A_721, %get3A_722] {strides = array<i32>} : memref<64x384xf32, #tpu.memory_space<vmem>>, vector<16xf32>,
        %mul3A_724 = arith.mulf %get3A_723, %mul3A_289 : vector<16xf32>
        %add3A_725 = arith.constant 16 : i32
        %add3A_726 = arith.addi %add3A_725, %add3A_278 : i32
        %get3A_727 = arith.index_cast %add3A_726 : i32 to index
        %get3A_728 = arith.constant 224 : index
        %get3A_729 = tpu.vector_load %arg8[%get3A_727, %get3A_728] {strides = array<i32>} : memref<64x384xf32, #tpu.memory_space<vmem>>, vector<16xf32>,
        %mul3A_730 = arith.mulf %get3A_729, %mul3A_293 : vector<16xf32>
        %add3A_731 = arith.addf %mul3A_724, %mul3A_730 : vector<16xf32>
        %add3A_732 = arith.constant 32 : i32
        %add3A_733 = arith.addi %add3A_732, %add3A_278 : i32
        %get3A_734 = arith.index_cast %add3A_733 : i32 to index
        %get3A_735 = arith.constant 224 : index
        %get3A_736 = tpu.vector_load %arg8[%get3A_734, %get3A_735] {strides = array<i32>} : memref<64x384xf32, #tpu.memory_space<vmem>>, vector<16xf32>,
        %mul3A_737 = arith.mulf %get3A_736, %mul3A_297 : vector<16xf32>
        %add3A_738 = arith.addf %add3A_731, %mul3A_737 : vector<16xf32>
        %add3A_739 = arith.constant 48 : i32
        %add3A_740 = arith.addi %add3A_739, %add3A_278 : i32
        %get3A_741 = arith.index_cast %add3A_740 : i32 to index
        %get3A_742 = arith.constant 224 : index
        %get3A_743 = tpu.vector_load %arg8[%get3A_741, %get3A_742] {strides = array<i32>} : memref<64x384xf32, #tpu.memory_space<vmem>>, vector<16xf32>,
        %mul3A_744 = arith.mulf %get3A_743, %mul3A_298 : vector<16xf32>
        %add3A_745 = arith.addf %add3A_738, %mul3A_744 : vector<16xf32>
        %swap3A_746 = arith.index_cast %add3A_278 : i32 to index
        %swap3A_747 = arith.constant 224 : index
        %swap3A_748 = tpu.vector_load %arg10[%swap3A_746, %swap3A_747] {strides = array<i32>} : memref<16x384xf32, #tpu.memory_space<vmem>>, vector<16xf32>,
        tpu.vector_store %arg10[%swap3A_746, %swap3A_747], %add3A_745 {strides = array<i32>} : memref<16x384xf32, #tpu.memory_space<vmem>>, vector<16xf32>,
        %add3A_749 = arith.constant 0 : i32
        %add3A_750 = arith.addi %add3A_749, %add3A_278 : i32
        %get3A_751 = arith.index_cast %add3A_750 : i32 to index
        %get3A_752 = arith.constant 240 : index
        %get3A_753 = tpu.vector_load %arg8[%get3A_751, %get3A_752] {strides = array<i32>} : memref<64x384xf32, #tpu.memory_space<vmem>>, vector<16xf32>,
        %mul3A_754 = arith.mulf %get3A_753, %mul3A_289 : vector<16xf32>
        %add3A_755 = arith.constant 16 : i32
        %add3A_756 = arith.addi %add3A_755, %add3A_278 : i32
        %get3A_757 = arith.index_cast %add3A_756 : i32 to index
        %get3A_758 = arith.constant 240 : index
        %get3A_759 = tpu.vector_load %arg8[%get3A_757, %get3A_758] {strides = array<i32>} : memref<64x384xf32, #tpu.memory_space<vmem>>, vector<16xf32>,
        %mul3A_760 = arith.mulf %get3A_759, %mul3A_293 : vector<16xf32>
        %add3A_761 = arith.addf %mul3A_754, %mul3A_760 : vector<16xf32>
        %add3A_762 = arith.constant 32 : i32
        %add3A_763 = arith.addi %add3A_762, %add3A_278 : i32
        %get3A_764 = arith.index_cast %add3A_763 : i32 to index
        %get3A_765 = arith.constant 240 : index
        %get3A_766 = tpu.vector_load %arg8[%get3A_764, %get3A_765] {strides = array<i32>} : memref<64x384xf32, #tpu.memory_space<vmem>>, vector<16xf32>,
        %mul3A_767 = arith.mulf %get3A_766, %mul3A_297 : vector<16xf32>
        %add3A_768 = arith.addf %add3A_761, %mul3A_767 : vector<16xf32>
        %add3A_769 = arith.constant 48 : i32
        %add3A_770 = arith.addi %add3A_769, %add3A_278 : i32
        %get3A_771 = arith.index_cast %add3A_770 : i32 to index
        %get3A_772 = arith.constant 240 : index
        %get3A_773 = tpu.vector_load %arg8[%get3A_771, %get3A_772] {strides = array<i32>} : memref<64x384xf32, #tpu.memory_space<vmem>>, vector<16xf32>,
        %mul3A_774 = arith.mulf %get3A_773, %mul3A_298 : vector<16xf32>
        %add3A_775 = arith.addf %add3A_768, %mul3A_774 : vector<16xf32>
        %swap3A_776 = arith.index_cast %add3A_278 : i32 to index
        %swap3A_777 = arith.constant 240 : index
        %swap3A_778 = tpu.vector_load %arg10[%swap3A_776, %swap3A_777] {strides = array<i32>} : memref<16x384xf32, #tpu.memory_space<vmem>>, vector<16xf32>,
        tpu.vector_store %arg10[%swap3A_776, %swap3A_777], %add3A_775 {strides = array<i32>} : memref<16x384xf32, #tpu.memory_space<vmem>>, vector<16xf32>,
        %add3A_779 = arith.constant 0 : i32
        %add3A_780 = arith.addi %add3A_779, %add3A_278 : i32
        %get3A_781 = arith.index_cast %add3A_780 : i32 to index
        %get3A_782 = arith.constant 256 : index
        %get3A_783 = tpu.vector_load %arg8[%get3A_781, %get3A_782] {strides = array<i32>} : memref<64x384xf32, #tpu.memory_space<vmem>>, vector<16xf32>,
        %mul3A_784 = arith.mulf %get3A_783, %mul3A_289 : vector<16xf32>
        %add3A_785 = arith.constant 16 : i32
        %add3A_786 = arith.addi %add3A_785, %add3A_278 : i32
        %get3A_787 = arith.index_cast %add3A_786 : i32 to index
        %get3A_788 = arith.constant 256 : index
        %get3A_789 = tpu.vector_load %arg8[%get3A_787, %get3A_788] {strides = array<i32>} : memref<64x384xf32, #tpu.memory_space<vmem>>, vector<16xf32>,
        %mul3A_790 = arith.mulf %get3A_789, %mul3A_293 : vector<16xf32>
        %add3A_791 = arith.addf %mul3A_784, %mul3A_790 : vector<16xf32>
        %add3A_792 = arith.constant 32 : i32
        %add3A_793 = arith.addi %add3A_792, %add3A_278 : i32
        %get3A_794 = arith.index_cast %add3A_793 : i32 to index
        %get3A_795 = arith.constant 256 : index
        %get3A_796 = tpu.vector_load %arg8[%get3A_794, %get3A_795] {strides = array<i32>} : memref<64x384xf32, #tpu.memory_space<vmem>>, vector<16xf32>,
        %mul3A_797 = arith.mulf %get3A_796, %mul3A_297 : vector<16xf32>
        %add3A_798 = arith.addf %add3A_791, %mul3A_797 : vector<16xf32>
        %add3A_799 = arith.constant 48 : i32
        %add3A_800 = arith.addi %add3A_799, %add3A_278 : i32
        %get3A_801 = arith.index_cast %add3A_800 : i32 to index
        %get3A_802 = arith.constant 256 : index
        %get3A_803 = tpu.vector_load %arg8[%get3A_801, %get3A_802] {strides = array<i32>} : memref<64x384xf32, #tpu.memory_space<vmem>>, vector<16xf32>,
        %mul3A_804 = arith.mulf %get3A_803, %mul3A_298 : vector<16xf32>
        %add3A_805 = arith.addf %add3A_798, %mul3A_804 : vector<16xf32>
        %swap3A_806 = arith.index_cast %add3A_278 : i32 to index
        %swap3A_807 = arith.constant 256 : index
        %swap3A_808 = tpu.vector_load %arg10[%swap3A_806, %swap3A_807] {strides = array<i32>} : memref<16x384xf32, #tpu.memory_space<vmem>>, vector<16xf32>,
        tpu.vector_store %arg10[%swap3A_806, %swap3A_807], %add3A_805 {strides = array<i32>} : memref<16x384xf32, #tpu.memory_space<vmem>>, vector<16xf32>,
        %add3A_809 = arith.constant 0 : i32
        %add3A_810 = arith.addi %add3A_809, %add3A_278 : i32
        %get3A_811 = arith.index_cast %add3A_810 : i32 to index
        %get3A_812 = arith.constant 272 : index
        %get3A_813 = tpu.vector_load %arg8[%get3A_811, %get3A_812] {strides = array<i32>} : memref<64x384xf32, #tpu.memory_space<vmem>>, vector<16xf32>,
        %mul3A_814 = arith.mulf %get3A_813, %mul3A_289 : vector<16xf32>
        %add3A_815 = arith.constant 16 : i32
        %add3A_816 = arith.addi %add3A_815, %add3A_278 : i32
        %get3A_817 = arith.index_cast %add3A_816 : i32 to index
        %get3A_818 = arith.constant 272 : index
        %get3A_819 = tpu.vector_load %arg8[%get3A_817, %get3A_818] {strides = array<i32>} : memref<64x384xf32, #tpu.memory_space<vmem>>, vector<16xf32>,
        %mul3A_820 = arith.mulf %get3A_819, %mul3A_293 : vector<16xf32>
        %add3A_821 = arith.addf %mul3A_814, %mul3A_820 : vector<16xf32>
        %add3A_822 = arith.constant 32 : i32
        %add3A_823 = arith.addi %add3A_822, %add3A_278 : i32
        %get3A_824 = arith.index_cast %add3A_823 : i32 to index
        %get3A_825 = arith.constant 272 : index
        %get3A_826 = tpu.vector_load %arg8[%get3A_824, %get3A_825] {strides = array<i32>} : memref<64x384xf32, #tpu.memory_space<vmem>>, vector<16xf32>,
        %mul3A_827 = arith.mulf %get3A_826, %mul3A_297 : vector<16xf32>
        %add3A_828 = arith.addf %add3A_821, %mul3A_827 : vector<16xf32>
        %add3A_829 = arith.constant 48 : i32
        %add3A_830 = arith.addi %add3A_829, %add3A_278 : i32
        %get3A_831 = arith.index_cast %add3A_830 : i32 to index
        %get3A_832 = arith.constant 272 : index
        %get3A_833 = tpu.vector_load %arg8[%get3A_831, %get3A_832] {strides = array<i32>} : memref<64x384xf32, #tpu.memory_space<vmem>>, vector<16xf32>,
        %mul3A_834 = arith.mulf %get3A_833, %mul3A_298 : vector<16xf32>
        %add3A_835 = arith.addf %add3A_828, %mul3A_834 : vector<16xf32>
        %swap3A_836 = arith.index_cast %add3A_278 : i32 to index
        %swap3A_837 = arith.constant 272 : index
        %swap3A_838 = tpu.vector_load %arg10[%swap3A_836, %swap3A_837] {strides = array<i32>} : memref<16x384xf32, #tpu.memory_space<vmem>>, vector<16xf32>,
        tpu.vector_store %arg10[%swap3A_836, %swap3A_837], %add3A_835 {strides = array<i32>} : memref<16x384xf32, #tpu.memory_space<vmem>>, vector<16xf32>,
        %add3A_839 = arith.constant 0 : i32
        %add3A_840 = arith.addi %add3A_839, %add3A_278 : i32
        %get3A_841 = arith.index_cast %add3A_840 : i32 to index
        %get3A_842 = arith.constant 288 : index
        %get3A_843 = tpu.vector_load %arg8[%get3A_841, %get3A_842] {strides = array<i32>} : memref<64x384xf32, #tpu.memory_space<vmem>>, vector<16xf32>,
        %mul3A_844 = arith.mulf %get3A_843, %mul3A_289 : vector<16xf32>
        %add3A_845 = arith.constant 16 : i32
        %add3A_846 = arith.addi %add3A_845, %add3A_278 : i32
        %get3A_847 = arith.index_cast %add3A_846 : i32 to index
        %get3A_848 = arith.constant 288 : index
        %get3A_849 = tpu.vector_load %arg8[%get3A_847, %get3A_848] {strides = array<i32>} : memref<64x384xf32, #tpu.memory_space<vmem>>, vector<16xf32>,
        %mul3A_850 = arith.mulf %get3A_849, %mul3A_293 : vector<16xf32>
        %add3A_851 = arith.addf %mul3A_844, %mul3A_850 : vector<16xf32>
        %add3A_852 = arith.constant 32 : i32
        %add3A_853 = arith.addi %add3A_852, %add3A_278 : i32
        %get3A_854 = arith.index_cast %add3A_853 : i32 to index
        %get3A_855 = arith.constant 288 : index
        %get3A_856 = tpu.vector_load %arg8[%get3A_854, %get3A_855] {strides = array<i32>} : memref<64x384xf32, #tpu.memory_space<vmem>>, vector<16xf32>,
        %mul3A_857 = arith.mulf %get3A_856, %mul3A_297 : vector<16xf32>
        %add3A_858 = arith.addf %add3A_851, %mul3A_857 : vector<16xf32>
        %add3A_859 = arith.constant 48 : i32
        %add3A_860 = arith.addi %add3A_859, %add3A_278 : i32
        %get3A_861 = arith.index_cast %add3A_860 : i32 to index
        %get3A_862 = arith.constant 288 : index
        %get3A_863 = tpu.vector_load %arg8[%get3A_861, %get3A_862] {strides = array<i32>} : memref<64x384xf32, #tpu.memory_space<vmem>>, vector<16xf32>,
        %mul3A_864 = arith.mulf %get3A_863, %mul3A_298 : vector<16xf32>
        %add3A_865 = arith.addf %add3A_858, %mul3A_864 : vector<16xf32>
        %swap3A_866 = arith.index_cast %add3A_278 : i32 to index
        %swap3A_867 = arith.constant 288 : index
        %swap3A_868 = tpu.vector_load %arg10[%swap3A_866, %swap3A_867] {strides = array<i32>} : memref<16x384xf32, #tpu.memory_space<vmem>>, vector<16xf32>,
        tpu.vector_store %arg10[%swap3A_866, %swap3A_867], %add3A_865 {strides = array<i32>} : memref<16x384xf32, #tpu.memory_space<vmem>>, vector<16xf32>,
        %add3A_869 = arith.constant 0 : i32
        %add3A_870 = arith.addi %add3A_869, %add3A_278 : i32
        %get3A_871 = arith.index_cast %add3A_870 : i32 to index
        %get3A_872 = arith.constant 304 : index
        %get3A_873 = tpu.vector_load %arg8[%get3A_871, %get3A_872] {strides = array<i32>} : memref<64x384xf32, #tpu.memory_space<vmem>>, vector<16xf32>,
        %mul3A_874 = arith.mulf %get3A_873, %mul3A_289 : vector<16xf32>
        %add3A_875 = arith.constant 16 : i32
        %add3A_876 = arith.addi %add3A_875, %add3A_278 : i32
        %get3A_877 = arith.index_cast %add3A_876 : i32 to index
        %get3A_878 = arith.constant 304 : index
        %get3A_879 = tpu.vector_load %arg8[%get3A_877, %get3A_878] {strides = array<i32>} : memref<64x384xf32, #tpu.memory_space<vmem>>, vector<16xf32>,
        %mul3A_880 = arith.mulf %get3A_879, %mul3A_293 : vector<16xf32>
        %add3A_881 = arith.addf %mul3A_874, %mul3A_880 : vector<16xf32>
        %add3A_882 = arith.constant 32 : i32
        %add3A_883 = arith.addi %add3A_882, %add3A_278 : i32
        %get3A_884 = arith.index_cast %add3A_883 : i32 to index
        %get3A_885 = arith.constant 304 : index
        %get3A_886 = tpu.vector_load %arg8[%get3A_884, %get3A_885] {strides = array<i32>} : memref<64x384xf32, #tpu.memory_space<vmem>>, vector<16xf32>,
        %mul3A_887 = arith.mulf %get3A_886, %mul3A_297 : vector<16xf32>
        %add3A_888 = arith.addf %add3A_881, %mul3A_887 : vector<16xf32>
        %add3A_889 = arith.constant 48 : i32
        %add3A_890 = arith.addi %add3A_889, %add3A_278 : i32
        %get3A_891 = arith.index_cast %add3A_890 : i32 to index
        %get3A_892 = arith.constant 304 : index
        %get3A_893 = tpu.vector_load %arg8[%get3A_891, %get3A_892] {strides = array<i32>} : memref<64x384xf32, #tpu.memory_space<vmem>>, vector<16xf32>,
        %mul3A_894 = arith.mulf %get3A_893, %mul3A_298 : vector<16xf32>
        %add3A_895 = arith.addf %add3A_888, %mul3A_894 : vector<16xf32>
        %swap3A_896 = arith.index_cast %add3A_278 : i32 to index
        %swap3A_897 = arith.constant 304 : index
        %swap3A_898 = tpu.vector_load %arg10[%swap3A_896, %swap3A_897] {strides = array<i32>} : memref<16x384xf32, #tpu.memory_space<vmem>>, vector<16xf32>,
        tpu.vector_store %arg10[%swap3A_896, %swap3A_897], %add3A_895 {strides = array<i32>} : memref<16x384xf32, #tpu.memory_space<vmem>>, vector<16xf32>,
        %add3A_899 = arith.constant 0 : i32
        %add3A_900 = arith.addi %add3A_899, %add3A_278 : i32
        %get3A_901 = arith.index_cast %add3A_900 : i32 to index
        %get3A_902 = arith.constant 320 : index
        %get3A_903 = tpu.vector_load %arg8[%get3A_901, %get3A_902] {strides = array<i32>} : memref<64x384xf32, #tpu.memory_space<vmem>>, vector<16xf32>,
        %mul3A_904 = arith.mulf %get3A_903, %mul3A_289 : vector<16xf32>
        %add3A_905 = arith.constant 16 : i32
        %add3A_906 = arith.addi %add3A_905, %add3A_278 : i32
        %get3A_907 = arith.index_cast %add3A_906 : i32 to index
        %get3A_908 = arith.constant 320 : index
        %get3A_909 = tpu.vector_load %arg8[%get3A_907, %get3A_908] {strides = array<i32>} : memref<64x384xf32, #tpu.memory_space<vmem>>, vector<16xf32>,
        %mul3A_910 = arith.mulf %get3A_909, %mul3A_293 : vector<16xf32>
        %add3A_911 = arith.addf %mul3A_904, %mul3A_910 : vector<16xf32>
        %add3A_912 = arith.constant 32 : i32
        %add3A_913 = arith.addi %add3A_912, %add3A_278 : i32
        %get3A_914 = arith.index_cast %add3A_913 : i32 to index
        %get3A_915 = arith.constant 320 : index
        %get3A_916 = tpu.vector_load %arg8[%get3A_914, %get3A_915] {strides = array<i32>} : memref<64x384xf32, #tpu.memory_space<vmem>>, vector<16xf32>,
        %mul3A_917 = arith.mulf %get3A_916, %mul3A_297 : vector<16xf32>
        %add3A_918 = arith.addf %add3A_911, %mul3A_917 : vector<16xf32>
        %add3A_919 = arith.constant 48 : i32
        %add3A_920 = arith.addi %add3A_919, %add3A_278 : i32
        %get3A_921 = arith.index_cast %add3A_920 : i32 to index
        %get3A_922 = arith.constant 320 : index
        %get3A_923 = tpu.vector_load %arg8[%get3A_921, %get3A_922] {strides = array<i32>} : memref<64x384xf32, #tpu.memory_space<vmem>>, vector<16xf32>,
        %mul3A_924 = arith.mulf %get3A_923, %mul3A_298 : vector<16xf32>
        %add3A_925 = arith.addf %add3A_918, %mul3A_924 : vector<16xf32>
        %swap3A_926 = arith.index_cast %add3A_278 : i32 to index
        %swap3A_927 = arith.constant 320 : index
        %swap3A_928 = tpu.vector_load %arg10[%swap3A_926, %swap3A_927] {strides = array<i32>} : memref<16x384xf32, #tpu.memory_space<vmem>>, vector<16xf32>,
        tpu.vector_store %arg10[%swap3A_926, %swap3A_927], %add3A_925 {strides = array<i32>} : memref<16x384xf32, #tpu.memory_space<vmem>>, vector<16xf32>,
        %add3A_929 = arith.constant 0 : i32
        %add3A_930 = arith.addi %add3A_929, %add3A_278 : i32
        %get3A_931 = arith.index_cast %add3A_930 : i32 to index
        %get3A_932 = arith.constant 336 : index
        %get3A_933 = tpu.vector_load %arg8[%get3A_931, %get3A_932] {strides = array<i32>} : memref<64x384xf32, #tpu.memory_space<vmem>>, vector<16xf32>,
        %mul3A_934 = arith.mulf %get3A_933, %mul3A_289 : vector<16xf32>
        %add3A_935 = arith.constant 16 : i32
        %add3A_936 = arith.addi %add3A_935, %add3A_278 : i32
        %get3A_937 = arith.index_cast %add3A_936 : i32 to index
        %get3A_938 = arith.constant 336 : index
        %get3A_939 = tpu.vector_load %arg8[%get3A_937, %get3A_938] {strides = array<i32>} : memref<64x384xf32, #tpu.memory_space<vmem>>, vector<16xf32>,
        %mul3A_940 = arith.mulf %get3A_939, %mul3A_293 : vector<16xf32>
        %add3A_941 = arith.addf %mul3A_934, %mul3A_940 : vector<16xf32>
        %add3A_942 = arith.constant 32 : i32
        %add3A_943 = arith.addi %add3A_942, %add3A_278 : i32
        %get3A_944 = arith.index_cast %add3A_943 : i32 to index
        %get3A_945 = arith.constant 336 : index
        %get3A_946 = tpu.vector_load %arg8[%get3A_944, %get3A_945] {strides = array<i32>} : memref<64x384xf32, #tpu.memory_space<vmem>>, vector<16xf32>,
        %mul3A_947 = arith.mulf %get3A_946, %mul3A_297 : vector<16xf32>
        %add3A_948 = arith.addf %add3A_941, %mul3A_947 : vector<16xf32>
        %add3A_949 = arith.constant 48 : i32
        %add3A_950 = arith.addi %add3A_949, %add3A_278 : i32
        %get3A_951 = arith.index_cast %add3A_950 : i32 to index
        %get3A_952 = arith.constant 336 : index
        %get3A_953 = tpu.vector_load %arg8[%get3A_951, %get3A_952] {strides = array<i32>} : memref<64x384xf32, #tpu.memory_space<vmem>>, vector<16xf32>,
        %mul3A_954 = arith.mulf %get3A_953, %mul3A_298 : vector<16xf32>
        %add3A_955 = arith.addf %add3A_948, %mul3A_954 : vector<16xf32>
        %swap3A_956 = arith.index_cast %add3A_278 : i32 to index
        %swap3A_957 = arith.constant 336 : index
        %swap3A_958 = tpu.vector_load %arg10[%swap3A_956, %swap3A_957] {strides = array<i32>} : memref<16x384xf32, #tpu.memory_space<vmem>>, vector<16xf32>,
        tpu.vector_store %arg10[%swap3A_956, %swap3A_957], %add3A_955 {strides = array<i32>} : memref<16x384xf32, #tpu.memory_space<vmem>>, vector<16xf32>,
        %add3A_959 = arith.constant 0 : i32
        %add3A_960 = arith.addi %add3A_959, %add3A_278 : i32
        %get3A_961 = arith.index_cast %add3A_960 : i32 to index
        %get3A_962 = arith.constant 352 : index
        %get3A_963 = tpu.vector_load %arg8[%get3A_961, %get3A_962] {strides = array<i32>} : memref<64x384xf32, #tpu.memory_space<vmem>>, vector<16xf32>,
        %mul3A_964 = arith.mulf %get3A_963, %mul3A_289 : vector<16xf32>
        %add3A_965 = arith.constant 16 : i32
        %add3A_966 = arith.addi %add3A_965, %add3A_278 : i32
        %get3A_967 = arith.index_cast %add3A_966 : i32 to index
        %get3A_968 = arith.constant 352 : index
        %get3A_969 = tpu.vector_load %arg8[%get3A_967, %get3A_968] {strides = array<i32>} : memref<64x384xf32, #tpu.memory_space<vmem>>, vector<16xf32>,
        %mul3A_970 = arith.mulf %get3A_969, %mul3A_293 : vector<16xf32>
        %add3A_971 = arith.addf %mul3A_964, %mul3A_970 : vector<16xf32>
        %add3A_972 = arith.constant 32 : i32
        %add3A_973 = arith.addi %add3A_972, %add3A_278 : i32
        %get3A_974 = arith.index_cast %add3A_973 : i32 to index
        %get3A_975 = arith.constant 352 : index
        %get3A_976 = tpu.vector_load %arg8[%get3A_974, %get3A_975] {strides = array<i32>} : memref<64x384xf32, #tpu.memory_space<vmem>>, vector<16xf32>,
        %mul3A_977 = arith.mulf %get3A_976, %mul3A_297 : vector<16xf32>
        %add3A_978 = arith.addf %add3A_971, %mul3A_977 : vector<16xf32>
        %add3A_979 = arith.constant 48 : i32
        %add3A_980 = arith.addi %add3A_979, %add3A_278 : i32
        %get3A_981 = arith.index_cast %add3A_980 : i32 to index
        %get3A_982 = arith.constant 352 : index
        %get3A_983 = tpu.vector_load %arg8[%get3A_981, %get3A_982] {strides = array<i32>} : memref<64x384xf32, #tpu.memory_space<vmem>>, vector<16xf32>,
        %mul3A_984 = arith.mulf %get3A_983, %mul3A_298 : vector<16xf32>
        %add3A_985 = arith.addf %add3A_978, %mul3A_984 : vector<16xf32>
        %swap3A_986 = arith.index_cast %add3A_278 : i32 to index
        %swap3A_987 = arith.constant 352 : index
        %swap3A_988 = tpu.vector_load %arg10[%swap3A_986, %swap3A_987] {strides = array<i32>} : memref<16x384xf32, #tpu.memory_space<vmem>>, vector<16xf32>,
        tpu.vector_store %arg10[%swap3A_986, %swap3A_987], %add3A_985 {strides = array<i32>} : memref<16x384xf32, #tpu.memory_space<vmem>>, vector<16xf32>,
        %add3A_989 = arith.constant 0 : i32
        %add3A_990 = arith.addi %add3A_989, %add3A_278 : i32
        %get3A_991 = arith.index_cast %add3A_990 : i32 to index
        %get3A_992 = arith.constant 368 : index
        %get3A_993 = tpu.vector_load %arg8[%get3A_991, %get3A_992] {strides = array<i32>} : memref<64x384xf32, #tpu.memory_space<vmem>>, vector<16xf32>,
        %mul3A_994 = arith.mulf %get3A_993, %mul3A_289 : vector<16xf32>
        %add3A_995 = arith.constant 16 : i32
        %add3A_996 = arith.addi %add3A_995, %add3A_278 : i32
        %get3A_997 = arith.index_cast %add3A_996 : i32 to index
        %get3A_998 = arith.constant 368 : index
        %get3A_999 = tpu.vector_load %arg8[%get3A_997, %get3A_998] {strides = array<i32>} : memref<64x384xf32, #tpu.memory_space<vmem>>, vector<16xf32>,
        %mul3A_1000 = arith.mulf %get3A_999, %mul3A_293 : vector<16xf32>
        %add3A_1001 = arith.addf %mul3A_994, %mul3A_1000 : vector<16xf32>
        %add3A_1002 = arith.constant 32 : i32
        %add3A_1003 = arith.addi %add3A_1002, %add3A_278 : i32
        %get3A_1004 = arith.index_cast %add3A_1003 : i32 to index
        %get3A_1005 = arith.constant 368 : index
        %get3A_1006 = tpu.vector_load %arg8[%get3A_1004, %get3A_1005] {strides = array<i32>} : memref<64x384xf32, #tpu.memory_space<vmem>>, vector<16xf32>,
        %mul3A_1007 = arith.mulf %get3A_1006, %mul3A_297 : vector<16xf32>
        %add3A_1008 = arith.addf %add3A_1001, %mul3A_1007 : vector<16xf32>
        %add3A_1009 = arith.constant 48 : i32
        %add3A_1010 = arith.addi %add3A_1009, %add3A_278 : i32
        %get3A_1011 = arith.index_cast %add3A_1010 : i32 to index
        %get3A_1012 = arith.constant 368 : index
        %get3A_1013 = tpu.vector_load %arg8[%get3A_1011, %get3A_1012] {strides = array<i32>} : memref<64x384xf32, #tpu.memory_space<vmem>>, vector<16xf32>,
        %mul3A_1014 = arith.mulf %get3A_1013, %mul3A_298 : vector<16xf32>
        %add3A_1015 = arith.addf %add3A_1008, %mul3A_1014 : vector<16xf32>
        %swap3A_1016 = arith.index_cast %add3A_278 : i32 to index
        %swap3A_1017 = arith.constant 368 : index
        %swap3A_1018 = tpu.vector_load %arg10[%swap3A_1016, %swap3A_1017] {strides = array<i32>} : memref<16x384xf32, #tpu.memory_space<vmem>>, vector<16xf32>,
        tpu.vector_store %arg10[%swap3A_1016, %swap3A_1017], %add3A_1015 {strides = array<i32>} : memref<16x384xf32, #tpu.memory_space<vmem>>, vector<16xf32>,
      }
      %scan3A_227 = arith.constant 16 : i32
      %add3A_228 = arith.constant 2 : i32
      %add3A_229 = arith.addi %add3A_213, %add3A_228 : i32
      %lt3A_230 = arith.constant 196 : i32
      %lt3A_231 = arith.cmpi slt, %add3A_229, %lt3A_230 : i32
      %convert_element_type3A_232 = arith.extui %lt3A_231 : i1 to i32
      %cond3A_233 = arith.constant 0 : i32
      %cond3A_234 = arith.cmpi ne, %convert_element_type3A_232, %cond3A_233 : i32
      scf.if %cond3A_234 {
        %add3A_274 = arith.constant 2 : i32
        %add3A_275 = arith.addi %add3A_213, %add3A_274 : i32
        %jit3A_276 = arith.constant 14 : i32
        %div3A_277 = arith.divsi %add3A_275, %jit3A_276 : i32
        %sign3A_278 = arith.constant 0 : i32
        %sign3A_279 = arith.cmpi sgt, %add3A_275, %sign3A_278 : i32
        %sign3A_280 = arith.extui %sign3A_279 : i1 to i32
        %sign3A_281 = arith.constant 0 : i32
        %sign3A_282 = arith.cmpi slt, %add3A_275, %sign3A_281 : i32
        %sign3A_283 = arith.extui %sign3A_282 : i1 to i32
        %sign3A_284 = arith.subi %sign3A_280, %sign3A_283 : i32
        %sign3A_285 = arith.constant 0 : i32
        %sign3A_286 = arith.cmpi sgt, %jit3A_276, %sign3A_285 : i32
        %sign3A_287 = arith.extui %sign3A_286 : i1 to i32
        %sign3A_288 = arith.constant 0 : i32
        %sign3A_289 = arith.cmpi slt, %jit3A_276, %sign3A_288 : i32
        %sign3A_290 = arith.extui %sign3A_289 : i1 to i32
        %sign3A_291 = arith.subi %sign3A_287, %sign3A_290 : i32
        %ne3A_292 = arith.cmpi ne, %sign3A_284, %sign3A_291 : i32
        %rem3A_293 = arith.remsi %add3A_275, %jit3A_276 : i32
        %ne3A_294 = arith.constant 0 : i32
        %ne3A_295 = arith.cmpi ne, %rem3A_293, %ne3A_294 : i32
        %and3A_296 = arith.andi %ne3A_292, %ne3A_295 : i1
        %sub3A_297 = arith.constant 1 : i32
        %sub3A_298 = arith.subi %div3A_277, %sub3A_297 : i32
        %select_n3A_299 = arith.select %and3A_296, %sub3A_298, %div3A_277 : i32
        %add3A_300 = arith.addi %select_n3A_58, %select_n3A_299 : i32
        %jit3A_301 = arith.constant 14 : i32
        %eq3A_302 = arith.constant 0 : i32
        %eq3A_303 = arith.cmpi eq, %jit3A_301, %eq3A_302 : i32
        %jit3A_304 = arith.constant 1 : i32
        %select_n3A_305 = arith.select %eq3A_303, %jit3A_304, %jit3A_301 : i32
        %rem3A_306 = arith.remsi %add3A_275, %select_n3A_305 : i32
        %ne3A_307 = arith.constant 0 : i32
        %ne3A_308 = arith.cmpi ne, %rem3A_306, %ne3A_307 : i32
        %lt3A_309 = arith.constant 0 : i32
        %lt3A_310 = arith.cmpi slt, %rem3A_306, %lt3A_309 : i32
        %lt3A_311 = arith.constant 0 : i32
        %lt3A_312 = arith.cmpi slt, %select_n3A_305, %lt3A_311 : i32
        %ne3A_313 = arith.xori %lt3A_310, %lt3A_312 : i1
        %and3A_314 = arith.andi %ne3A_313, %ne3A_308 : i1
        %add3A_315 = arith.addi %rem3A_306, %select_n3A_305 : i32
        %select_n3A_316 = arith.select %and3A_314, %add3A_315, %rem3A_306 : i32
        %mul3A_317 = arith.constant 16 : i32
        %mul3A_318 = arith.muli %select_n3A_316, %mul3A_317 : i32
        %mul3A_319 = arith.constant 16 : i32
        %mul3A_320 = arith.muli %add3A_275, %mul3A_319 : i32
        %get3A_321 = arith.index_cast %mul3A_320 : i32 to index
        %get3A_322 = tpu.vector_load %arg6[%get3A_321] {strides = array<i32>} : memref<3136xf32, #tpu.memory_space<vmem>>, vector<16xf32>,
        %mul3A_323 = arith.constant 16 : i32
        %mul3A_324 = arith.muli %add3A_275, %mul3A_323 : i32
        %get3A_325 = arith.index_cast %mul3A_324 : i32 to index
        %get3A_326 = tpu.vector_load %arg7[%get3A_325] {strides = array<i32>} : memref<3136xf32, #tpu.memory_space<vmem>>, vector<16xf32>,
        %convert_element_type3A_327 = arith.sitofp %mul3A_318 : i32 to f32
        %mul3A_328 = arith.constant 1.000000e+00 : f32
        %mul3A_329 = arith.mulf %convert_element_type3A_327, %mul3A_328 : f32
        %add3A_330 = vector.broadcast %mul3A_329 : f32 to vector<16xf32>
        %add3A_331 = arith.addf %add3A_330, %convert_element_type3A : vector<16xf32>
        %add3A_332 = arith.addf %add3A_331, %get3A_322 : vector<16xf32>
        %jit3A_333 = arith.constant 0.000000e+00 : f32
        %jit3A_334 = arith.constant 2.230000e+02 : f32
        %max3A_335 = vector.broadcast %jit3A_333 : f32 to vector<16xf32>
        %max3A_336 = arith.maximumf %max3A_335, %add3A_332 : vector<16xf32>
        %min3A_337 = vector.broadcast %jit3A_334 : f32 to vector<16xf32>
        %min3A_338 = arith.minimumf %min3A_337, %max3A_336 : vector<16xf32>
        %convert_element_type3A_339 = arith.sitofp %add3A_300 : i32 to f32
        %mul3A_340 = arith.constant 1.000000e+00 : f32
        %mul3A_341 = arith.mulf %convert_element_type3A_339, %mul3A_340 : f32
        %add3A_342 = vector.broadcast %mul3A_341 : f32 to vector<16xf32>
        %add3A_343 = arith.addf %add3A_342, %get3A_326 : vector<16xf32>
        %jit3A_344 = arith.constant 0.000000e+00 : f32
        %jit3A_345 = arith.constant 2.230000e+02 : f32
        %max3A_346 = vector.broadcast %jit3A_344 : f32 to vector<16xf32>
        %max3A_347 = arith.maximumf %max3A_346, %add3A_343 : vector<16xf32>
        %min3A_348 = vector.broadcast %jit3A_345 : f32 to vector<16xf32>
        %min3A_349 = arith.minimumf %min3A_348, %max3A_347 : vector<16xf32>
        %convert_element_type3A_350 = arith.fptosi %min3A_338 : vector<16xf32> to vector<16xi32>
        %min3A_351 = arith.constant 222 : i32
        %min3A_352 = vector.broadcast %min3A_351 : i32 to vector<16xi32>
        %min3A_353 = arith.minsi %convert_element_type3A_350, %min3A_352 : vector<16xi32>
        %convert_element_type3A_354 = arith.fptosi %min3A_349 : vector<16xf32> to vector<16xi32>
        %min3A_355 = arith.constant 222 : i32
        %min3A_356 = vector.broadcast %min3A_355 : i32 to vector<16xi32>
        %min3A_357 = arith.minsi %convert_element_type3A_354, %min3A_356 : vector<16xi32>
        %convert_element_type3A_358 = arith.sitofp %min3A_353 : vector<16xi32> to vector<16xf32>
        %sub3A_359 = arith.subf %min3A_338, %convert_element_type3A_358 : vector<16xf32>
        %swap3A_360 = arith.constant 0 : index
        %swap3A_361 = tpu.vector_load %arg12[%swap3A_360] {strides = array<i32>} : memref<16xf32, #tpu.memory_space<vmem>>, vector<16xf32>,
        tpu.vector_store %arg12[%swap3A_360], %sub3A_359 {strides = array<i32>} : memref<16xf32, #tpu.memory_space<vmem>>, vector<16xf32>,
        %convert_element_type3A_362 = arith.sitofp %min3A_357 : vector<16xi32> to vector<16xf32>
        %sub3A_363 = arith.subf %min3A_349, %convert_element_type3A_362 : vector<16xf32>
        %swap3A_364 = arith.constant 0 : index
        %swap3A_365 = tpu.vector_load %arg14[%swap3A_364] {strides = array<i32>} : memref<16xf32, #tpu.memory_space<vmem>>, vector<16xf32>,
        tpu.vector_store %arg14[%swap3A_364], %sub3A_363 {strides = array<i32>} : memref<16xf32, #tpu.memory_space<vmem>>, vector<16xf32>,
        %mul3A_366 = arith.constant 224 : i32
        %mul3A_367 = vector.broadcast %mul3A_366 : i32 to vector<16xi32>
        %mul3A_368 = arith.muli %min3A_357, %mul3A_367 : vector<16xi32>
        %add3A_369 = vector.broadcast %mul3A_20 : i32 to vector<16xi32>
        %add3A_370 = arith.addi %add3A_369, %mul3A_368 : vector<16xi32>
        %add3A_371 = arith.addi %add3A_370, %min3A_353 : vector<16xi32>
        %swap3A_372 = arith.constant 0 : index
        %swap3A_373 = tpu.vector_load %arg16[%swap3A_372] {strides = array<i32>} : memref<64xi32, #tpu.memory_space<vmem>>, vector<16xi32>,
        tpu.vector_store %arg16[%swap3A_372], %add3A_371 {strides = array<i32>} : memref<64xi32, #tpu.memory_space<vmem>>, vector<16xi32>,
        %add3A_374 = arith.constant 1 : i32
        %add3A_375 = vector.broadcast %add3A_374 : i32 to vector<16xi32>
        %add3A_376 = arith.addi %add3A_371, %add3A_375 : vector<16xi32>
        %swap3A_377 = arith.constant 16 : index
        %swap3A_378 = tpu.vector_load %arg16[%swap3A_377] {strides = array<i32>} : memref<64xi32, #tpu.memory_space<vmem>>, vector<16xi32>,
        tpu.vector_store %arg16[%swap3A_377], %add3A_376 {strides = array<i32>} : memref<64xi32, #tpu.memory_space<vmem>>, vector<16xi32>,
        %add3A_379 = arith.constant 224 : i32
        %add3A_380 = vector.broadcast %add3A_379 : i32 to vector<16xi32>
        %add3A_381 = arith.addi %add3A_371, %add3A_380 : vector<16xi32>
        %swap3A_382 = arith.constant 32 : index
        %swap3A_383 = tpu.vector_load %arg16[%swap3A_382] {strides = array<i32>} : memref<64xi32, #tpu.memory_space<vmem>>, vector<16xi32>,
        tpu.vector_store %arg16[%swap3A_382], %add3A_381 {strides = array<i32>} : memref<64xi32, #tpu.memory_space<vmem>>, vector<16xi32>,
        %add3A_384 = arith.constant 224 : i32
        %add3A_385 = vector.broadcast %add3A_384 : i32 to vector<16xi32>
        %add3A_386 = arith.addi %add3A_371, %add3A_385 : vector<16xi32>
        %add3A_387 = arith.constant 1 : i32
        %add3A_388 = vector.broadcast %add3A_387 : i32 to vector<16xi32>
        %add3A_389 = arith.addi %add3A_386, %add3A_388 : vector<16xi32>
        %swap3A_390 = arith.constant 48 : index
        %swap3A_391 = tpu.vector_load %arg16[%swap3A_390] {strides = array<i32>} : memref<64xi32, #tpu.memory_space<vmem>>, vector<16xi32>,
        tpu.vector_store %arg16[%swap3A_390], %add3A_389 {strides = array<i32>} : memref<64xi32, #tpu.memory_space<vmem>>, vector<16xi32>,
        %dma_start3A_392 = arith.constant 0 : i32
        %dma_start3A_393 = arith.constant 0 : i32
        %dma_start3A_394 = tpu.memref_slice %arg2[%dma_start3A_392, %dma_start3A_393] : memref<100352x384xf32, #tpu.memory_space<hbm>> -> memref<100352x384xf32, #tpu.memory_space<hbm>>
        tpu.enqueue_indirect_dma source(%dma_start3A_394 : memref<100352x384xf32, #tpu.memory_space<hbm>>) target(%arg8 : memref<64x384xf32, #tpu.memory_space<vmem>>) offsets(%arg16 : memref<64xi32, #tpu.memory_space<vmem>>) semaphore(%arg18 : memref<!tpu.dma_semaphore, #tpu.memory_space<semaphore_mem>>)
      } else {
      }
      %mul3A_235 = arith.constant 16 : i32
      %mul3A_236 = arith.muli %add3A_213, %mul3A_235 : i32
      %add3A_237 = arith.addi %mul3A_2, %mul3A_236 : i32
      %dma_start3A_238 = arith.constant 0 : i32
      %dma_start3A_239 = tpu.memref_slice %arg5[%add3A_237, %dma_start3A_238] : memref<100352x384xf32, #tpu.memory_space<hbm>> -> memref<16x384xf32, #tpu.memory_space<hbm>>
      %dma_start3A_240 = arith.constant 0 : i32
      %dma_start3A_241 = tpu.memref_slice %arg5[%add3A_237, %dma_start3A_240] : memref<100352x384xf32, #tpu.memory_space<hbm>> -> memref<16x384xf32, #tpu.memory_space<hbm>>
      tpu.enqueue_dma source(%arg10 : memref<16x384xf32, #tpu.memory_space<vmem>>) target(%dma_start3A_241 : memref<16x384xf32, #tpu.memory_space<hbm>>) target_semaphore(%arg20 : memref<!tpu.dma_semaphore, #tpu.memory_space<semaphore_mem>>)
      %add3A_242 = arith.constant 1 : i32
      %add3A_243 = arith.addi %add3A_213, %add3A_242 : i32
      %dma_wait3A_244 = arith.constant 0 : i32
      %dma_wait3A_245 = arith.constant 0 : i32
      %dma_wait3A_246 = tpu.memref_slice %arg2[%dma_wait3A_244, %dma_wait3A_245] : memref<100352x384xf32, #tpu.memory_space<hbm>> -> memref<64x384xf32, #tpu.memory_space<hbm>>
      %dma_wait3A_247 = arith.constant 0 : i32
      %dma_wait3A_248 = arith.constant 0 : i32
      %dma_wait3A_249 = tpu.memref_slice %arg2[%dma_wait3A_247, %dma_wait3A_248] : memref<100352x384xf32, #tpu.memory_space<hbm>> -> memref<64x384xf32, #tpu.memory_space<hbm>>
      tpu.wait_dma2 semaphore(%arg19 : memref<!tpu.dma_semaphore, #tpu.memory_space<semaphore_mem>>) src(%dma_wait3A_249 : memref<64x384xf32, #tpu.memory_space<hbm>>) dst(%arg9 : memref<64x384xf32, #tpu.memory_space<vmem>>)
      %ge3A_250 = arith.constant 2 : i32
      %ge3A_251 = arith.cmpi sge, %add3A_243, %ge3A_250 : i32
      %convert_element_type3A_252 = arith.extui %ge3A_251 : i1 to i32
      %cond3A_253 = arith.constant 0 : i32
      %cond3A_254 = arith.cmpi ne, %convert_element_type3A_252, %cond3A_253 : i32
      scf.if %cond3A_254 {
        %dma_wait3A_274 = arith.constant 0 : i32
        %dma_wait3A_275 = tpu.memref_slice %arg5[%mul3A_2, %dma_wait3A_274] : memref<100352x384xf32, #tpu.memory_space<hbm>> -> memref<16x384xf32, #tpu.memory_space<hbm>>
        %dma_wait3A_276 = arith.constant 0 : i32
        %dma_wait3A_277 = tpu.memref_slice %arg5[%mul3A_2, %dma_wait3A_276] : memref<100352x384xf32, #tpu.memory_space<hbm>> -> memref<16x384xf32, #tpu.memory_space<hbm>>
        tpu.wait_dma2 semaphore(%arg21 : memref<!tpu.dma_semaphore, #tpu.memory_space<semaphore_mem>>) src(%arg11 : memref<16x384xf32, #tpu.memory_space<vmem>>) dst(%dma_wait3A_277 : memref<16x384xf32, #tpu.memory_space<hbm>>)
      } else {
      }
      %scan3A_255 = arith.constant 0 : i32
      %scan3A_256 = arith.constant 16 : i32
      %scan3A_257 = arith.addi %scan3A_255, %scan3A_256 : i32
      %scan3A_258 = arith.constant 1 : i32
      scf.for %scan3A_274 = %scan3A_255 to %scan3A_257 step %scan3A_258  : i32 {
        %mul3A_275 = arith.constant 1 : i32
        %mul3A_276 = arith.muli %scan3A_274, %mul3A_275 : i32
        %add3A_277 = arith.constant 0 : i32
        %add3A_278 = arith.addi %add3A_277, %mul3A_276 : i32
        %broadcast_in_dim3A = arith.constant 0 : i32
        %broadcast_in_dim3A_279 = vector.broadcast %broadcast_in_dim3A : i32 to vector<16xi32>
        %add3A_280 = vector.broadcast %add3A_278 : i32 to vector<16xi32>
        %add3A_281 = arith.addi %broadcast_in_dim3A_279, %add3A_280 : vector<16xi32>
        %gather3A = tpu.vector_load_idx %arg13[%add3A_281] : memref<16xf32, #tpu.memory_space<vmem>>[vector<16xi32>], vector<16xf32>,
        %gather3A_282 = tpu.vector_load_idx %arg15[%add3A_281] : memref<16xf32, #tpu.memory_space<vmem>>[vector<16xi32>], vector<16xf32>,
        %sub3A_283 = arith.constant 1.000000e+00 : f32
        %sub3A_284 = vector.broadcast %sub3A_283 : f32 to vector<16xf32>
        %sub3A_285 = arith.subf %sub3A_284, %gather3A : vector<16xf32>
        %sub3A_286 = arith.constant 1.000000e+00 : f32
        %sub3A_287 = vector.broadcast %sub3A_286 : f32 to vector<16xf32>
        %sub3A_288 = arith.subf %sub3A_287, %gather3A_282 : vector<16xf32>
        %mul3A_289 = arith.mulf %sub3A_285, %sub3A_288 : vector<16xf32>
        %sub3A_290 = arith.constant 1.000000e+00 : f32
        %sub3A_291 = vector.broadcast %sub3A_290 : f32 to vector<16xf32>
        %sub3A_292 = arith.subf %sub3A_291, %gather3A_282 : vector<16xf32>
        %mul3A_293 = arith.mulf %gather3A, %sub3A_292 : vector<16xf32>
        %sub3A_294 = arith.constant 1.000000e+00 : f32
        %sub3A_295 = vector.broadcast %sub3A_294 : f32 to vector<16xf32>
        %sub3A_296 = arith.subf %sub3A_295, %gather3A : vector<16xf32>
        %mul3A_297 = arith.mulf %sub3A_296, %gather3A_282 : vector<16xf32>
        %mul3A_298 = arith.mulf %gather3A, %gather3A_282 : vector<16xf32>
        %add3A_299 = arith.constant 0 : i32
        %add3A_300 = arith.addi %add3A_299, %add3A_278 : i32
        %get3A_301 = arith.index_cast %add3A_300 : i32 to index
        %get3A_302 = arith.constant 0 : index
        %get3A_303 = tpu.vector_load %arg9[%get3A_301, %get3A_302] {strides = array<i32>} : memref<64x384xf32, #tpu.memory_space<vmem>>, vector<16xf32>,
        %mul3A_304 = arith.mulf %get3A_303, %mul3A_289 : vector<16xf32>
        %add3A_305 = arith.constant 16 : i32
        %add3A_306 = arith.addi %add3A_305, %add3A_278 : i32
        %get3A_307 = arith.index_cast %add3A_306 : i32 to index
        %get3A_308 = arith.constant 0 : index
        %get3A_309 = tpu.vector_load %arg9[%get3A_307, %get3A_308] {strides = array<i32>} : memref<64x384xf32, #tpu.memory_space<vmem>>, vector<16xf32>,
        %mul3A_310 = arith.mulf %get3A_309, %mul3A_293 : vector<16xf32>
        %add3A_311 = arith.addf %mul3A_304, %mul3A_310 : vector<16xf32>
        %add3A_312 = arith.constant 32 : i32
        %add3A_313 = arith.addi %add3A_312, %add3A_278 : i32
        %get3A_314 = arith.index_cast %add3A_313 : i32 to index
        %get3A_315 = arith.constant 0 : index
        %get3A_316 = tpu.vector_load %arg9[%get3A_314, %get3A_315] {strides = array<i32>} : memref<64x384xf32, #tpu.memory_space<vmem>>, vector<16xf32>,
        %mul3A_317 = arith.mulf %get3A_316, %mul3A_297 : vector<16xf32>
        %add3A_318 = arith.addf %add3A_311, %mul3A_317 : vector<16xf32>
        %add3A_319 = arith.constant 48 : i32
        %add3A_320 = arith.addi %add3A_319, %add3A_278 : i32
        %get3A_321 = arith.index_cast %add3A_320 : i32 to index
        %get3A_322 = arith.constant 0 : index
        %get3A_323 = tpu.vector_load %arg9[%get3A_321, %get3A_322] {strides = array<i32>} : memref<64x384xf32, #tpu.memory_space<vmem>>, vector<16xf32>,
        %mul3A_324 = arith.mulf %get3A_323, %mul3A_298 : vector<16xf32>
        %add3A_325 = arith.addf %add3A_318, %mul3A_324 : vector<16xf32>
        %swap3A_326 = arith.index_cast %add3A_278 : i32 to index
        %swap3A_327 = arith.constant 0 : index
        %swap3A_328 = tpu.vector_load %arg11[%swap3A_326, %swap3A_327] {strides = array<i32>} : memref<16x384xf32, #tpu.memory_space<vmem>>, vector<16xf32>,
        tpu.vector_store %arg11[%swap3A_326, %swap3A_327], %add3A_325 {strides = array<i32>} : memref<16x384xf32, #tpu.memory_space<vmem>>, vector<16xf32>,
        %add3A_329 = arith.constant 0 : i32
        %add3A_330 = arith.addi %add3A_329, %add3A_278 : i32
        %get3A_331 = arith.index_cast %add3A_330 : i32 to index
        %get3A_332 = arith.constant 16 : index
        %get3A_333 = tpu.vector_load %arg9[%get3A_331, %get3A_332] {strides = array<i32>} : memref<64x384xf32, #tpu.memory_space<vmem>>, vector<16xf32>,
        %mul3A_334 = arith.mulf %get3A_333, %mul3A_289 : vector<16xf32>
        %add3A_335 = arith.constant 16 : i32
        %add3A_336 = arith.addi %add3A_335, %add3A_278 : i32
        %get3A_337 = arith.index_cast %add3A_336 : i32 to index
        %get3A_338 = arith.constant 16 : index
        %get3A_339 = tpu.vector_load %arg9[%get3A_337, %get3A_338] {strides = array<i32>} : memref<64x384xf32, #tpu.memory_space<vmem>>, vector<16xf32>,
        %mul3A_340 = arith.mulf %get3A_339, %mul3A_293 : vector<16xf32>
        %add3A_341 = arith.addf %mul3A_334, %mul3A_340 : vector<16xf32>
        %add3A_342 = arith.constant 32 : i32
        %add3A_343 = arith.addi %add3A_342, %add3A_278 : i32
        %get3A_344 = arith.index_cast %add3A_343 : i32 to index
        %get3A_345 = arith.constant 16 : index
        %get3A_346 = tpu.vector_load %arg9[%get3A_344, %get3A_345] {strides = array<i32>} : memref<64x384xf32, #tpu.memory_space<vmem>>, vector<16xf32>,
        %mul3A_347 = arith.mulf %get3A_346, %mul3A_297 : vector<16xf32>
        %add3A_348 = arith.addf %add3A_341, %mul3A_347 : vector<16xf32>
        %add3A_349 = arith.constant 48 : i32
        %add3A_350 = arith.addi %add3A_349, %add3A_278 : i32
        %get3A_351 = arith.index_cast %add3A_350 : i32 to index
        %get3A_352 = arith.constant 16 : index
        %get3A_353 = tpu.vector_load %arg9[%get3A_351, %get3A_352] {strides = array<i32>} : memref<64x384xf32, #tpu.memory_space<vmem>>, vector<16xf32>,
        %mul3A_354 = arith.mulf %get3A_353, %mul3A_298 : vector<16xf32>
        %add3A_355 = arith.addf %add3A_348, %mul3A_354 : vector<16xf32>
        %swap3A_356 = arith.index_cast %add3A_278 : i32 to index
        %swap3A_357 = arith.constant 16 : index
        %swap3A_358 = tpu.vector_load %arg11[%swap3A_356, %swap3A_357] {strides = array<i32>} : memref<16x384xf32, #tpu.memory_space<vmem>>, vector<16xf32>,
        tpu.vector_store %arg11[%swap3A_356, %swap3A_357], %add3A_355 {strides = array<i32>} : memref<16x384xf32, #tpu.memory_space<vmem>>, vector<16xf32>,
        %add3A_359 = arith.constant 0 : i32
        %add3A_360 = arith.addi %add3A_359, %add3A_278 : i32
        %get3A_361 = arith.index_cast %add3A_360 : i32 to index
        %get3A_362 = arith.constant 32 : index
        %get3A_363 = tpu.vector_load %arg9[%get3A_361, %get3A_362] {strides = array<i32>} : memref<64x384xf32, #tpu.memory_space<vmem>>, vector<16xf32>,
        %mul3A_364 = arith.mulf %get3A_363, %mul3A_289 : vector<16xf32>
        %add3A_365 = arith.constant 16 : i32
        %add3A_366 = arith.addi %add3A_365, %add3A_278 : i32
        %get3A_367 = arith.index_cast %add3A_366 : i32 to index
        %get3A_368 = arith.constant 32 : index
        %get3A_369 = tpu.vector_load %arg9[%get3A_367, %get3A_368] {strides = array<i32>} : memref<64x384xf32, #tpu.memory_space<vmem>>, vector<16xf32>,
        %mul3A_370 = arith.mulf %get3A_369, %mul3A_293 : vector<16xf32>
        %add3A_371 = arith.addf %mul3A_364, %mul3A_370 : vector<16xf32>
        %add3A_372 = arith.constant 32 : i32
        %add3A_373 = arith.addi %add3A_372, %add3A_278 : i32
        %get3A_374 = arith.index_cast %add3A_373 : i32 to index
        %get3A_375 = arith.constant 32 : index
        %get3A_376 = tpu.vector_load %arg9[%get3A_374, %get3A_375] {strides = array<i32>} : memref<64x384xf32, #tpu.memory_space<vmem>>, vector<16xf32>,
        %mul3A_377 = arith.mulf %get3A_376, %mul3A_297 : vector<16xf32>
        %add3A_378 = arith.addf %add3A_371, %mul3A_377 : vector<16xf32>
        %add3A_379 = arith.constant 48 : i32
        %add3A_380 = arith.addi %add3A_379, %add3A_278 : i32
        %get3A_381 = arith.index_cast %add3A_380 : i32 to index
        %get3A_382 = arith.constant 32 : index
        %get3A_383 = tpu.vector_load %arg9[%get3A_381, %get3A_382] {strides = array<i32>} : memref<64x384xf32, #tpu.memory_space<vmem>>, vector<16xf32>,
        %mul3A_384 = arith.mulf %get3A_383, %mul3A_298 : vector<16xf32>
        %add3A_385 = arith.addf %add3A_378, %mul3A_384 : vector<16xf32>
        %swap3A_386 = arith.index_cast %add3A_278 : i32 to index
        %swap3A_387 = arith.constant 32 : index
        %swap3A_388 = tpu.vector_load %arg11[%swap3A_386, %swap3A_387] {strides = array<i32>} : memref<16x384xf32, #tpu.memory_space<vmem>>, vector<16xf32>,
        tpu.vector_store %arg11[%swap3A_386, %swap3A_387], %add3A_385 {strides = array<i32>} : memref<16x384xf32, #tpu.memory_space<vmem>>, vector<16xf32>,
        %add3A_389 = arith.constant 0 : i32
        %add3A_390 = arith.addi %add3A_389, %add3A_278 : i32
        %get3A_391 = arith.index_cast %add3A_390 : i32 to index
        %get3A_392 = arith.constant 48 : index
        %get3A_393 = tpu.vector_load %arg9[%get3A_391, %get3A_392] {strides = array<i32>} : memref<64x384xf32, #tpu.memory_space<vmem>>, vector<16xf32>,
        %mul3A_394 = arith.mulf %get3A_393, %mul3A_289 : vector<16xf32>
        %add3A_395 = arith.constant 16 : i32
        %add3A_396 = arith.addi %add3A_395, %add3A_278 : i32
        %get3A_397 = arith.index_cast %add3A_396 : i32 to index
        %get3A_398 = arith.constant 48 : index
        %get3A_399 = tpu.vector_load %arg9[%get3A_397, %get3A_398] {strides = array<i32>} : memref<64x384xf32, #tpu.memory_space<vmem>>, vector<16xf32>,
        %mul3A_400 = arith.mulf %get3A_399, %mul3A_293 : vector<16xf32>
        %add3A_401 = arith.addf %mul3A_394, %mul3A_400 : vector<16xf32>
        %add3A_402 = arith.constant 32 : i32
        %add3A_403 = arith.addi %add3A_402, %add3A_278 : i32
        %get3A_404 = arith.index_cast %add3A_403 : i32 to index
        %get3A_405 = arith.constant 48 : index
        %get3A_406 = tpu.vector_load %arg9[%get3A_404, %get3A_405] {strides = array<i32>} : memref<64x384xf32, #tpu.memory_space<vmem>>, vector<16xf32>,
        %mul3A_407 = arith.mulf %get3A_406, %mul3A_297 : vector<16xf32>
        %add3A_408 = arith.addf %add3A_401, %mul3A_407 : vector<16xf32>
        %add3A_409 = arith.constant 48 : i32
        %add3A_410 = arith.addi %add3A_409, %add3A_278 : i32
        %get3A_411 = arith.index_cast %add3A_410 : i32 to index
        %get3A_412 = arith.constant 48 : index
        %get3A_413 = tpu.vector_load %arg9[%get3A_411, %get3A_412] {strides = array<i32>} : memref<64x384xf32, #tpu.memory_space<vmem>>, vector<16xf32>,
        %mul3A_414 = arith.mulf %get3A_413, %mul3A_298 : vector<16xf32>
        %add3A_415 = arith.addf %add3A_408, %mul3A_414 : vector<16xf32>
        %swap3A_416 = arith.index_cast %add3A_278 : i32 to index
        %swap3A_417 = arith.constant 48 : index
        %swap3A_418 = tpu.vector_load %arg11[%swap3A_416, %swap3A_417] {strides = array<i32>} : memref<16x384xf32, #tpu.memory_space<vmem>>, vector<16xf32>,
        tpu.vector_store %arg11[%swap3A_416, %swap3A_417], %add3A_415 {strides = array<i32>} : memref<16x384xf32, #tpu.memory_space<vmem>>, vector<16xf32>,
        %add3A_419 = arith.constant 0 : i32
        %add3A_420 = arith.addi %add3A_419, %add3A_278 : i32
        %get3A_421 = arith.index_cast %add3A_420 : i32 to index
        %get3A_422 = arith.constant 64 : index
        %get3A_423 = tpu.vector_load %arg9[%get3A_421, %get3A_422] {strides = array<i32>} : memref<64x384xf32, #tpu.memory_space<vmem>>, vector<16xf32>,
        %mul3A_424 = arith.mulf %get3A_423, %mul3A_289 : vector<16xf32>
        %add3A_425 = arith.constant 16 : i32
        %add3A_426 = arith.addi %add3A_425, %add3A_278 : i32
        %get3A_427 = arith.index_cast %add3A_426 : i32 to index
        %get3A_428 = arith.constant 64 : index
        %get3A_429 = tpu.vector_load %arg9[%get3A_427, %get3A_428] {strides = array<i32>} : memref<64x384xf32, #tpu.memory_space<vmem>>, vector<16xf32>,
        %mul3A_430 = arith.mulf %get3A_429, %mul3A_293 : vector<16xf32>
        %add3A_431 = arith.addf %mul3A_424, %mul3A_430 : vector<16xf32>
        %add3A_432 = arith.constant 32 : i32
        %add3A_433 = arith.addi %add3A_432, %add3A_278 : i32
        %get3A_434 = arith.index_cast %add3A_433 : i32 to index
        %get3A_435 = arith.constant 64 : index
        %get3A_436 = tpu.vector_load %arg9[%get3A_434, %get3A_435] {strides = array<i32>} : memref<64x384xf32, #tpu.memory_space<vmem>>, vector<16xf32>,
        %mul3A_437 = arith.mulf %get3A_436, %mul3A_297 : vector<16xf32>
        %add3A_438 = arith.addf %add3A_431, %mul3A_437 : vector<16xf32>
        %add3A_439 = arith.constant 48 : i32
        %add3A_440 = arith.addi %add3A_439, %add3A_278 : i32
        %get3A_441 = arith.index_cast %add3A_440 : i32 to index
        %get3A_442 = arith.constant 64 : index
        %get3A_443 = tpu.vector_load %arg9[%get3A_441, %get3A_442] {strides = array<i32>} : memref<64x384xf32, #tpu.memory_space<vmem>>, vector<16xf32>,
        %mul3A_444 = arith.mulf %get3A_443, %mul3A_298 : vector<16xf32>
        %add3A_445 = arith.addf %add3A_438, %mul3A_444 : vector<16xf32>
        %swap3A_446 = arith.index_cast %add3A_278 : i32 to index
        %swap3A_447 = arith.constant 64 : index
        %swap3A_448 = tpu.vector_load %arg11[%swap3A_446, %swap3A_447] {strides = array<i32>} : memref<16x384xf32, #tpu.memory_space<vmem>>, vector<16xf32>,
        tpu.vector_store %arg11[%swap3A_446, %swap3A_447], %add3A_445 {strides = array<i32>} : memref<16x384xf32, #tpu.memory_space<vmem>>, vector<16xf32>,
        %add3A_449 = arith.constant 0 : i32
        %add3A_450 = arith.addi %add3A_449, %add3A_278 : i32
        %get3A_451 = arith.index_cast %add3A_450 : i32 to index
        %get3A_452 = arith.constant 80 : index
        %get3A_453 = tpu.vector_load %arg9[%get3A_451, %get3A_452] {strides = array<i32>} : memref<64x384xf32, #tpu.memory_space<vmem>>, vector<16xf32>,
        %mul3A_454 = arith.mulf %get3A_453, %mul3A_289 : vector<16xf32>
        %add3A_455 = arith.constant 16 : i32
        %add3A_456 = arith.addi %add3A_455, %add3A_278 : i32
        %get3A_457 = arith.index_cast %add3A_456 : i32 to index
        %get3A_458 = arith.constant 80 : index
        %get3A_459 = tpu.vector_load %arg9[%get3A_457, %get3A_458] {strides = array<i32>} : memref<64x384xf32, #tpu.memory_space<vmem>>, vector<16xf32>,
        %mul3A_460 = arith.mulf %get3A_459, %mul3A_293 : vector<16xf32>
        %add3A_461 = arith.addf %mul3A_454, %mul3A_460 : vector<16xf32>
        %add3A_462 = arith.constant 32 : i32
        %add3A_463 = arith.addi %add3A_462, %add3A_278 : i32
        %get3A_464 = arith.index_cast %add3A_463 : i32 to index
        %get3A_465 = arith.constant 80 : index
        %get3A_466 = tpu.vector_load %arg9[%get3A_464, %get3A_465] {strides = array<i32>} : memref<64x384xf32, #tpu.memory_space<vmem>>, vector<16xf32>,
        %mul3A_467 = arith.mulf %get3A_466, %mul3A_297 : vector<16xf32>
        %add3A_468 = arith.addf %add3A_461, %mul3A_467 : vector<16xf32>
        %add3A_469 = arith.constant 48 : i32
        %add3A_470 = arith.addi %add3A_469, %add3A_278 : i32
        %get3A_471 = arith.index_cast %add3A_470 : i32 to index
        %get3A_472 = arith.constant 80 : index
        %get3A_473 = tpu.vector_load %arg9[%get3A_471, %get3A_472] {strides = array<i32>} : memref<64x384xf32, #tpu.memory_space<vmem>>, vector<16xf32>,
        %mul3A_474 = arith.mulf %get3A_473, %mul3A_298 : vector<16xf32>
        %add3A_475 = arith.addf %add3A_468, %mul3A_474 : vector<16xf32>
        %swap3A_476 = arith.index_cast %add3A_278 : i32 to index
        %swap3A_477 = arith.constant 80 : index
        %swap3A_478 = tpu.vector_load %arg11[%swap3A_476, %swap3A_477] {strides = array<i32>} : memref<16x384xf32, #tpu.memory_space<vmem>>, vector<16xf32>,
        tpu.vector_store %arg11[%swap3A_476, %swap3A_477], %add3A_475 {strides = array<i32>} : memref<16x384xf32, #tpu.memory_space<vmem>>, vector<16xf32>,
        %add3A_479 = arith.constant 0 : i32
        %add3A_480 = arith.addi %add3A_479, %add3A_278 : i32
        %get3A_481 = arith.index_cast %add3A_480 : i32 to index
        %get3A_482 = arith.constant 96 : index
        %get3A_483 = tpu.vector_load %arg9[%get3A_481, %get3A_482] {strides = array<i32>} : memref<64x384xf32, #tpu.memory_space<vmem>>, vector<16xf32>,
        %mul3A_484 = arith.mulf %get3A_483, %mul3A_289 : vector<16xf32>
        %add3A_485 = arith.constant 16 : i32
        %add3A_486 = arith.addi %add3A_485, %add3A_278 : i32
        %get3A_487 = arith.index_cast %add3A_486 : i32 to index
        %get3A_488 = arith.constant 96 : index
        %get3A_489 = tpu.vector_load %arg9[%get3A_487, %get3A_488] {strides = array<i32>} : memref<64x384xf32, #tpu.memory_space<vmem>>, vector<16xf32>,
        %mul3A_490 = arith.mulf %get3A_489, %mul3A_293 : vector<16xf32>
        %add3A_491 = arith.addf %mul3A_484, %mul3A_490 : vector<16xf32>
        %add3A_492 = arith.constant 32 : i32
        %add3A_493 = arith.addi %add3A_492, %add3A_278 : i32
        %get3A_494 = arith.index_cast %add3A_493 : i32 to index
        %get3A_495 = arith.constant 96 : index
        %get3A_496 = tpu.vector_load %arg9[%get3A_494, %get3A_495] {strides = array<i32>} : memref<64x384xf32, #tpu.memory_space<vmem>>, vector<16xf32>,
        %mul3A_497 = arith.mulf %get3A_496, %mul3A_297 : vector<16xf32>
        %add3A_498 = arith.addf %add3A_491, %mul3A_497 : vector<16xf32>
        %add3A_499 = arith.constant 48 : i32
        %add3A_500 = arith.addi %add3A_499, %add3A_278 : i32
        %get3A_501 = arith.index_cast %add3A_500 : i32 to index
        %get3A_502 = arith.constant 96 : index
        %get3A_503 = tpu.vector_load %arg9[%get3A_501, %get3A_502] {strides = array<i32>} : memref<64x384xf32, #tpu.memory_space<vmem>>, vector<16xf32>,
        %mul3A_504 = arith.mulf %get3A_503, %mul3A_298 : vector<16xf32>
        %add3A_505 = arith.addf %add3A_498, %mul3A_504 : vector<16xf32>
        %swap3A_506 = arith.index_cast %add3A_278 : i32 to index
        %swap3A_507 = arith.constant 96 : index
        %swap3A_508 = tpu.vector_load %arg11[%swap3A_506, %swap3A_507] {strides = array<i32>} : memref<16x384xf32, #tpu.memory_space<vmem>>, vector<16xf32>,
        tpu.vector_store %arg11[%swap3A_506, %swap3A_507], %add3A_505 {strides = array<i32>} : memref<16x384xf32, #tpu.memory_space<vmem>>, vector<16xf32>,
        %add3A_509 = arith.constant 0 : i32
        %add3A_510 = arith.addi %add3A_509, %add3A_278 : i32
        %get3A_511 = arith.index_cast %add3A_510 : i32 to index
        %get3A_512 = arith.constant 112 : index
        %get3A_513 = tpu.vector_load %arg9[%get3A_511, %get3A_512] {strides = array<i32>} : memref<64x384xf32, #tpu.memory_space<vmem>>, vector<16xf32>,
        %mul3A_514 = arith.mulf %get3A_513, %mul3A_289 : vector<16xf32>
        %add3A_515 = arith.constant 16 : i32
        %add3A_516 = arith.addi %add3A_515, %add3A_278 : i32
        %get3A_517 = arith.index_cast %add3A_516 : i32 to index
        %get3A_518 = arith.constant 112 : index
        %get3A_519 = tpu.vector_load %arg9[%get3A_517, %get3A_518] {strides = array<i32>} : memref<64x384xf32, #tpu.memory_space<vmem>>, vector<16xf32>,
        %mul3A_520 = arith.mulf %get3A_519, %mul3A_293 : vector<16xf32>
        %add3A_521 = arith.addf %mul3A_514, %mul3A_520 : vector<16xf32>
        %add3A_522 = arith.constant 32 : i32
        %add3A_523 = arith.addi %add3A_522, %add3A_278 : i32
        %get3A_524 = arith.index_cast %add3A_523 : i32 to index
        %get3A_525 = arith.constant 112 : index
        %get3A_526 = tpu.vector_load %arg9[%get3A_524, %get3A_525] {strides = array<i32>} : memref<64x384xf32, #tpu.memory_space<vmem>>, vector<16xf32>,
        %mul3A_527 = arith.mulf %get3A_526, %mul3A_297 : vector<16xf32>
        %add3A_528 = arith.addf %add3A_521, %mul3A_527 : vector<16xf32>
        %add3A_529 = arith.constant 48 : i32
        %add3A_530 = arith.addi %add3A_529, %add3A_278 : i32
        %get3A_531 = arith.index_cast %add3A_530 : i32 to index
        %get3A_532 = arith.constant 112 : index
        %get3A_533 = tpu.vector_load %arg9[%get3A_531, %get3A_532] {strides = array<i32>} : memref<64x384xf32, #tpu.memory_space<vmem>>, vector<16xf32>,
        %mul3A_534 = arith.mulf %get3A_533, %mul3A_298 : vector<16xf32>
        %add3A_535 = arith.addf %add3A_528, %mul3A_534 : vector<16xf32>
        %swap3A_536 = arith.index_cast %add3A_278 : i32 to index
        %swap3A_537 = arith.constant 112 : index
        %swap3A_538 = tpu.vector_load %arg11[%swap3A_536, %swap3A_537] {strides = array<i32>} : memref<16x384xf32, #tpu.memory_space<vmem>>, vector<16xf32>,
        tpu.vector_store %arg11[%swap3A_536, %swap3A_537], %add3A_535 {strides = array<i32>} : memref<16x384xf32, #tpu.memory_space<vmem>>, vector<16xf32>,
        %add3A_539 = arith.constant 0 : i32
        %add3A_540 = arith.addi %add3A_539, %add3A_278 : i32
        %get3A_541 = arith.index_cast %add3A_540 : i32 to index
        %get3A_542 = arith.constant 128 : index
        %get3A_543 = tpu.vector_load %arg9[%get3A_541, %get3A_542] {strides = array<i32>} : memref<64x384xf32, #tpu.memory_space<vmem>>, vector<16xf32>,
        %mul3A_544 = arith.mulf %get3A_543, %mul3A_289 : vector<16xf32>
        %add3A_545 = arith.constant 16 : i32
        %add3A_546 = arith.addi %add3A_545, %add3A_278 : i32
        %get3A_547 = arith.index_cast %add3A_546 : i32 to index
        %get3A_548 = arith.constant 128 : index
        %get3A_549 = tpu.vector_load %arg9[%get3A_547, %get3A_548] {strides = array<i32>} : memref<64x384xf32, #tpu.memory_space<vmem>>, vector<16xf32>,
        %mul3A_550 = arith.mulf %get3A_549, %mul3A_293 : vector<16xf32>
        %add3A_551 = arith.addf %mul3A_544, %mul3A_550 : vector<16xf32>
        %add3A_552 = arith.constant 32 : i32
        %add3A_553 = arith.addi %add3A_552, %add3A_278 : i32
        %get3A_554 = arith.index_cast %add3A_553 : i32 to index
        %get3A_555 = arith.constant 128 : index
        %get3A_556 = tpu.vector_load %arg9[%get3A_554, %get3A_555] {strides = array<i32>} : memref<64x384xf32, #tpu.memory_space<vmem>>, vector<16xf32>,
        %mul3A_557 = arith.mulf %get3A_556, %mul3A_297 : vector<16xf32>
        %add3A_558 = arith.addf %add3A_551, %mul3A_557 : vector<16xf32>
        %add3A_559 = arith.constant 48 : i32
        %add3A_560 = arith.addi %add3A_559, %add3A_278 : i32
        %get3A_561 = arith.index_cast %add3A_560 : i32 to index
        %get3A_562 = arith.constant 128 : index
        %get3A_563 = tpu.vector_load %arg9[%get3A_561, %get3A_562] {strides = array<i32>} : memref<64x384xf32, #tpu.memory_space<vmem>>, vector<16xf32>,
        %mul3A_564 = arith.mulf %get3A_563, %mul3A_298 : vector<16xf32>
        %add3A_565 = arith.addf %add3A_558, %mul3A_564 : vector<16xf32>
        %swap3A_566 = arith.index_cast %add3A_278 : i32 to index
        %swap3A_567 = arith.constant 128 : index
        %swap3A_568 = tpu.vector_load %arg11[%swap3A_566, %swap3A_567] {strides = array<i32>} : memref<16x384xf32, #tpu.memory_space<vmem>>, vector<16xf32>,
        tpu.vector_store %arg11[%swap3A_566, %swap3A_567], %add3A_565 {strides = array<i32>} : memref<16x384xf32, #tpu.memory_space<vmem>>, vector<16xf32>,
        %add3A_569 = arith.constant 0 : i32
        %add3A_570 = arith.addi %add3A_569, %add3A_278 : i32
        %get3A_571 = arith.index_cast %add3A_570 : i32 to index
        %get3A_572 = arith.constant 144 : index
        %get3A_573 = tpu.vector_load %arg9[%get3A_571, %get3A_572] {strides = array<i32>} : memref<64x384xf32, #tpu.memory_space<vmem>>, vector<16xf32>,
        %mul3A_574 = arith.mulf %get3A_573, %mul3A_289 : vector<16xf32>
        %add3A_575 = arith.constant 16 : i32
        %add3A_576 = arith.addi %add3A_575, %add3A_278 : i32
        %get3A_577 = arith.index_cast %add3A_576 : i32 to index
        %get3A_578 = arith.constant 144 : index
        %get3A_579 = tpu.vector_load %arg9[%get3A_577, %get3A_578] {strides = array<i32>} : memref<64x384xf32, #tpu.memory_space<vmem>>, vector<16xf32>,
        %mul3A_580 = arith.mulf %get3A_579, %mul3A_293 : vector<16xf32>
        %add3A_581 = arith.addf %mul3A_574, %mul3A_580 : vector<16xf32>
        %add3A_582 = arith.constant 32 : i32
        %add3A_583 = arith.addi %add3A_582, %add3A_278 : i32
        %get3A_584 = arith.index_cast %add3A_583 : i32 to index
        %get3A_585 = arith.constant 144 : index
        %get3A_586 = tpu.vector_load %arg9[%get3A_584, %get3A_585] {strides = array<i32>} : memref<64x384xf32, #tpu.memory_space<vmem>>, vector<16xf32>,
        %mul3A_587 = arith.mulf %get3A_586, %mul3A_297 : vector<16xf32>
        %add3A_588 = arith.addf %add3A_581, %mul3A_587 : vector<16xf32>
        %add3A_589 = arith.constant 48 : i32
        %add3A_590 = arith.addi %add3A_589, %add3A_278 : i32
        %get3A_591 = arith.index_cast %add3A_590 : i32 to index
        %get3A_592 = arith.constant 144 : index
        %get3A_593 = tpu.vector_load %arg9[%get3A_591, %get3A_592] {strides = array<i32>} : memref<64x384xf32, #tpu.memory_space<vmem>>, vector<16xf32>,
        %mul3A_594 = arith.mulf %get3A_593, %mul3A_298 : vector<16xf32>
        %add3A_595 = arith.addf %add3A_588, %mul3A_594 : vector<16xf32>
        %swap3A_596 = arith.index_cast %add3A_278 : i32 to index
        %swap3A_597 = arith.constant 144 : index
        %swap3A_598 = tpu.vector_load %arg11[%swap3A_596, %swap3A_597] {strides = array<i32>} : memref<16x384xf32, #tpu.memory_space<vmem>>, vector<16xf32>,
        tpu.vector_store %arg11[%swap3A_596, %swap3A_597], %add3A_595 {strides = array<i32>} : memref<16x384xf32, #tpu.memory_space<vmem>>, vector<16xf32>,
        %add3A_599 = arith.constant 0 : i32
        %add3A_600 = arith.addi %add3A_599, %add3A_278 : i32
        %get3A_601 = arith.index_cast %add3A_600 : i32 to index
        %get3A_602 = arith.constant 160 : index
        %get3A_603 = tpu.vector_load %arg9[%get3A_601, %get3A_602] {strides = array<i32>} : memref<64x384xf32, #tpu.memory_space<vmem>>, vector<16xf32>,
        %mul3A_604 = arith.mulf %get3A_603, %mul3A_289 : vector<16xf32>
        %add3A_605 = arith.constant 16 : i32
        %add3A_606 = arith.addi %add3A_605, %add3A_278 : i32
        %get3A_607 = arith.index_cast %add3A_606 : i32 to index
        %get3A_608 = arith.constant 160 : index
        %get3A_609 = tpu.vector_load %arg9[%get3A_607, %get3A_608] {strides = array<i32>} : memref<64x384xf32, #tpu.memory_space<vmem>>, vector<16xf32>,
        %mul3A_610 = arith.mulf %get3A_609, %mul3A_293 : vector<16xf32>
        %add3A_611 = arith.addf %mul3A_604, %mul3A_610 : vector<16xf32>
        %add3A_612 = arith.constant 32 : i32
        %add3A_613 = arith.addi %add3A_612, %add3A_278 : i32
        %get3A_614 = arith.index_cast %add3A_613 : i32 to index
        %get3A_615 = arith.constant 160 : index
        %get3A_616 = tpu.vector_load %arg9[%get3A_614, %get3A_615] {strides = array<i32>} : memref<64x384xf32, #tpu.memory_space<vmem>>, vector<16xf32>,
        %mul3A_617 = arith.mulf %get3A_616, %mul3A_297 : vector<16xf32>
        %add3A_618 = arith.addf %add3A_611, %mul3A_617 : vector<16xf32>
        %add3A_619 = arith.constant 48 : i32
        %add3A_620 = arith.addi %add3A_619, %add3A_278 : i32
        %get3A_621 = arith.index_cast %add3A_620 : i32 to index
        %get3A_622 = arith.constant 160 : index
        %get3A_623 = tpu.vector_load %arg9[%get3A_621, %get3A_622] {strides = array<i32>} : memref<64x384xf32, #tpu.memory_space<vmem>>, vector<16xf32>,
        %mul3A_624 = arith.mulf %get3A_623, %mul3A_298 : vector<16xf32>
        %add3A_625 = arith.addf %add3A_618, %mul3A_624 : vector<16xf32>
        %swap3A_626 = arith.index_cast %add3A_278 : i32 to index
        %swap3A_627 = arith.constant 160 : index
        %swap3A_628 = tpu.vector_load %arg11[%swap3A_626, %swap3A_627] {strides = array<i32>} : memref<16x384xf32, #tpu.memory_space<vmem>>, vector<16xf32>,
        tpu.vector_store %arg11[%swap3A_626, %swap3A_627], %add3A_625 {strides = array<i32>} : memref<16x384xf32, #tpu.memory_space<vmem>>, vector<16xf32>,
        %add3A_629 = arith.constant 0 : i32
        %add3A_630 = arith.addi %add3A_629, %add3A_278 : i32
        %get3A_631 = arith.index_cast %add3A_630 : i32 to index
        %get3A_632 = arith.constant 176 : index
        %get3A_633 = tpu.vector_load %arg9[%get3A_631, %get3A_632] {strides = array<i32>} : memref<64x384xf32, #tpu.memory_space<vmem>>, vector<16xf32>,
        %mul3A_634 = arith.mulf %get3A_633, %mul3A_289 : vector<16xf32>
        %add3A_635 = arith.constant 16 : i32
        %add3A_636 = arith.addi %add3A_635, %add3A_278 : i32
        %get3A_637 = arith.index_cast %add3A_636 : i32 to index
        %get3A_638 = arith.constant 176 : index
        %get3A_639 = tpu.vector_load %arg9[%get3A_637, %get3A_638] {strides = array<i32>} : memref<64x384xf32, #tpu.memory_space<vmem>>, vector<16xf32>,
        %mul3A_640 = arith.mulf %get3A_639, %mul3A_293 : vector<16xf32>
        %add3A_641 = arith.addf %mul3A_634, %mul3A_640 : vector<16xf32>
        %add3A_642 = arith.constant 32 : i32
        %add3A_643 = arith.addi %add3A_642, %add3A_278 : i32
        %get3A_644 = arith.index_cast %add3A_643 : i32 to index
        %get3A_645 = arith.constant 176 : index
        %get3A_646 = tpu.vector_load %arg9[%get3A_644, %get3A_645] {strides = array<i32>} : memref<64x384xf32, #tpu.memory_space<vmem>>, vector<16xf32>,
        %mul3A_647 = arith.mulf %get3A_646, %mul3A_297 : vector<16xf32>
        %add3A_648 = arith.addf %add3A_641, %mul3A_647 : vector<16xf32>
        %add3A_649 = arith.constant 48 : i32
        %add3A_650 = arith.addi %add3A_649, %add3A_278 : i32
        %get3A_651 = arith.index_cast %add3A_650 : i32 to index
        %get3A_652 = arith.constant 176 : index
        %get3A_653 = tpu.vector_load %arg9[%get3A_651, %get3A_652] {strides = array<i32>} : memref<64x384xf32, #tpu.memory_space<vmem>>, vector<16xf32>,
        %mul3A_654 = arith.mulf %get3A_653, %mul3A_298 : vector<16xf32>
        %add3A_655 = arith.addf %add3A_648, %mul3A_654 : vector<16xf32>
        %swap3A_656 = arith.index_cast %add3A_278 : i32 to index
        %swap3A_657 = arith.constant 176 : index
        %swap3A_658 = tpu.vector_load %arg11[%swap3A_656, %swap3A_657] {strides = array<i32>} : memref<16x384xf32, #tpu.memory_space<vmem>>, vector<16xf32>,
        tpu.vector_store %arg11[%swap3A_656, %swap3A_657], %add3A_655 {strides = array<i32>} : memref<16x384xf32, #tpu.memory_space<vmem>>, vector<16xf32>,
        %add3A_659 = arith.constant 0 : i32
        %add3A_660 = arith.addi %add3A_659, %add3A_278 : i32
        %get3A_661 = arith.index_cast %add3A_660 : i32 to index
        %get3A_662 = arith.constant 192 : index
        %get3A_663 = tpu.vector_load %arg9[%get3A_661, %get3A_662] {strides = array<i32>} : memref<64x384xf32, #tpu.memory_space<vmem>>, vector<16xf32>,
        %mul3A_664 = arith.mulf %get3A_663, %mul3A_289 : vector<16xf32>
        %add3A_665 = arith.constant 16 : i32
        %add3A_666 = arith.addi %add3A_665, %add3A_278 : i32
        %get3A_667 = arith.index_cast %add3A_666 : i32 to index
        %get3A_668 = arith.constant 192 : index
        %get3A_669 = tpu.vector_load %arg9[%get3A_667, %get3A_668] {strides = array<i32>} : memref<64x384xf32, #tpu.memory_space<vmem>>, vector<16xf32>,
        %mul3A_670 = arith.mulf %get3A_669, %mul3A_293 : vector<16xf32>
        %add3A_671 = arith.addf %mul3A_664, %mul3A_670 : vector<16xf32>
        %add3A_672 = arith.constant 32 : i32
        %add3A_673 = arith.addi %add3A_672, %add3A_278 : i32
        %get3A_674 = arith.index_cast %add3A_673 : i32 to index
        %get3A_675 = arith.constant 192 : index
        %get3A_676 = tpu.vector_load %arg9[%get3A_674, %get3A_675] {strides = array<i32>} : memref<64x384xf32, #tpu.memory_space<vmem>>, vector<16xf32>,
        %mul3A_677 = arith.mulf %get3A_676, %mul3A_297 : vector<16xf32>
        %add3A_678 = arith.addf %add3A_671, %mul3A_677 : vector<16xf32>
        %add3A_679 = arith.constant 48 : i32
        %add3A_680 = arith.addi %add3A_679, %add3A_278 : i32
        %get3A_681 = arith.index_cast %add3A_680 : i32 to index
        %get3A_682 = arith.constant 192 : index
        %get3A_683 = tpu.vector_load %arg9[%get3A_681, %get3A_682] {strides = array<i32>} : memref<64x384xf32, #tpu.memory_space<vmem>>, vector<16xf32>,
        %mul3A_684 = arith.mulf %get3A_683, %mul3A_298 : vector<16xf32>
        %add3A_685 = arith.addf %add3A_678, %mul3A_684 : vector<16xf32>
        %swap3A_686 = arith.index_cast %add3A_278 : i32 to index
        %swap3A_687 = arith.constant 192 : index
        %swap3A_688 = tpu.vector_load %arg11[%swap3A_686, %swap3A_687] {strides = array<i32>} : memref<16x384xf32, #tpu.memory_space<vmem>>, vector<16xf32>,
        tpu.vector_store %arg11[%swap3A_686, %swap3A_687], %add3A_685 {strides = array<i32>} : memref<16x384xf32, #tpu.memory_space<vmem>>, vector<16xf32>,
        %add3A_689 = arith.constant 0 : i32
        %add3A_690 = arith.addi %add3A_689, %add3A_278 : i32
        %get3A_691 = arith.index_cast %add3A_690 : i32 to index
        %get3A_692 = arith.constant 208 : index
        %get3A_693 = tpu.vector_load %arg9[%get3A_691, %get3A_692] {strides = array<i32>} : memref<64x384xf32, #tpu.memory_space<vmem>>, vector<16xf32>,
        %mul3A_694 = arith.mulf %get3A_693, %mul3A_289 : vector<16xf32>
        %add3A_695 = arith.constant 16 : i32
        %add3A_696 = arith.addi %add3A_695, %add3A_278 : i32
        %get3A_697 = arith.index_cast %add3A_696 : i32 to index
        %get3A_698 = arith.constant 208 : index
        %get3A_699 = tpu.vector_load %arg9[%get3A_697, %get3A_698] {strides = array<i32>} : memref<64x384xf32, #tpu.memory_space<vmem>>, vector<16xf32>,
        %mul3A_700 = arith.mulf %get3A_699, %mul3A_293 : vector<16xf32>
        %add3A_701 = arith.addf %mul3A_694, %mul3A_700 : vector<16xf32>
        %add3A_702 = arith.constant 32 : i32
        %add3A_703 = arith.addi %add3A_702, %add3A_278 : i32
        %get3A_704 = arith.index_cast %add3A_703 : i32 to index
        %get3A_705 = arith.constant 208 : index
        %get3A_706 = tpu.vector_load %arg9[%get3A_704, %get3A_705] {strides = array<i32>} : memref<64x384xf32, #tpu.memory_space<vmem>>, vector<16xf32>,
        %mul3A_707 = arith.mulf %get3A_706, %mul3A_297 : vector<16xf32>
        %add3A_708 = arith.addf %add3A_701, %mul3A_707 : vector<16xf32>
        %add3A_709 = arith.constant 48 : i32
        %add3A_710 = arith.addi %add3A_709, %add3A_278 : i32
        %get3A_711 = arith.index_cast %add3A_710 : i32 to index
        %get3A_712 = arith.constant 208 : index
        %get3A_713 = tpu.vector_load %arg9[%get3A_711, %get3A_712] {strides = array<i32>} : memref<64x384xf32, #tpu.memory_space<vmem>>, vector<16xf32>,
        %mul3A_714 = arith.mulf %get3A_713, %mul3A_298 : vector<16xf32>
        %add3A_715 = arith.addf %add3A_708, %mul3A_714 : vector<16xf32>
        %swap3A_716 = arith.index_cast %add3A_278 : i32 to index
        %swap3A_717 = arith.constant 208 : index
        %swap3A_718 = tpu.vector_load %arg11[%swap3A_716, %swap3A_717] {strides = array<i32>} : memref<16x384xf32, #tpu.memory_space<vmem>>, vector<16xf32>,
        tpu.vector_store %arg11[%swap3A_716, %swap3A_717], %add3A_715 {strides = array<i32>} : memref<16x384xf32, #tpu.memory_space<vmem>>, vector<16xf32>,
        %add3A_719 = arith.constant 0 : i32
        %add3A_720 = arith.addi %add3A_719, %add3A_278 : i32
        %get3A_721 = arith.index_cast %add3A_720 : i32 to index
        %get3A_722 = arith.constant 224 : index
        %get3A_723 = tpu.vector_load %arg9[%get3A_721, %get3A_722] {strides = array<i32>} : memref<64x384xf32, #tpu.memory_space<vmem>>, vector<16xf32>,
        %mul3A_724 = arith.mulf %get3A_723, %mul3A_289 : vector<16xf32>
        %add3A_725 = arith.constant 16 : i32
        %add3A_726 = arith.addi %add3A_725, %add3A_278 : i32
        %get3A_727 = arith.index_cast %add3A_726 : i32 to index
        %get3A_728 = arith.constant 224 : index
        %get3A_729 = tpu.vector_load %arg9[%get3A_727, %get3A_728] {strides = array<i32>} : memref<64x384xf32, #tpu.memory_space<vmem>>, vector<16xf32>,
        %mul3A_730 = arith.mulf %get3A_729, %mul3A_293 : vector<16xf32>
        %add3A_731 = arith.addf %mul3A_724, %mul3A_730 : vector<16xf32>
        %add3A_732 = arith.constant 32 : i32
        %add3A_733 = arith.addi %add3A_732, %add3A_278 : i32
        %get3A_734 = arith.index_cast %add3A_733 : i32 to index
        %get3A_735 = arith.constant 224 : index
        %get3A_736 = tpu.vector_load %arg9[%get3A_734, %get3A_735] {strides = array<i32>} : memref<64x384xf32, #tpu.memory_space<vmem>>, vector<16xf32>,
        %mul3A_737 = arith.mulf %get3A_736, %mul3A_297 : vector<16xf32>
        %add3A_738 = arith.addf %add3A_731, %mul3A_737 : vector<16xf32>
        %add3A_739 = arith.constant 48 : i32
        %add3A_740 = arith.addi %add3A_739, %add3A_278 : i32
        %get3A_741 = arith.index_cast %add3A_740 : i32 to index
        %get3A_742 = arith.constant 224 : index
        %get3A_743 = tpu.vector_load %arg9[%get3A_741, %get3A_742] {strides = array<i32>} : memref<64x384xf32, #tpu.memory_space<vmem>>, vector<16xf32>,
        %mul3A_744 = arith.mulf %get3A_743, %mul3A_298 : vector<16xf32>
        %add3A_745 = arith.addf %add3A_738, %mul3A_744 : vector<16xf32>
        %swap3A_746 = arith.index_cast %add3A_278 : i32 to index
        %swap3A_747 = arith.constant 224 : index
        %swap3A_748 = tpu.vector_load %arg11[%swap3A_746, %swap3A_747] {strides = array<i32>} : memref<16x384xf32, #tpu.memory_space<vmem>>, vector<16xf32>,
        tpu.vector_store %arg11[%swap3A_746, %swap3A_747], %add3A_745 {strides = array<i32>} : memref<16x384xf32, #tpu.memory_space<vmem>>, vector<16xf32>,
        %add3A_749 = arith.constant 0 : i32
        %add3A_750 = arith.addi %add3A_749, %add3A_278 : i32
        %get3A_751 = arith.index_cast %add3A_750 : i32 to index
        %get3A_752 = arith.constant 240 : index
        %get3A_753 = tpu.vector_load %arg9[%get3A_751, %get3A_752] {strides = array<i32>} : memref<64x384xf32, #tpu.memory_space<vmem>>, vector<16xf32>,
        %mul3A_754 = arith.mulf %get3A_753, %mul3A_289 : vector<16xf32>
        %add3A_755 = arith.constant 16 : i32
        %add3A_756 = arith.addi %add3A_755, %add3A_278 : i32
        %get3A_757 = arith.index_cast %add3A_756 : i32 to index
        %get3A_758 = arith.constant 240 : index
        %get3A_759 = tpu.vector_load %arg9[%get3A_757, %get3A_758] {strides = array<i32>} : memref<64x384xf32, #tpu.memory_space<vmem>>, vector<16xf32>,
        %mul3A_760 = arith.mulf %get3A_759, %mul3A_293 : vector<16xf32>
        %add3A_761 = arith.addf %mul3A_754, %mul3A_760 : vector<16xf32>
        %add3A_762 = arith.constant 32 : i32
        %add3A_763 = arith.addi %add3A_762, %add3A_278 : i32
        %get3A_764 = arith.index_cast %add3A_763 : i32 to index
        %get3A_765 = arith.constant 240 : index
        %get3A_766 = tpu.vector_load %arg9[%get3A_764, %get3A_765] {strides = array<i32>} : memref<64x384xf32, #tpu.memory_space<vmem>>, vector<16xf32>,
        %mul3A_767 = arith.mulf %get3A_766, %mul3A_297 : vector<16xf32>
        %add3A_768 = arith.addf %add3A_761, %mul3A_767 : vector<16xf32>
        %add3A_769 = arith.constant 48 : i32
        %add3A_770 = arith.addi %add3A_769, %add3A_278 : i32
        %get3A_771 = arith.index_cast %add3A_770 : i32 to index
        %get3A_772 = arith.constant 240 : index
        %get3A_773 = tpu.vector_load %arg9[%get3A_771, %get3A_772] {strides = array<i32>} : memref<64x384xf32, #tpu.memory_space<vmem>>, vector<16xf32>,
        %mul3A_774 = arith.mulf %get3A_773, %mul3A_298 : vector<16xf32>
        %add3A_775 = arith.addf %add3A_768, %mul3A_774 : vector<16xf32>
        %swap3A_776 = arith.index_cast %add3A_278 : i32 to index
        %swap3A_777 = arith.constant 240 : index
        %swap3A_778 = tpu.vector_load %arg11[%swap3A_776, %swap3A_777] {strides = array<i32>} : memref<16x384xf32, #tpu.memory_space<vmem>>, vector<16xf32>,
        tpu.vector_store %arg11[%swap3A_776, %swap3A_777], %add3A_775 {strides = array<i32>} : memref<16x384xf32, #tpu.memory_space<vmem>>, vector<16xf32>,
        %add3A_779 = arith.constant 0 : i32
        %add3A_780 = arith.addi %add3A_779, %add3A_278 : i32
        %get3A_781 = arith.index_cast %add3A_780 : i32 to index
        %get3A_782 = arith.constant 256 : index
        %get3A_783 = tpu.vector_load %arg9[%get3A_781, %get3A_782] {strides = array<i32>} : memref<64x384xf32, #tpu.memory_space<vmem>>, vector<16xf32>,
        %mul3A_784 = arith.mulf %get3A_783, %mul3A_289 : vector<16xf32>
        %add3A_785 = arith.constant 16 : i32
        %add3A_786 = arith.addi %add3A_785, %add3A_278 : i32
        %get3A_787 = arith.index_cast %add3A_786 : i32 to index
        %get3A_788 = arith.constant 256 : index
        %get3A_789 = tpu.vector_load %arg9[%get3A_787, %get3A_788] {strides = array<i32>} : memref<64x384xf32, #tpu.memory_space<vmem>>, vector<16xf32>,
        %mul3A_790 = arith.mulf %get3A_789, %mul3A_293 : vector<16xf32>
        %add3A_791 = arith.addf %mul3A_784, %mul3A_790 : vector<16xf32>
        %add3A_792 = arith.constant 32 : i32
        %add3A_793 = arith.addi %add3A_792, %add3A_278 : i32
        %get3A_794 = arith.index_cast %add3A_793 : i32 to index
        %get3A_795 = arith.constant 256 : index
        %get3A_796 = tpu.vector_load %arg9[%get3A_794, %get3A_795] {strides = array<i32>} : memref<64x384xf32, #tpu.memory_space<vmem>>, vector<16xf32>,
        %mul3A_797 = arith.mulf %get3A_796, %mul3A_297 : vector<16xf32>
        %add3A_798 = arith.addf %add3A_791, %mul3A_797 : vector<16xf32>
        %add3A_799 = arith.constant 48 : i32
        %add3A_800 = arith.addi %add3A_799, %add3A_278 : i32
        %get3A_801 = arith.index_cast %add3A_800 : i32 to index
        %get3A_802 = arith.constant 256 : index
        %get3A_803 = tpu.vector_load %arg9[%get3A_801, %get3A_802] {strides = array<i32>} : memref<64x384xf32, #tpu.memory_space<vmem>>, vector<16xf32>,
        %mul3A_804 = arith.mulf %get3A_803, %mul3A_298 : vector<16xf32>
        %add3A_805 = arith.addf %add3A_798, %mul3A_804 : vector<16xf32>
        %swap3A_806 = arith.index_cast %add3A_278 : i32 to index
        %swap3A_807 = arith.constant 256 : index
        %swap3A_808 = tpu.vector_load %arg11[%swap3A_806, %swap3A_807] {strides = array<i32>} : memref<16x384xf32, #tpu.memory_space<vmem>>, vector<16xf32>,
        tpu.vector_store %arg11[%swap3A_806, %swap3A_807], %add3A_805 {strides = array<i32>} : memref<16x384xf32, #tpu.memory_space<vmem>>, vector<16xf32>,
        %add3A_809 = arith.constant 0 : i32
        %add3A_810 = arith.addi %add3A_809, %add3A_278 : i32
        %get3A_811 = arith.index_cast %add3A_810 : i32 to index
        %get3A_812 = arith.constant 272 : index
        %get3A_813 = tpu.vector_load %arg9[%get3A_811, %get3A_812] {strides = array<i32>} : memref<64x384xf32, #tpu.memory_space<vmem>>, vector<16xf32>,
        %mul3A_814 = arith.mulf %get3A_813, %mul3A_289 : vector<16xf32>
        %add3A_815 = arith.constant 16 : i32
        %add3A_816 = arith.addi %add3A_815, %add3A_278 : i32
        %get3A_817 = arith.index_cast %add3A_816 : i32 to index
        %get3A_818 = arith.constant 272 : index
        %get3A_819 = tpu.vector_load %arg9[%get3A_817, %get3A_818] {strides = array<i32>} : memref<64x384xf32, #tpu.memory_space<vmem>>, vector<16xf32>,
        %mul3A_820 = arith.mulf %get3A_819, %mul3A_293 : vector<16xf32>
        %add3A_821 = arith.addf %mul3A_814, %mul3A_820 : vector<16xf32>
        %add3A_822 = arith.constant 32 : i32
        %add3A_823 = arith.addi %add3A_822, %add3A_278 : i32
        %get3A_824 = arith.index_cast %add3A_823 : i32 to index
        %get3A_825 = arith.constant 272 : index
        %get3A_826 = tpu.vector_load %arg9[%get3A_824, %get3A_825] {strides = array<i32>} : memref<64x384xf32, #tpu.memory_space<vmem>>, vector<16xf32>,
        %mul3A_827 = arith.mulf %get3A_826, %mul3A_297 : vector<16xf32>
        %add3A_828 = arith.addf %add3A_821, %mul3A_827 : vector<16xf32>
        %add3A_829 = arith.constant 48 : i32
        %add3A_830 = arith.addi %add3A_829, %add3A_278 : i32
        %get3A_831 = arith.index_cast %add3A_830 : i32 to index
        %get3A_832 = arith.constant 272 : index
        %get3A_833 = tpu.vector_load %arg9[%get3A_831, %get3A_832] {strides = array<i32>} : memref<64x384xf32, #tpu.memory_space<vmem>>, vector<16xf32>,
        %mul3A_834 = arith.mulf %get3A_833, %mul3A_298 : vector<16xf32>
        %add3A_835 = arith.addf %add3A_828, %mul3A_834 : vector<16xf32>
        %swap3A_836 = arith.index_cast %add3A_278 : i32 to index
        %swap3A_837 = arith.constant 272 : index
        %swap3A_838 = tpu.vector_load %arg11[%swap3A_836, %swap3A_837] {strides = array<i32>} : memref<16x384xf32, #tpu.memory_space<vmem>>, vector<16xf32>,
        tpu.vector_store %arg11[%swap3A_836, %swap3A_837], %add3A_835 {strides = array<i32>} : memref<16x384xf32, #tpu.memory_space<vmem>>, vector<16xf32>,
        %add3A_839 = arith.constant 0 : i32
        %add3A_840 = arith.addi %add3A_839, %add3A_278 : i32
        %get3A_841 = arith.index_cast %add3A_840 : i32 to index
        %get3A_842 = arith.constant 288 : index
        %get3A_843 = tpu.vector_load %arg9[%get3A_841, %get3A_842] {strides = array<i32>} : memref<64x384xf32, #tpu.memory_space<vmem>>, vector<16xf32>,
        %mul3A_844 = arith.mulf %get3A_843, %mul3A_289 : vector<16xf32>
        %add3A_845 = arith.constant 16 : i32
        %add3A_846 = arith.addi %add3A_845, %add3A_278 : i32
        %get3A_847 = arith.index_cast %add3A_846 : i32 to index
        %get3A_848 = arith.constant 288 : index
        %get3A_849 = tpu.vector_load %arg9[%get3A_847, %get3A_848] {strides = array<i32>} : memref<64x384xf32, #tpu.memory_space<vmem>>, vector<16xf32>,
        %mul3A_850 = arith.mulf %get3A_849, %mul3A_293 : vector<16xf32>
        %add3A_851 = arith.addf %mul3A_844, %mul3A_850 : vector<16xf32>
        %add3A_852 = arith.constant 32 : i32
        %add3A_853 = arith.addi %add3A_852, %add3A_278 : i32
        %get3A_854 = arith.index_cast %add3A_853 : i32 to index
        %get3A_855 = arith.constant 288 : index
        %get3A_856 = tpu.vector_load %arg9[%get3A_854, %get3A_855] {strides = array<i32>} : memref<64x384xf32, #tpu.memory_space<vmem>>, vector<16xf32>,
        %mul3A_857 = arith.mulf %get3A_856, %mul3A_297 : vector<16xf32>
        %add3A_858 = arith.addf %add3A_851, %mul3A_857 : vector<16xf32>
        %add3A_859 = arith.constant 48 : i32
        %add3A_860 = arith.addi %add3A_859, %add3A_278 : i32
        %get3A_861 = arith.index_cast %add3A_860 : i32 to index
        %get3A_862 = arith.constant 288 : index
        %get3A_863 = tpu.vector_load %arg9[%get3A_861, %get3A_862] {strides = array<i32>} : memref<64x384xf32, #tpu.memory_space<vmem>>, vector<16xf32>,
        %mul3A_864 = arith.mulf %get3A_863, %mul3A_298 : vector<16xf32>
        %add3A_865 = arith.addf %add3A_858, %mul3A_864 : vector<16xf32>
        %swap3A_866 = arith.index_cast %add3A_278 : i32 to index
        %swap3A_867 = arith.constant 288 : index
        %swap3A_868 = tpu.vector_load %arg11[%swap3A_866, %swap3A_867] {strides = array<i32>} : memref<16x384xf32, #tpu.memory_space<vmem>>, vector<16xf32>,
        tpu.vector_store %arg11[%swap3A_866, %swap3A_867], %add3A_865 {strides = array<i32>} : memref<16x384xf32, #tpu.memory_space<vmem>>, vector<16xf32>,
        %add3A_869 = arith.constant 0 : i32
        %add3A_870 = arith.addi %add3A_869, %add3A_278 : i32
        %get3A_871 = arith.index_cast %add3A_870 : i32 to index
        %get3A_872 = arith.constant 304 : index
        %get3A_873 = tpu.vector_load %arg9[%get3A_871, %get3A_872] {strides = array<i32>} : memref<64x384xf32, #tpu.memory_space<vmem>>, vector<16xf32>,
        %mul3A_874 = arith.mulf %get3A_873, %mul3A_289 : vector<16xf32>
        %add3A_875 = arith.constant 16 : i32
        %add3A_876 = arith.addi %add3A_875, %add3A_278 : i32
        %get3A_877 = arith.index_cast %add3A_876 : i32 to index
        %get3A_878 = arith.constant 304 : index
        %get3A_879 = tpu.vector_load %arg9[%get3A_877, %get3A_878] {strides = array<i32>} : memref<64x384xf32, #tpu.memory_space<vmem>>, vector<16xf32>,
        %mul3A_880 = arith.mulf %get3A_879, %mul3A_293 : vector<16xf32>
        %add3A_881 = arith.addf %mul3A_874, %mul3A_880 : vector<16xf32>
        %add3A_882 = arith.constant 32 : i32
        %add3A_883 = arith.addi %add3A_882, %add3A_278 : i32
        %get3A_884 = arith.index_cast %add3A_883 : i32 to index
        %get3A_885 = arith.constant 304 : index
        %get3A_886 = tpu.vector_load %arg9[%get3A_884, %get3A_885] {strides = array<i32>} : memref<64x384xf32, #tpu.memory_space<vmem>>, vector<16xf32>,
        %mul3A_887 = arith.mulf %get3A_886, %mul3A_297 : vector<16xf32>
        %add3A_888 = arith.addf %add3A_881, %mul3A_887 : vector<16xf32>
        %add3A_889 = arith.constant 48 : i32
        %add3A_890 = arith.addi %add3A_889, %add3A_278 : i32
        %get3A_891 = arith.index_cast %add3A_890 : i32 to index
        %get3A_892 = arith.constant 304 : index
        %get3A_893 = tpu.vector_load %arg9[%get3A_891, %get3A_892] {strides = array<i32>} : memref<64x384xf32, #tpu.memory_space<vmem>>, vector<16xf32>,
        %mul3A_894 = arith.mulf %get3A_893, %mul3A_298 : vector<16xf32>
        %add3A_895 = arith.addf %add3A_888, %mul3A_894 : vector<16xf32>
        %swap3A_896 = arith.index_cast %add3A_278 : i32 to index
        %swap3A_897 = arith.constant 304 : index
        %swap3A_898 = tpu.vector_load %arg11[%swap3A_896, %swap3A_897] {strides = array<i32>} : memref<16x384xf32, #tpu.memory_space<vmem>>, vector<16xf32>,
        tpu.vector_store %arg11[%swap3A_896, %swap3A_897], %add3A_895 {strides = array<i32>} : memref<16x384xf32, #tpu.memory_space<vmem>>, vector<16xf32>,
        %add3A_899 = arith.constant 0 : i32
        %add3A_900 = arith.addi %add3A_899, %add3A_278 : i32
        %get3A_901 = arith.index_cast %add3A_900 : i32 to index
        %get3A_902 = arith.constant 320 : index
        %get3A_903 = tpu.vector_load %arg9[%get3A_901, %get3A_902] {strides = array<i32>} : memref<64x384xf32, #tpu.memory_space<vmem>>, vector<16xf32>,
        %mul3A_904 = arith.mulf %get3A_903, %mul3A_289 : vector<16xf32>
        %add3A_905 = arith.constant 16 : i32
        %add3A_906 = arith.addi %add3A_905, %add3A_278 : i32
        %get3A_907 = arith.index_cast %add3A_906 : i32 to index
        %get3A_908 = arith.constant 320 : index
        %get3A_909 = tpu.vector_load %arg9[%get3A_907, %get3A_908] {strides = array<i32>} : memref<64x384xf32, #tpu.memory_space<vmem>>, vector<16xf32>,
        %mul3A_910 = arith.mulf %get3A_909, %mul3A_293 : vector<16xf32>
        %add3A_911 = arith.addf %mul3A_904, %mul3A_910 : vector<16xf32>
        %add3A_912 = arith.constant 32 : i32
        %add3A_913 = arith.addi %add3A_912, %add3A_278 : i32
        %get3A_914 = arith.index_cast %add3A_913 : i32 to index
        %get3A_915 = arith.constant 320 : index
        %get3A_916 = tpu.vector_load %arg9[%get3A_914, %get3A_915] {strides = array<i32>} : memref<64x384xf32, #tpu.memory_space<vmem>>, vector<16xf32>,
        %mul3A_917 = arith.mulf %get3A_916, %mul3A_297 : vector<16xf32>
        %add3A_918 = arith.addf %add3A_911, %mul3A_917 : vector<16xf32>
        %add3A_919 = arith.constant 48 : i32
        %add3A_920 = arith.addi %add3A_919, %add3A_278 : i32
        %get3A_921 = arith.index_cast %add3A_920 : i32 to index
        %get3A_922 = arith.constant 320 : index
        %get3A_923 = tpu.vector_load %arg9[%get3A_921, %get3A_922] {strides = array<i32>} : memref<64x384xf32, #tpu.memory_space<vmem>>, vector<16xf32>,
        %mul3A_924 = arith.mulf %get3A_923, %mul3A_298 : vector<16xf32>
        %add3A_925 = arith.addf %add3A_918, %mul3A_924 : vector<16xf32>
        %swap3A_926 = arith.index_cast %add3A_278 : i32 to index
        %swap3A_927 = arith.constant 320 : index
        %swap3A_928 = tpu.vector_load %arg11[%swap3A_926, %swap3A_927] {strides = array<i32>} : memref<16x384xf32, #tpu.memory_space<vmem>>, vector<16xf32>,
        tpu.vector_store %arg11[%swap3A_926, %swap3A_927], %add3A_925 {strides = array<i32>} : memref<16x384xf32, #tpu.memory_space<vmem>>, vector<16xf32>,
        %add3A_929 = arith.constant 0 : i32
        %add3A_930 = arith.addi %add3A_929, %add3A_278 : i32
        %get3A_931 = arith.index_cast %add3A_930 : i32 to index
        %get3A_932 = arith.constant 336 : index
        %get3A_933 = tpu.vector_load %arg9[%get3A_931, %get3A_932] {strides = array<i32>} : memref<64x384xf32, #tpu.memory_space<vmem>>, vector<16xf32>,
        %mul3A_934 = arith.mulf %get3A_933, %mul3A_289 : vector<16xf32>
        %add3A_935 = arith.constant 16 : i32
        %add3A_936 = arith.addi %add3A_935, %add3A_278 : i32
        %get3A_937 = arith.index_cast %add3A_936 : i32 to index
        %get3A_938 = arith.constant 336 : index
        %get3A_939 = tpu.vector_load %arg9[%get3A_937, %get3A_938] {strides = array<i32>} : memref<64x384xf32, #tpu.memory_space<vmem>>, vector<16xf32>,
        %mul3A_940 = arith.mulf %get3A_939, %mul3A_293 : vector<16xf32>
        %add3A_941 = arith.addf %mul3A_934, %mul3A_940 : vector<16xf32>
        %add3A_942 = arith.constant 32 : i32
        %add3A_943 = arith.addi %add3A_942, %add3A_278 : i32
        %get3A_944 = arith.index_cast %add3A_943 : i32 to index
        %get3A_945 = arith.constant 336 : index
        %get3A_946 = tpu.vector_load %arg9[%get3A_944, %get3A_945] {strides = array<i32>} : memref<64x384xf32, #tpu.memory_space<vmem>>, vector<16xf32>,
        %mul3A_947 = arith.mulf %get3A_946, %mul3A_297 : vector<16xf32>
        %add3A_948 = arith.addf %add3A_941, %mul3A_947 : vector<16xf32>
        %add3A_949 = arith.constant 48 : i32
        %add3A_950 = arith.addi %add3A_949, %add3A_278 : i32
        %get3A_951 = arith.index_cast %add3A_950 : i32 to index
        %get3A_952 = arith.constant 336 : index
        %get3A_953 = tpu.vector_load %arg9[%get3A_951, %get3A_952] {strides = array<i32>} : memref<64x384xf32, #tpu.memory_space<vmem>>, vector<16xf32>,
        %mul3A_954 = arith.mulf %get3A_953, %mul3A_298 : vector<16xf32>
        %add3A_955 = arith.addf %add3A_948, %mul3A_954 : vector<16xf32>
        %swap3A_956 = arith.index_cast %add3A_278 : i32 to index
        %swap3A_957 = arith.constant 336 : index
        %swap3A_958 = tpu.vector_load %arg11[%swap3A_956, %swap3A_957] {strides = array<i32>} : memref<16x384xf32, #tpu.memory_space<vmem>>, vector<16xf32>,
        tpu.vector_store %arg11[%swap3A_956, %swap3A_957], %add3A_955 {strides = array<i32>} : memref<16x384xf32, #tpu.memory_space<vmem>>, vector<16xf32>,
        %add3A_959 = arith.constant 0 : i32
        %add3A_960 = arith.addi %add3A_959, %add3A_278 : i32
        %get3A_961 = arith.index_cast %add3A_960 : i32 to index
        %get3A_962 = arith.constant 352 : index
        %get3A_963 = tpu.vector_load %arg9[%get3A_961, %get3A_962] {strides = array<i32>} : memref<64x384xf32, #tpu.memory_space<vmem>>, vector<16xf32>,
        %mul3A_964 = arith.mulf %get3A_963, %mul3A_289 : vector<16xf32>
        %add3A_965 = arith.constant 16 : i32
        %add3A_966 = arith.addi %add3A_965, %add3A_278 : i32
        %get3A_967 = arith.index_cast %add3A_966 : i32 to index
        %get3A_968 = arith.constant 352 : index
        %get3A_969 = tpu.vector_load %arg9[%get3A_967, %get3A_968] {strides = array<i32>} : memref<64x384xf32, #tpu.memory_space<vmem>>, vector<16xf32>,
        %mul3A_970 = arith.mulf %get3A_969, %mul3A_293 : vector<16xf32>
        %add3A_971 = arith.addf %mul3A_964, %mul3A_970 : vector<16xf32>
        %add3A_972 = arith.constant 32 : i32
        %add3A_973 = arith.addi %add3A_972, %add3A_278 : i32
        %get3A_974 = arith.index_cast %add3A_973 : i32 to index
        %get3A_975 = arith.constant 352 : index
        %get3A_976 = tpu.vector_load %arg9[%get3A_974, %get3A_975] {strides = array<i32>} : memref<64x384xf32, #tpu.memory_space<vmem>>, vector<16xf32>,
        %mul3A_977 = arith.mulf %get3A_976, %mul3A_297 : vector<16xf32>
        %add3A_978 = arith.addf %add3A_971, %mul3A_977 : vector<16xf32>
        %add3A_979 = arith.constant 48 : i32
        %add3A_980 = arith.addi %add3A_979, %add3A_278 : i32
        %get3A_981 = arith.index_cast %add3A_980 : i32 to index
        %get3A_982 = arith.constant 352 : index
        %get3A_983 = tpu.vector_load %arg9[%get3A_981, %get3A_982] {strides = array<i32>} : memref<64x384xf32, #tpu.memory_space<vmem>>, vector<16xf32>,
        %mul3A_984 = arith.mulf %get3A_983, %mul3A_298 : vector<16xf32>
        %add3A_985 = arith.addf %add3A_978, %mul3A_984 : vector<16xf32>
        %swap3A_986 = arith.index_cast %add3A_278 : i32 to index
        %swap3A_987 = arith.constant 352 : index
        %swap3A_988 = tpu.vector_load %arg11[%swap3A_986, %swap3A_987] {strides = array<i32>} : memref<16x384xf32, #tpu.memory_space<vmem>>, vector<16xf32>,
        tpu.vector_store %arg11[%swap3A_986, %swap3A_987], %add3A_985 {strides = array<i32>} : memref<16x384xf32, #tpu.memory_space<vmem>>, vector<16xf32>,
        %add3A_989 = arith.constant 0 : i32
        %add3A_990 = arith.addi %add3A_989, %add3A_278 : i32
        %get3A_991 = arith.index_cast %add3A_990 : i32 to index
        %get3A_992 = arith.constant 368 : index
        %get3A_993 = tpu.vector_load %arg9[%get3A_991, %get3A_992] {strides = array<i32>} : memref<64x384xf32, #tpu.memory_space<vmem>>, vector<16xf32>,
        %mul3A_994 = arith.mulf %get3A_993, %mul3A_289 : vector<16xf32>
        %add3A_995 = arith.constant 16 : i32
        %add3A_996 = arith.addi %add3A_995, %add3A_278 : i32
        %get3A_997 = arith.index_cast %add3A_996 : i32 to index
        %get3A_998 = arith.constant 368 : index
        %get3A_999 = tpu.vector_load %arg9[%get3A_997, %get3A_998] {strides = array<i32>} : memref<64x384xf32, #tpu.memory_space<vmem>>, vector<16xf32>,
        %mul3A_1000 = arith.mulf %get3A_999, %mul3A_293 : vector<16xf32>
        %add3A_1001 = arith.addf %mul3A_994, %mul3A_1000 : vector<16xf32>
        %add3A_1002 = arith.constant 32 : i32
        %add3A_1003 = arith.addi %add3A_1002, %add3A_278 : i32
        %get3A_1004 = arith.index_cast %add3A_1003 : i32 to index
        %get3A_1005 = arith.constant 368 : index
        %get3A_1006 = tpu.vector_load %arg9[%get3A_1004, %get3A_1005] {strides = array<i32>} : memref<64x384xf32, #tpu.memory_space<vmem>>, vector<16xf32>,
        %mul3A_1007 = arith.mulf %get3A_1006, %mul3A_297 : vector<16xf32>
        %add3A_1008 = arith.addf %add3A_1001, %mul3A_1007 : vector<16xf32>
        %add3A_1009 = arith.constant 48 : i32
        %add3A_1010 = arith.addi %add3A_1009, %add3A_278 : i32
        %get3A_1011 = arith.index_cast %add3A_1010 : i32 to index
        %get3A_1012 = arith.constant 368 : index
        %get3A_1013 = tpu.vector_load %arg9[%get3A_1011, %get3A_1012] {strides = array<i32>} : memref<64x384xf32, #tpu.memory_space<vmem>>, vector<16xf32>,
        %mul3A_1014 = arith.mulf %get3A_1013, %mul3A_298 : vector<16xf32>
        %add3A_1015 = arith.addf %add3A_1008, %mul3A_1014 : vector<16xf32>
        %swap3A_1016 = arith.index_cast %add3A_278 : i32 to index
        %swap3A_1017 = arith.constant 368 : index
        %swap3A_1018 = tpu.vector_load %arg11[%swap3A_1016, %swap3A_1017] {strides = array<i32>} : memref<16x384xf32, #tpu.memory_space<vmem>>, vector<16xf32>,
        tpu.vector_store %arg11[%swap3A_1016, %swap3A_1017], %add3A_1015 {strides = array<i32>} : memref<16x384xf32, #tpu.memory_space<vmem>>, vector<16xf32>,
      }
      %scan3A_259 = arith.constant 16 : i32
      %add3A_260 = arith.constant 2 : i32
      %add3A_261 = arith.addi %add3A_243, %add3A_260 : i32
      %lt3A_262 = arith.constant 196 : i32
      %lt3A_263 = arith.cmpi slt, %add3A_261, %lt3A_262 : i32
      %convert_element_type3A_264 = arith.extui %lt3A_263 : i1 to i32
      %cond3A_265 = arith.constant 0 : i32
      %cond3A_266 = arith.cmpi ne, %convert_element_type3A_264, %cond3A_265 : i32
      scf.if %cond3A_266 {
        %add3A_274 = arith.constant 2 : i32
        %add3A_275 = arith.addi %add3A_243, %add3A_274 : i32
        %jit3A_276 = arith.constant 14 : i32
        %div3A_277 = arith.divsi %add3A_275, %jit3A_276 : i32
        %sign3A_278 = arith.constant 0 : i32
        %sign3A_279 = arith.cmpi sgt, %add3A_275, %sign3A_278 : i32
        %sign3A_280 = arith.extui %sign3A_279 : i1 to i32
        %sign3A_281 = arith.constant 0 : i32
        %sign3A_282 = arith.cmpi slt, %add3A_275, %sign3A_281 : i32
        %sign3A_283 = arith.extui %sign3A_282 : i1 to i32
        %sign3A_284 = arith.subi %sign3A_280, %sign3A_283 : i32
        %sign3A_285 = arith.constant 0 : i32
        %sign3A_286 = arith.cmpi sgt, %jit3A_276, %sign3A_285 : i32
        %sign3A_287 = arith.extui %sign3A_286 : i1 to i32
        %sign3A_288 = arith.constant 0 : i32
        %sign3A_289 = arith.cmpi slt, %jit3A_276, %sign3A_288 : i32
        %sign3A_290 = arith.extui %sign3A_289 : i1 to i32
        %sign3A_291 = arith.subi %sign3A_287, %sign3A_290 : i32
        %ne3A_292 = arith.cmpi ne, %sign3A_284, %sign3A_291 : i32
        %rem3A_293 = arith.remsi %add3A_275, %jit3A_276 : i32
        %ne3A_294 = arith.constant 0 : i32
        %ne3A_295 = arith.cmpi ne, %rem3A_293, %ne3A_294 : i32
        %and3A_296 = arith.andi %ne3A_292, %ne3A_295 : i1
        %sub3A_297 = arith.constant 1 : i32
        %sub3A_298 = arith.subi %div3A_277, %sub3A_297 : i32
        %select_n3A_299 = arith.select %and3A_296, %sub3A_298, %div3A_277 : i32
        %add3A_300 = arith.addi %select_n3A_58, %select_n3A_299 : i32
        %jit3A_301 = arith.constant 14 : i32
        %eq3A_302 = arith.constant 0 : i32
        %eq3A_303 = arith.cmpi eq, %jit3A_301, %eq3A_302 : i32
        %jit3A_304 = arith.constant 1 : i32
        %select_n3A_305 = arith.select %eq3A_303, %jit3A_304, %jit3A_301 : i32
        %rem3A_306 = arith.remsi %add3A_275, %select_n3A_305 : i32
        %ne3A_307 = arith.constant 0 : i32
        %ne3A_308 = arith.cmpi ne, %rem3A_306, %ne3A_307 : i32
        %lt3A_309 = arith.constant 0 : i32
        %lt3A_310 = arith.cmpi slt, %rem3A_306, %lt3A_309 : i32
        %lt3A_311 = arith.constant 0 : i32
        %lt3A_312 = arith.cmpi slt, %select_n3A_305, %lt3A_311 : i32
        %ne3A_313 = arith.xori %lt3A_310, %lt3A_312 : i1
        %and3A_314 = arith.andi %ne3A_313, %ne3A_308 : i1
        %add3A_315 = arith.addi %rem3A_306, %select_n3A_305 : i32
        %select_n3A_316 = arith.select %and3A_314, %add3A_315, %rem3A_306 : i32
        %mul3A_317 = arith.constant 16 : i32
        %mul3A_318 = arith.muli %select_n3A_316, %mul3A_317 : i32
        %mul3A_319 = arith.constant 16 : i32
        %mul3A_320 = arith.muli %add3A_275, %mul3A_319 : i32
        %get3A_321 = arith.index_cast %mul3A_320 : i32 to index
        %get3A_322 = tpu.vector_load %arg6[%get3A_321] {strides = array<i32>} : memref<3136xf32, #tpu.memory_space<vmem>>, vector<16xf32>,
        %mul3A_323 = arith.constant 16 : i32
        %mul3A_324 = arith.muli %add3A_275, %mul3A_323 : i32
        %get3A_325 = arith.index_cast %mul3A_324 : i32 to index
        %get3A_326 = tpu.vector_load %arg7[%get3A_325] {strides = array<i32>} : memref<3136xf32, #tpu.memory_space<vmem>>, vector<16xf32>,
        %convert_element_type3A_327 = arith.sitofp %mul3A_318 : i32 to f32
        %mul3A_328 = arith.constant 1.000000e+00 : f32
        %mul3A_329 = arith.mulf %convert_element_type3A_327, %mul3A_328 : f32
        %add3A_330 = vector.broadcast %mul3A_329 : f32 to vector<16xf32>
        %add3A_331 = arith.addf %add3A_330, %convert_element_type3A : vector<16xf32>
        %add3A_332 = arith.addf %add3A_331, %get3A_322 : vector<16xf32>
        %jit3A_333 = arith.constant 0.000000e+00 : f32
        %jit3A_334 = arith.constant 2.230000e+02 : f32
        %max3A_335 = vector.broadcast %jit3A_333 : f32 to vector<16xf32>
        %max3A_336 = arith.maximumf %max3A_335, %add3A_332 : vector<16xf32>
        %min3A_337 = vector.broadcast %jit3A_334 : f32 to vector<16xf32>
        %min3A_338 = arith.minimumf %min3A_337, %max3A_336 : vector<16xf32>
        %convert_element_type3A_339 = arith.sitofp %add3A_300 : i32 to f32
        %mul3A_340 = arith.constant 1.000000e+00 : f32
        %mul3A_341 = arith.mulf %convert_element_type3A_339, %mul3A_340 : f32
        %add3A_342 = vector.broadcast %mul3A_341 : f32 to vector<16xf32>
        %add3A_343 = arith.addf %add3A_342, %get3A_326 : vector<16xf32>
        %jit3A_344 = arith.constant 0.000000e+00 : f32
        %jit3A_345 = arith.constant 2.230000e+02 : f32
        %max3A_346 = vector.broadcast %jit3A_344 : f32 to vector<16xf32>
        %max3A_347 = arith.maximumf %max3A_346, %add3A_343 : vector<16xf32>
        %min3A_348 = vector.broadcast %jit3A_345 : f32 to vector<16xf32>
        %min3A_349 = arith.minimumf %min3A_348, %max3A_347 : vector<16xf32>
        %convert_element_type3A_350 = arith.fptosi %min3A_338 : vector<16xf32> to vector<16xi32>
        %min3A_351 = arith.constant 222 : i32
        %min3A_352 = vector.broadcast %min3A_351 : i32 to vector<16xi32>
        %min3A_353 = arith.minsi %convert_element_type3A_350, %min3A_352 : vector<16xi32>
        %convert_element_type3A_354 = arith.fptosi %min3A_349 : vector<16xf32> to vector<16xi32>
        %min3A_355 = arith.constant 222 : i32
        %min3A_356 = vector.broadcast %min3A_355 : i32 to vector<16xi32>
        %min3A_357 = arith.minsi %convert_element_type3A_354, %min3A_356 : vector<16xi32>
        %convert_element_type3A_358 = arith.sitofp %min3A_353 : vector<16xi32> to vector<16xf32>
        %sub3A_359 = arith.subf %min3A_338, %convert_element_type3A_358 : vector<16xf32>
        %swap3A_360 = arith.constant 0 : index
        %swap3A_361 = tpu.vector_load %arg13[%swap3A_360] {strides = array<i32>} : memref<16xf32, #tpu.memory_space<vmem>>, vector<16xf32>,
        tpu.vector_store %arg13[%swap3A_360], %sub3A_359 {strides = array<i32>} : memref<16xf32, #tpu.memory_space<vmem>>, vector<16xf32>,
        %convert_element_type3A_362 = arith.sitofp %min3A_357 : vector<16xi32> to vector<16xf32>
        %sub3A_363 = arith.subf %min3A_349, %convert_element_type3A_362 : vector<16xf32>
        %swap3A_364 = arith.constant 0 : index
        %swap3A_365 = tpu.vector_load %arg15[%swap3A_364] {strides = array<i32>} : memref<16xf32, #tpu.memory_space<vmem>>, vector<16xf32>,
        tpu.vector_store %arg15[%swap3A_364], %sub3A_363 {strides = array<i32>} : memref<16xf32, #tpu.memory_space<vmem>>, vector<16xf32>,
        %mul3A_366 = arith.constant 224 : i32
        %mul3A_367 = vector.broadcast %mul3A_366 : i32 to vector<16xi32>
        %mul3A_368 = arith.muli %min3A_357, %mul3A_367 : vector<16xi32>
        %add3A_369 = vector.broadcast %mul3A_20 : i32 to vector<16xi32>
        %add3A_370 = arith.addi %add3A_369, %mul3A_368 : vector<16xi32>
        %add3A_371 = arith.addi %add3A_370, %min3A_353 : vector<16xi32>
        %swap3A_372 = arith.constant 0 : index
        %swap3A_373 = tpu.vector_load %arg17[%swap3A_372] {strides = array<i32>} : memref<64xi32, #tpu.memory_space<vmem>>, vector<16xi32>,
        tpu.vector_store %arg17[%swap3A_372], %add3A_371 {strides = array<i32>} : memref<64xi32, #tpu.memory_space<vmem>>, vector<16xi32>,
        %add3A_374 = arith.constant 1 : i32
        %add3A_375 = vector.broadcast %add3A_374 : i32 to vector<16xi32>
        %add3A_376 = arith.addi %add3A_371, %add3A_375 : vector<16xi32>
        %swap3A_377 = arith.constant 16 : index
        %swap3A_378 = tpu.vector_load %arg17[%swap3A_377] {strides = array<i32>} : memref<64xi32, #tpu.memory_space<vmem>>, vector<16xi32>,
        tpu.vector_store %arg17[%swap3A_377], %add3A_376 {strides = array<i32>} : memref<64xi32, #tpu.memory_space<vmem>>, vector<16xi32>,
        %add3A_379 = arith.constant 224 : i32
        %add3A_380 = vector.broadcast %add3A_379 : i32 to vector<16xi32>
        %add3A_381 = arith.addi %add3A_371, %add3A_380 : vector<16xi32>
        %swap3A_382 = arith.constant 32 : index
        %swap3A_383 = tpu.vector_load %arg17[%swap3A_382] {strides = array<i32>} : memref<64xi32, #tpu.memory_space<vmem>>, vector<16xi32>,
        tpu.vector_store %arg17[%swap3A_382], %add3A_381 {strides = array<i32>} : memref<64xi32, #tpu.memory_space<vmem>>, vector<16xi32>,
        %add3A_384 = arith.constant 224 : i32
        %add3A_385 = vector.broadcast %add3A_384 : i32 to vector<16xi32>
        %add3A_386 = arith.addi %add3A_371, %add3A_385 : vector<16xi32>
        %add3A_387 = arith.constant 1 : i32
        %add3A_388 = vector.broadcast %add3A_387 : i32 to vector<16xi32>
        %add3A_389 = arith.addi %add3A_386, %add3A_388 : vector<16xi32>
        %swap3A_390 = arith.constant 48 : index
        %swap3A_391 = tpu.vector_load %arg17[%swap3A_390] {strides = array<i32>} : memref<64xi32, #tpu.memory_space<vmem>>, vector<16xi32>,
        tpu.vector_store %arg17[%swap3A_390], %add3A_389 {strides = array<i32>} : memref<64xi32, #tpu.memory_space<vmem>>, vector<16xi32>,
        %dma_start3A_392 = arith.constant 0 : i32
        %dma_start3A_393 = arith.constant 0 : i32
        %dma_start3A_394 = tpu.memref_slice %arg2[%dma_start3A_392, %dma_start3A_393] : memref<100352x384xf32, #tpu.memory_space<hbm>> -> memref<100352x384xf32, #tpu.memory_space<hbm>>
        tpu.enqueue_indirect_dma source(%dma_start3A_394 : memref<100352x384xf32, #tpu.memory_space<hbm>>) target(%arg9 : memref<64x384xf32, #tpu.memory_space<vmem>>) offsets(%arg17 : memref<64xi32, #tpu.memory_space<vmem>>) semaphore(%arg19 : memref<!tpu.dma_semaphore, #tpu.memory_space<semaphore_mem>>)
      } else {
      }
      %mul3A_267 = arith.constant 16 : i32
      %mul3A_268 = arith.muli %add3A_243, %mul3A_267 : i32
      %add3A_269 = arith.addi %mul3A_2, %mul3A_268 : i32
      %dma_start3A_270 = arith.constant 0 : i32
      %dma_start3A_271 = tpu.memref_slice %arg5[%add3A_269, %dma_start3A_270] : memref<100352x384xf32, #tpu.memory_space<hbm>> -> memref<16x384xf32, #tpu.memory_space<hbm>>
      %dma_start3A_272 = arith.constant 0 : i32
      %dma_start3A_273 = tpu.memref_slice %arg5[%add3A_269, %dma_start3A_272] : memref<100352x384xf32, #tpu.memory_space<hbm>> -> memref<16x384xf32, #tpu.memory_space<hbm>>
      tpu.enqueue_dma source(%arg11 : memref<16x384xf32, #tpu.memory_space<vmem>>) target(%dma_start3A_273 : memref<16x384xf32, #tpu.memory_space<hbm>>) target_semaphore(%arg21 : memref<!tpu.dma_semaphore, #tpu.memory_space<semaphore_mem>>)
    }
    %scan3A_201 = arith.constant 98 : i32
    %dma_wait3A = arith.constant 0 : i32
    %dma_wait3A_202 = tpu.memref_slice %arg5[%mul3A_2, %dma_wait3A] : memref<100352x384xf32, #tpu.memory_space<hbm>> -> memref<16x384xf32, #tpu.memory_space<hbm>>
    %dma_wait3A_203 = arith.constant 0 : i32
    %dma_wait3A_204 = tpu.memref_slice %arg5[%mul3A_2, %dma_wait3A_203] : memref<100352x384xf32, #tpu.memory_space<hbm>> -> memref<16x384xf32, #tpu.memory_space<hbm>>
    tpu.wait_dma2 semaphore(%arg20 : memref<!tpu.dma_semaphore, #tpu.memory_space<semaphore_mem>>) src(%arg10 : memref<16x384xf32, #tpu.memory_space<vmem>>) dst(%dma_wait3A_204 : memref<16x384xf32, #tpu.memory_space<hbm>>)
    %dma_wait3A_205 = arith.constant 0 : i32
    %dma_wait3A_206 = tpu.memref_slice %arg5[%mul3A_2, %dma_wait3A_205] : memref<100352x384xf32, #tpu.memory_space<hbm>> -> memref<16x384xf32, #tpu.memory_space<hbm>>
    %dma_wait3A_207 = arith.constant 0 : i32
    %dma_wait3A_208 = tpu.memref_slice %arg5[%mul3A_2, %dma_wait3A_207] : memref<100352x384xf32, #tpu.memory_space<hbm>> -> memref<16x384xf32, #tpu.memory_space<hbm>>
    tpu.wait_dma2 semaphore(%arg21 : memref<!tpu.dma_semaphore, #tpu.memory_space<semaphore_mem>>) src(%arg11 : memref<16x384xf32, #tpu.memory_space<vmem>>) dst(%dma_wait3A_208 : memref<16x384xf32, #tpu.memory_space<hbm>>)
    return
  }
}

</mosaic_0001>

<sc_bundles>
// kernel: kernel.3.cloned.1.call-start
scs
__scs_entry_jumppad:
0x0: {  	(pc) =	sbr.rel $0x88, $3  }
0x1: {  	(tag) =	ssettag $0x0;
	lr =	simm.s32 $0x1  }
0x2: {  	[smem:$0x3F9F] =	sst lr;
	_ =	strace $0xD0000000  }
0x3: {  	_ = 	snop  }
0x4: {  	_ = 	snop  }
0x5: {  	_ = 	snop  }
0x6: {  	_ = 	snop  }
0x7: {  	_ = 	snop  }
__scs_overlays_trampoline_lowered:
0x8: {  	[smem:$0x3FAE] =	sst s0  }
0x9: {  	[smem:$0x3FAF] =	sst s1  }
0xa: {  	[smem:$0x3FB0] =	sst s2  }
0xb: {  	[smem:$0x3FB1] =	sst s3  }
0xc: {  	[smem:$0x3FB2] =	sst s4  }
0xd: {  	[smem:$0x3FB3] =	sst s5  }
0xe: {  	[smem:$0x3FB4] =	sst s6  }
0xf: {  	[smem:$0x3FB5] =	sst s7  }
0x10: {  	[smem:$0x3FB6] =	sst s8  }
0x11: {  	[smem:$0x3FB7] =	sst s9;
	s0 =	simm.s32 @!p0 $0x0  }
0x12: {  	s1 =	sld [smem:$0x3F9D];
	s0 =	simm.s32 @p0 $0x1  }
0x13: {  	[smem:$0x3FB8] =	sst s0;
	s0 =	simm.s32 @!p1 $0x0  }
0x14: {  	s2 =	sld [smem:$0x3F9C];
	s0 =	simm.s32 @p1 $0x1  }
0x15: {  	[smem:$0x3FB9] =	sst s0;
	s0 =	simm.s32 @!p2 $0x0  }
0x16: {  	s3 =	sld [smem:$0x3FDB];
	s0 =	simm.s32 @p2 $0x1  }
0x17: {  	s4 =	simm.s32 $0x1BF5;
	[smem:$0x3FBB] =	sst s0  }
0x18: {  	s0 =	sld [smem:$0x3F9E];
	_ =	swait.ge [sflag:s4], $0x0  }
0x19: {  	s7 =	sld [smem:$0x3F9F]  }
0x1a: {  	s8 =	sadd.s32 $0xFFFFE003, lr  }
0x1b: {  	s9 =	sadd.s32 $0xFFFFFEF7, lr;
	s5 =	simm.s32 $0xFFFFFFFF;
	p2 =	slt.u32 s8, $0xFFFFF086  }
0x1c: {  	p1 =	slt.u32 s9, $0xF7A;
	s5 =	simm.s32 @!p2 $0x0  }
0x1d: {  	s5 =	simm.s32 @p1 $0x1;
	p0 =	seq.s32 s7, s2  }
0x1e: {  	s7 =	smul.u32 @!p0 $0xF7A, s2;
	p2 =	seq.s32 @!p0 s5, $0x0  }
0x1f: {  	s9 =	smul.u32 $0xF7A, s1;
	s8 =	simm.s32 @!p0 $0x1BF5;
	p2 =	por !p2, p0  }
0x20: {  	[sflag:s8] =	ssyncset.s32 @!p0 $0xFFFFF086;
	s6 =	sadd.s32 @!p0 s3, s7;
	s7 =	simm.s32 @!p0 $0x108  }
0x21: {  	s3 =	sadd.s32 s3, s9;
	s6 =	sadd.s32 @!p0 $0x88, s6;
	s7 =	simm.s32 @p2 $0x1082  }
0x22: {  	[simem:s7], [sflag:s8] =	dma.local @!p0 [hbm:s6], $0xF7A  }
0x23: {  	s9 =	sor.u32 $0xD0000000, s2;
	s6 =	simm.s32 $0x108;
	_ =	swait.ge @!p0 [sflag:s8], $0x0  }
0x24: {  	s3 =	sadd.s32 $0x88, s3;
	s6 =	simm.s32 @!p1 $0x1082;
	[sflag:s4] =	ssyncset.s32 $0xFFFFF086  }
0x25: {  	[simem:s6], [sflag:s4] =	dma.local [hbm:s3], $0xF7A  }
0x26: {  	[smem:$0x3F9F] =	sst s1;
	(tag) =	ssettag s2;
	_ =	strace s9  }
0x27: {  	s1 =	sld [smem:$0x3FAF]  }
0x28: {  	s2 =	sld [smem:$0x3FB0]  }
0x29: {  	s4 =	sld [smem:$0x3FB2]  }
0x2a: {  	p0 =	seq.s32 s5, $0x0;
	s5 =	sld [smem:$0x3FB3]  }
0x2b: {  	s6 =	sld [smem:$0x3FB4]  }
0x2c: {  	s7 =	sld [smem:$0x3FB5]  }
0x2d: {  	s3 =	simm.s32 $0x108;
	s8 =	sld [smem:$0x3FB6]  }
0x2e: {  	s3 =	simm.s32 @!p0 $0x1082;
	s9 =	sld [smem:$0x3FB7]  }
0x2f: {  	lr =	sadd.s32 s0, s3;
	s0 =	sld [smem:$0x3FAE]  }
0x30: {  	s3 =	sld [smem:$0x3FB1]  }
0x31: {  	[smem:$0x3FBA] =	sst s10  }
0x32: {  	s10 =	sld [smem:$0x3FB8];
	_ =	sdelay $0x3  }
0x33: {  	p0 =	seq.s32 s10, $0x1;
	s10 =	sld [smem:$0x3FBA];
	_ =	sdelay $0x3  }
0x34: {  	[smem:$0x3FBA] =	sst s10  }
0x35: {  	s10 =	sld [smem:$0x3FB9];
	_ =	sdelay $0x3  }
0x36: {  	p1 =	seq.s32 s10, $0x1;
	s10 =	sld [smem:$0x3FBA];
	_ =	sdelay $0x3  }
0x37: {  	[smem:$0x3FBA] =	sst s10  }
0x38: {  	s10 =	sld [smem:$0x3FBB]  }
0x39: {  	_ = 	snop;
	(pc) =	sbr.ind lr, $3  }
0x3a: {  	_ = 	snop  }
0x3b: {  	_ = 	snop  }
0x3c: {  	p2 =	seq.s32 s10, $0x1;
	s10 =	sld [smem:$0x3FBA]  }
0x3d: {  	_ =	shalt  }
0x3e: {  	_ =	shalt  }
0x3f: {  	_ =	shalt  }
0x40: {  	_ =	shalt  }
0x41: {  	_ =	shalt  }
0x42: {  	_ =	shalt  }
0x43: {  	_ =	shalt  }
0x44: {  	_ =	shalt  }
0x45: {  	_ =	shalt  }
0x46: {  	_ =	shalt  }
0x47: {  	_ =	shalt  }
0x48: {  	_ =	shalt  }
0x49: {  	_ =	shalt  }
0x4a: {  	_ =	shalt  }
0x4b: {  	_ =	shalt  }
0x4c: {  	_ =	shalt  }
0x4d: {  	_ =	shalt  }
0x4e: {  	_ =	shalt  }
0x4f: {  	_ =	shalt  }
0x50: {  	_ =	shalt  }
0x51: {  	_ =	shalt  }
0x52: {  	_ =	shalt  }
0x53: {  	_ =	shalt  }
0x54: {  	_ =	shalt  }
0x55: {  	_ =	shalt  }
0x56: {  	_ =	shalt  }
0x57: {  	_ =	shalt  }
0x58: {  	_ =	shalt  }
0x59: {  	_ =	shalt  }
0x5a: {  	_ =	shalt  }
0x5b: {  	_ =	shalt  }
0x5c: {  	_ =	shalt  }
0x5d: {  	_ =	shalt  }
0x5e: {  	_ =	shalt  }
0x5f: {  	_ =	shalt  }
0x60: {  	_ =	shalt  }
0x61: {  	_ =	shalt  }
0x62: {  	_ =	shalt  }
0x63: {  	_ =	shalt  }
0x64: {  	_ =	shalt  }
0x65: {  	_ =	shalt  }
0x66: {  	_ =	shalt  }
0x67: {  	_ =	shalt  }
0x68: {  	_ =	shalt  }
0x69: {  	_ =	shalt  }
0x6a: {  	_ =	shalt  }
0x6b: {  	_ =	shalt  }
0x6c: {  	_ =	shalt  }
0x6d: {  	_ =	shalt  }
0x6e: {  	_ =	shalt  }
0x6f: {  	_ =	shalt  }
0x70: {  	_ =	shalt  }
0x71: {  	_ =	shalt  }
0x72: {  	_ =	shalt  }
0x73: {  	_ =	shalt  }
0x74: {  	_ =	shalt  }
0x75: {  	_ =	shalt  }
0x76: {  	_ =	shalt  }
0x77: {  	_ =	shalt  }
0x78: {  	_ =	shalt  }
0x79: {  	_ =	shalt  }
0x7a: {  	_ =	shalt  }
0x7b: {  	_ =	shalt  }
0x7c: {  	_ =	shalt  }
0x7d: {  	_ =	shalt  }
0x7e: {  	_ =	shalt  }
0x7f: {  	_ =	shalt  }
0x80: {  	_ =	shalt  }
0x81: {  	_ =	shalt  }
0x82: {  	_ =	shalt  }
0x83: {  	_ =	shalt  }
0x84: {  	_ =	shalt  }
0x85: {  	_ =	shalt  }
0x86: {  	_ =	shalt  }
0x87: {  	_ =	shalt  }
.Lfunc_end0:
.L_simem_size_0:
called_computation_lowered:
.L_overlay_start_0:
0x88: {  	s2 =	sld [smem:$0x3FD9]  }
0x89: {  	s3 =	sld [smem:$0x3FFE];
	_ =	sdelay $0x1  }
0x8a: {  	s1 =	srdreg.scid  }
0x8b: {  	s0 =	sand.u32 $0x1, s1  }
0x8c: {  	s17 =	sshll.u32 s0, $0xA;
	s2 =	sadd.s32 s3, s2  }
0x8d: {  	s2 =	sadd.s32 s2, s17  }
0x8e: {  	[smem:$0x3FC6] =	sst s2  }
0x8f: {  	_ = 	snop  }
0x90: {  	s2 =	sld [smem:$0x3FC9]  }
0x91: {  	s18 =	sld [smem:$0x3FD0];
	(tm) =	ssettm $0x1  }
0x92: {  	s4 =	sld [smem:$0x3FFB];
	_ =	sdelay $0x3  }
0x93: {  	_ =	strace s4  }
0x94: {  	s4 =	sld [smem:$0x3FFC];
	_ =	sdelay $0x3  }
0x95: {  	_ =	strace s4  }
0x96: {  	s4 =	sld [smem:$0x3FFD];
	_ =	sdelay $0x3  }
0x97: {  	_ =	strace s4  }
0x98: {  	_ =	strace $0x8FFFFFFF  }
0x99: {  	s19 =	sld [smem:$0x3FDB];
	_ =	sdelay $0x1  }
0x9a: {  	s5 =	simm.s32 $_scs_section_size  }
0x9b: {  	s6 =	simm.s32 $_size__tile_overlayer_lowered;
	s7 =	simm.s32 $_tile_overlayer_lowered  }
0x9c: {  	s22 =	simm.s32 $0x1BFF;
	s21 =	sshll.u32 s7, $0x1;
	s4 =	sadd.s32 s5, s19  }
0x9d: {  	s8 =	simm.s32 $0x0;
	s20 =	sshll.u32 s6, $0x1;
	s6 =	sadd.s32 s21, s4  }
0x9e: {  	[timem:s8], [sflag:s22] =	dma.local [hbm:s6], s20  }
0x9f: {  	_ =	swait.ge [sflag:s22], s20  }
0xa0: {  	s5 =	ssub.s32 $0x0, s20;
	[sflag:s22] =	ssyncset.done $0x0  }
0xa1: {  	[sflag:s22] =	ssyncadd.s32 s5;
	_ =	sdelay $0x1  }
0xa2: {  	s23 =	simm.s32 $0x1B8B  }
0xa3: {  	_ =	swait.ge [sflag:s23], $0x1  }
0xa4: {  	[sflag:s23] =	ssyncset.done $0x0  }
0xa5: {  	s25 =	simm.s32 $0x1B8E;
	s24 =	sld [smem:$0x3FFE];
	[sflag:s23] =	ssyncadd.s32 $0xFFFFFFFF  }
0xa6: {  	s26 =	simm.s32 $execute0_lowered;
	[smem:$0x3FD2] =	sst s25  }
0xa7: {  	s6 =	sshll.u32 s26, $0x1;
	_ =	strace $0x80000046;
	[dreg:$0x1] =	wrdreg $0xFFFFFFFF  }
0xa8: {  	s28 =	simm.s32 $_size_execute0_lowered;
	s4 =	sadd.s32 s4, s6;
	[dreg:$0x0] =	wrdreg $0x0  }
0xa9: {  	s6 =	sshll.u32 s28, $0x1;
	[dreg:$0x2] =	wrdreg s4  }
0xaa: {  	[dreg:$0x3] =	wrdreg s6  }
0xab: {  	[dreg:$0x4] =	wrdreg $0xC0  }
0xac: {  	_ =	task [dreg:s8], $0x5FFFF  }
0xad: {  	[dreg:$0x1] =	wrdreg $0xFFFFFFFF  }
0xae: {  	[dreg:$0x0] =	wrdreg $0x60  }
0xaf: {  	[dreg:$0x2] =	wrdreg s2  }
0xb0: {  	[dreg:$0x3] =	wrdreg s24  }
0xb1: {  	[dreg:$0x4] =	wrdreg s18  }
0xb2: {  	[dreg:$0x5] =	wrdreg $0x9  }
0xb3: {  	_ =	task.clear_ibuf [dreg:s8], $0x6FFFF;
	_ =	strace $0x90000046  }
0xb4: {  	s29 =	simm.s32 $0x9;
	_ =	strace $0x80000048  }
0xb5: {  	_ =	swait.ge [sflag:s29], $0x1  }
0xb6: {  	[sflag:s29] =	ssyncadd.s32 $0xFFFFFFFF  }
0xb7: {  	_ =	strace $0x90000048  }
0xb8: {  	_ =	sfence  }
0xb9: {  	s30 =	sld [smem:$0x0];
	_ =	sdelay $0x2  }
0xba: {  	s31 =	sshll.u32 s1, $0xD;
	s1 =	sshrl.u32 s1, $0x2  }
0xbb: {  	s3 =	sand.u32 $0x4000, s31;
	s1 =	sadd.s32 s1, s30  }
0xbc: {  	s0 =	sor.u32 s3, s0;
	s1 =	sshll.u32 s1, $0x11  }
0xbd: {  	s0 =	sor.u32 s1, s0  }
0xbe: {  	s0 =	sadd.s32 $0x8F2B, s0  }
0xbf: {  	[sflag:s0] =	ssyncadd.remote.s32 $0x1  }
0xc0: {  	_ =	sfence.sel $0xFFFF  }
0xc1: {  	[dreg:$0x0] =	wrdreg $0xFFFFFFFF;
	(pc) =	sbr.abs _section_cstart, $3  }
0xc2: {  	[dreg:$0x1] =	wrdreg $0xFFFFFFFF  }
0xc3: {  	_ =	task.clear_ibuf [dreg:s8], $0x2FFFF;
	_ =	strace $0x9FFFFFFF  }
0xc4: {  	(tm) =	ssettm $0x7FFFFFFF  }
0xc5: {  	_ =	shalt  }
tec
execute0_lowered:
.L_overlay_start_1:
0x0: {  	(tag) =	ssettag $0x1  }
0x1: {  	s3 =	rddreg [dreg:$0x0];
	v1 =	vimm.f32 $1.500000000e+01;
	vm0 =	vcmask $0x300  }
0x2: {  	s0 =	srdreg.scid;
	s7 =	rddreg [dreg:$0x1];
	vm1 =	vcmask $0x704;
	vm2 =	vcmask $0xB08;
	v2 =	vimm.f32 $3.100000000e+01  }
0x3: {  	s10 =	stileid.u32;
	s4 =	rddreg [dreg:$0x2];
	v6 =	vlaneseq.u32;
	v1 =	vsel vm0, $0x0, v1;
	v2 =	vsel vm0, $0x41800000, v2  }
0x4: {  	s5 =	simm.s32 $0x0;
	s0 =	sand.u32 $0x1, s0;
	s1 =	sshll.u32 s10, $0x1;
	vm0 =	vcmask $0xF0C;
	v4 =	vshrl.u32 v6, $0x3;
	v1 =	vsel vm1, $0x3F800000, v1  }
0x5: {  	s14 =	simm.s32 $0xA900;
	s15 =	simm.s32 $0xB100;
	s1 =	sor.u32 s0, s1;
	v2 =	vsel vm1, $0x41880000, v2;
	vm1 =	vcmask $0x1310;
	v4 =	vmul.u32 $0x8, v4  }
0x6: {  	s16 =	simm.s32 $0xB500;
	s17 =	simm.s32 $0xBD00;
	s1 =	smul.u32 $0xC40, s1;
	v1 =	vsel vm2, $0x40000000, v1;
	v2 =	vsel vm2, $0x41900000, v2;
	vm2 =	vcmask $0x1714  }
0x7: {  	s18 =	simm.s32 $0xC100;
	s19 =	simm.s32 $0xC900;
	s20 =	simm.s32 $0xCD00;
	v1 =	vsel vm0, $0x40400000, v1;
	v2 =	vsel vm0, $0x41980000, v2;
	vm0 =	vcmask $0x1B18  }
0x8: {  	s21 =	simm.s32 $0xD500;
	s2 =	sadd.s32 $0x3C00, s1;
	p0 =	slt.u32 s1, $0xC400;
	v1 =	vsel vm1, $0x40800000, v1;
	v2 =	vsel vm1, $0x41A00000, v2;
	vm1 =	vcmask $0x1F1C  }
0x9: {  	s22 =	simm.s32 $0x1;
	s28 =	simm.s32 $0x10980;
	s2 =	smov.u32 @p0 s1;
	v1 =	vsel vm2, $0x40A00000, v1;
	v2 =	vsel vm2, $0x41A80000, v2;
	vm2 =	vcmask $0x2320  }
0xa: {  	s29 =	simm.s32 $0x10A80;
	s30 =	simm.s32 $0xF100;
	s2 =	sand.u32 $0xFFC0, s2;
	v1 =	vsel vm0, $0x40C00000, v1;
	v2 =	vsel vm0, $0x41B00000, v2;
	vm0 =	vcmask $0x2724  }
0xb: {  	[smem:$0x7FF] =	sst s5;
	s0 =	ssub.s32 $0x2, s0;
	s2 =	sshrl.u32 s2, $0x5;
	v1 =	vsel vm1, $0x40E00000, v1;
	v2 =	vsel vm1, $0x41B80000, v2;
	vm1 =	vcmask $0x2B28  }
0xc: {  	s24 =	sshrl.u32 s10, $0x3;
	s9 =	sshrl.u32 s0, $0x1;
	s2 =	smul.u32 $0x2493, s2;
	v1 =	vsel vm2, $0x41000000, v1;
	v2 =	vsel vm2, $0x41C00000, v2;
	vm2 =	vcmask $0x2F2C  }
0xd: {  	_ =	strace $0x80000047;
	s23 =	ssub.s32 s0, s9;
	s0 =	smul.u32 $0xC400, s24;
	v1 =	vsel vm0, $0x41100000, v1;
	v2 =	vsel vm0, $0x41C80000, v2;
	vm0 =	vcmask $0x3330  }
0xe: {  	s9 =	sadd.s32 $0x100, s3;
	s24 =	simm.s32 $0x10A00;
	s6 =	sshrl.u32 s2, $0x10;
	v1 =	vsel vm1, $0x41200000, v1;
	v2 =	vsel vm1, $0x41D00000, v2;
	vm1 =	vcmask $0x3734  }
.Ltmp0:
0xf: {  	s8 =	sshrl.u32 s1, $0x3;
	s2 =	scvt.s32.f32 s6;
	v1 =	vsel vm2, $0x41300000, v1;
	v2 =	vsel vm2, $0x41D80000, v2;
	vm2 =	vcmask $0x3B38;
	(pc) =	sbr.rel .LBB2_1-.Ltmp0, $4  }
0x10: {  	s10 =	sor.u32 $0x10, s1;
	s31 =	smax.u32 s23, $0x1;
	s7 =	sadd.s32 s8, s7;
	v3 =	vsel vm0, $0x41400000, v1;
	v1 =	vmov s0;
	v5 =	vsel vm0, $0x41E00000, v2  }
0x11: {  	s23 =	simm.s32 $0x10900;
	[dreg:$0x6] =	wrdreg s31;
	s25 =	sadd.s32 $0x3800, s7;
	vm0 =	vmmov $0xffff;
	v0 =	vmov s2;
	v3 =	vsel vm1, $0x41500000, v3  }
0x12: {  	s26 =	sadd.s32 $0x600, s7;
	s7 =	simm.s32 $0x0;
	[dreg:$0x4] =	wrdreg s25;
	v5 =	vsel vm1, $0x41E80000, v5;
	vm1 =	vmmov $0xff;
	v2 =	vsel vm2, $0x41600000, v3  }
0x13: {  	[dreg:$0x5] =	wrdreg s26;
	s25 =	simm.s32 $0xD900;
	s26 =	simm.s32 $0x2;
	v3 =	vand.u32 $0x7, v6;
	v5 =	vsel vm2, $0x41F00000, v5;
	v6 =	vor.u32 $0x8, v6  }
.LBB2_11:
0x14: {  	s0 =	simm.s32 $0x3  }
0x15: {  	_ =	swait.ge [sflag:s0], $0x1800  }
0x16: {  	[sflag:s0] =	ssyncset.done $0x0  }
0x17: {  	s2 =	simm.s32 $0x4;
	[sflag:s0] =	ssyncadd.s32 $0xFFFFE800  }
0x18: {  	_ =	swait.ge [sflag:s2], $0x1800  }
0x19: {  	s7 =	rddreg [dreg:$0x7]  }
0x1a: {  	s31 =	rddreg [dreg:$0x6];
	s7 =	sadd.s32 $0x1, s7  }
0x1b: {  	p0 =	sne.s32 s7, s31  }
.Ltmp1:
0x1c: {  	_ = 	snop;
	(pc) =	sbr.rel @!p0 .LBB2_12-.Ltmp1, $3  }
0x1d: {  	_ =	sdelay $0x1  }
0x1e: {  	[sflag:s2] =	ssyncset.done $0x0  }
0x1f: {  	[sflag:s2] =	ssyncadd.s32 $0xFFFFE800  }
.LBB2_1:
0x20: {  	[dreg:$0x7] =	wrdreg s7  }
0x21: {  	s0 =	rddreg [dreg:$0x4];
	s2 =	simm.s32 $0x5  }
0x22: {  	[tilespmem:s5], [sflag:$0x5] =	stream.linear.gather [hbm4b:s0+s5], $0xC40, $0x38;
	[tilespmem:$0x10C00] =	vst v63  }
0x23: {  	_ =	swait.ge [sflag:s2], $0xC40  }
0x24: {  	[sflag:s2] =	ssyncset.done $0x0  }
0x25: {  	s13 =	simm.s32 $0xC80;
	s12 =	rddreg [dreg:$0x5];
	[sflag:s2] =	ssyncadd.s32 $0xFFFFF3C0  }
0x26: {  	[tilespmem:s13], [sflag:$0x5] =	stream.linear.gather [hbm4b:s12+s5], $0xC40, $0x38;
	[tilespmem:$0x10C00] =	vst v63  }
0x27: {  	_ =	swait.ge [sflag:s2], $0xC40  }
0x28: {  	[sflag:s2] =	ssyncset.done $0x0  }
0x29: {  	[sflag:s2] =	ssyncadd.s32 $0xFFFFF3C0  }
0x2a: {  	v7 =	vld [tilespmem:$0xC80]  }
0x2b: {  	v8 =	vld [tilespmem:$0x0];
	_ =	sdelay $0x3  }
0x2c: {  	v7 =	vadd.f32 v7, v0  }
0x2d: {  	v8 =	vadd.f32 v2, v8  }
0x2e: {  	v7 =	vmax.f32 v7, $0.0e+00  }
0x2f: {  	v8 =	vmax.f32 v8, $0.0e+00;
	v7 =	vmin.f32 v7, $2.230000000e+02  }
0x30: {  	v8 =	vmin.f32 v8, $2.230000000e+02;
	v9 =	vtrunc.f32 v7  }
0x31: {  	v10 =	vtrunc.f32 v8;
	v9 =	vcvt.f32.s32 v9  }
0x32: {  	v10 =	vcvt.f32.s32 v10  }
0x33: {  	vm2 =	vlt.s32 v9, $0xDE  }
0x34: {  	v9 =	vnsel vm2, $0xDE, v9;
	vm2 =	vlt.s32 v10, $0xDE  }
0x35: {  	v10 =	vnsel vm2, $0xDE, v10;
	v11 =	vmul.u32 $0xE0, v9  }
0x36: {  	v12 =	vadd.s32 v1, v10  }
0x37: {  	v11 =	vadd.s32 v11, v12  }
0x38: {  	v12 =	vshrl.u32 v11, $0x3  }
0x39: {  	v12 =	vmul.u32 $0x18, v12  }
0x3a: {  	v9 =	vcvt.s32.f32 v9;
	v13 =	vcvt.s32.f32 v10;
	v10 =	vand.u32 $0x7, v10  }
0x3b: {  	v10 =	vor.u32 v10, v12  }
0x3c: {  	v7 =	vsub.f32 v7, v9;
	v55 =	vperm.xlane v10, v3  }
0x3d: {  	v8 =	vsub.f32 v8, v13;
	[tilespmem:$0x10B00] =	vst v11  }
0x3e: {  	[tilespmem:$0x10A00] =	vst v7;
	v7 =	vadd.s32 v4, v55  }
0x3f: {  	[tilespmem:$0x10900] =	vst v8;
	v8 =	vadd.s32 $0x1, v11  }
0x40: {  	[tilespmem:$0x10B10] =	vst v8;
	v8 =	vadd.s32 $0xE0, v11;
	v56 =	vperm.xlane v10, v6  }
0x41: {  	[tilespmem:$0x10B20] =	vst v8;
	v8 =	vadd.s32 $0xE1, v11  }
0x42: {  	s2 =	simm.s32 $0x1900;
	[tilespmem:$0x10B30] =	vst v8;
	v8 =	vadd.s32 v4, v56  }
0x43: {  	[tilespmem:s2], [sflag:$0x1] =	stream.indirect_vreg.gather [hbm4b:s3+s5], $0x80, v7, vm0, $0xb8;
	[tilespmem:$0x10C00] =	vst v63  }
0x44: {  	s7 =	simm.s32 $0x2100  }
0x45: {  	[tilespmem:s7], [sflag:$0x1] =	stream.indirect_vreg.gather [hbm4b:s9+s5], $0x80, v7, vm1, $0xb8;
	[tilespmem:$0x10C00] =	vst v63  }
0x46: {  	s8 =	simm.s32 $0x2500  }
0x47: {  	[tilespmem:s8], [sflag:$0x1] =	stream.indirect_vreg.gather [hbm4b:s3+s5], $0x80, v8, vm0, $0xb8;
	[tilespmem:$0x10C00] =	vst v63  }
0x48: {  	s11 =	simm.s32 $0x2D00  }
0x49: {  	[tilespmem:s11], [sflag:$0x1] =	stream.indirect_vreg.gather [hbm4b:s9+s5], $0x80, v8, vm1, $0xb8;
	[tilespmem:$0x10C00] =	vst v63  }
0x4a: {  	v7 =	vld [tilespmem:$0x10B10];
	_ =	sdelay $0x4  }
0x4b: {  	v8 =	vshrl.u32 v7, $0x3  }
0x4c: {  	v8 =	vmul.u32 $0x18, v8  }
0x4d: {  	v7 =	vand.u32 $0x7, v7  }
0x4e: {  	v7 =	vor.u32 v7, v8  }
0x4f: {  	v8 =	vperm.xlane v7, v3;
	_ =	sdelay $0x1  }
0x50: {  	v8 =	vadd.s32 v4, v8;
	_ =	sdelay $0x1  }
0x51: {  	v7 =	vperm.xlane v7, v6;
	_ =	sdelay $0x1  }
0x52: {  	s12 =	simm.s32 $0x3100;
	v7 =	vadd.s32 v4, v7  }
0x53: {  	[tilespmem:s12], [sflag:$0x1] =	stream.indirect_vreg.gather [hbm4b:s3+s5], $0x80, v8, vm0, $0xb8;
	[tilespmem:$0x10C00] =	vst v63  }
0x54: {  	s13 =	simm.s32 $0x3900  }
0x55: {  	[tilespmem:s13], [sflag:$0x1] =	stream.indirect_vreg.gather [hbm4b:s9+s5], $0x80, v8, vm1, $0xb8;
	[tilespmem:$0x10C00] =	vst v63  }
0x56: {  	s2 =	simm.s32 $0x3D00  }
0x57: {  	[tilespmem:s2], [sflag:$0x1] =	stream.indirect_vreg.gather [hbm4b:s3+s5], $0x80, v7, vm0, $0xb8;
	[tilespmem:$0x10C00] =	vst v63  }
0x58: {  	s7 =	simm.s32 $0x4500  }
0x59: {  	[tilespmem:s7], [sflag:$0x1] =	stream.indirect_vreg.gather [hbm4b:s9+s5], $0x80, v7, vm1, $0xb8;
	[tilespmem:$0x10C00] =	vst v63  }
0x5a: {  	v7 =	vld [tilespmem:$0x10B20];
	_ =	sdelay $0x4  }
0x5b: {  	v8 =	vshrl.u32 v7, $0x3  }
0x5c: {  	v8 =	vmul.u32 $0x18, v8  }
0x5d: {  	v7 =	vand.u32 $0x7, v7  }
0x5e: {  	v7 =	vor.u32 v7, v8  }
0x5f: {  	v8 =	vperm.xlane v7, v3;
	_ =	sdelay $0x1  }
0x60: {  	v8 =	vadd.s32 v4, v8;
	_ =	sdelay $0x1  }
0x61: {  	v7 =	vperm.xlane v7, v6;
	_ =	sdelay $0x1  }
0x62: {  	s8 =	simm.s32 $0x4900;
	v7 =	vadd.s32 v4, v7  }
0x63: {  	[tilespmem:s8], [sflag:$0x1] =	stream.indirect_vreg.gather [hbm4b:s3+s5], $0x80, v8, vm0, $0xb8;
	[tilespmem:$0x10C00] =	vst v63  }
0x64: {  	s11 =	simm.s32 $0x5100  }
0x65: {  	[tilespmem:s11], [sflag:$0x1] =	stream.indirect_vreg.gather [hbm4b:s9+s5], $0x80, v8, vm1, $0xb8;
	[tilespmem:$0x10C00] =	vst v63  }
0x66: {  	s12 =	simm.s32 $0x5500  }
0x67: {  	[tilespmem:s12], [sflag:$0x1] =	stream.indirect_vreg.gather [hbm4b:s3+s5], $0x80, v7, vm0, $0xb8;
	[tilespmem:$0x10C00] =	vst v63  }
0x68: {  	s13 =	simm.s32 $0x5D00  }
0x69: {  	[tilespmem:s13], [sflag:$0x1] =	stream.indirect_vreg.gather [hbm4b:s9+s5], $0x80, v7, vm1, $0xb8;
	[tilespmem:$0x10C00] =	vst v63  }
0x6a: {  	v7 =	vld [tilespmem:$0x10B30];
	_ =	sdelay $0x4  }
0x6b: {  	v8 =	vshrl.u32 v7, $0x3  }
0x6c: {  	v8 =	vmul.u32 $0x18, v8  }
0x6d: {  	v7 =	vand.u32 $0x7, v7  }
0x6e: {  	v7 =	vor.u32 v7, v8  }
0x6f: {  	v8 =	vperm.xlane v7, v3;
	_ =	sdelay $0x1  }
0x70: {  	v8 =	vadd.s32 v4, v8;
	_ =	sdelay $0x1  }
0x71: {  	v7 =	vperm.xlane v7, v6;
	_ =	sdelay $0x1  }
0x72: {  	s2 =	simm.s32 $0x6100;
	v7 =	vadd.s32 v4, v7  }
0x73: {  	[tilespmem:s2], [sflag:$0x1] =	stream.indirect_vreg.gather [hbm4b:s3+s5], $0x80, v8, vm0, $0xb8;
	[tilespmem:$0x10C00] =	vst v63  }
0x74: {  	s7 =	simm.s32 $0x6900  }
0x75: {  	[tilespmem:s7], [sflag:$0x1] =	stream.indirect_vreg.gather [hbm4b:s9+s5], $0x80, v8, vm1, $0xb8;
	[tilespmem:$0x10C00] =	vst v63  }
0x76: {  	s8 =	simm.s32 $0x6D00  }
0x77: {  	[tilespmem:s8], [sflag:$0x1] =	stream.indirect_vreg.gather [hbm4b:s3+s5], $0x80, v7, vm0, $0xb8;
	[tilespmem:$0x10C00] =	vst v63  }
0x78: {  	s11 =	simm.s32 $0x7500  }
0x79: {  	[tilespmem:s11], [sflag:$0x1] =	stream.indirect_vreg.gather [hbm4b:s9+s5], $0x80, v7, vm1, $0xb8;
	[tilespmem:$0x10C00] =	vst v63  }
0x7a: {  	v7 =	vld [tilespmem:$0xC90]  }
0x7b: {  	v8 =	vld [tilespmem:$0x10];
	_ =	sdelay $0x3  }
0x7c: {  	v7 =	vadd.f32 v7, v0  }
0x7d: {  	v8 =	vadd.f32 v5, v8  }
0x7e: {  	v7 =	vmax.f32 v7, $0.0e+00  }
0x7f: {  	v8 =	vmax.f32 v8, $0.0e+00;
	v7 =	vmin.f32 v7, $2.230000000e+02  }
0x80: {  	v8 =	vmin.f32 v8, $2.230000000e+02;
	v57 =	vtrunc.f32 v7  }
0x81: {  	v58 =	vtrunc.f32 v8;
	v9 =	vcvt.f32.s32 v57  }
0x82: {  	v10 =	vcvt.f32.s32 v58  }
0x83: {  	vm2 =	vlt.s32 v9, $0xDE  }
0x84: {  	v9 =	vnsel vm2, $0xDE, v9;
	vm2 =	vlt.s32 v10, $0xDE  }
0x85: {  	v10 =	vnsel vm2, $0xDE, v10;
	v59 =	vmul.u32 $0xE0, v9  }
0x86: {  	v60 =	vadd.s32 v1, v10  }
0x87: {  	v11 =	vadd.s32 v59, v60  }
0x88: {  	v12 =	vshrl.u32 v11, $0x3  }
0x89: {  	v12 =	vmul.u32 $0x18, v12  }
0x8a: {  	v9 =	vcvt.s32.f32 v9;
	v61 =	vcvt.s32.f32 v10;
	v10 =	vand.u32 $0x7, v10  }
0x8b: {  	v10 =	vor.u32 v10, v12  }
0x8c: {  	v7 =	vsub.f32 v7, v9;
	v62 =	vperm.xlane v10, v3  }
0x8d: {  	v8 =	vsub.f32 v8, v61;
	[tilespmem:$0x10B80] =	vst v11  }
0x8e: {  	[tilespmem:$0x10A80] =	vst v7;
	v7 =	vadd.s32 v4, v62  }
0x8f: {  	[tilespmem:$0x10980] =	vst v8;
	v8 =	vadd.s32 $0x1, v11  }
0x90: {  	[tilespmem:$0x10B90] =	vst v8;
	v8 =	vadd.s32 $0xE0, v11;
	v63 =	vperm.xlane v10, v6  }
0x91: {  	[tilespmem:$0x10BA0] =	vst v8;
	v8 =	vadd.s32 $0xE1, v11  }
0x92: {  	s12 =	simm.s32 $0x7900;
	[tilespmem:$0x10BB0] =	vst v8;
	v8 =	vadd.s32 v4, v63  }
0x93: {  	[tilespmem:s12], [sflag:$0x2] =	stream.indirect_vreg.gather [hbm4b:s3+s5], $0x80, v7, vm0, $0xb8;
	[tilespmem:$0x10C00] =	vst v63  }
0x94: {  	s13 =	simm.s32 $0x8100  }
0x95: {  	[tilespmem:s13], [sflag:$0x2] =	stream.indirect_vreg.gather [hbm4b:s9+s5], $0x80, v7, vm1, $0xb8;
	[tilespmem:$0x10C00] =	vst v63  }
0x96: {  	s2 =	simm.s32 $0x8500  }
0x97: {  	[tilespmem:s2], [sflag:$0x2] =	stream.indirect_vreg.gather [hbm4b:s3+s5], $0x80, v8, vm0, $0xb8;
	[tilespmem:$0x10C00] =	vst v63  }
0x98: {  	s7 =	simm.s32 $0x8D00  }
0x99: {  	[tilespmem:s7], [sflag:$0x2] =	stream.indirect_vreg.gather [hbm4b:s9+s5], $0x80, v8, vm1, $0xb8;
	[tilespmem:$0x10C00] =	vst v63  }
0x9a: {  	v7 =	vld [tilespmem:$0x10B90];
	_ =	sdelay $0x4  }
0x9b: {  	v8 =	vshrl.u32 v7, $0x3  }
0x9c: {  	v8 =	vmul.u32 $0x18, v8  }
0x9d: {  	v7 =	vand.u32 $0x7, v7  }
0x9e: {  	v7 =	vor.u32 v7, v8  }
0x9f: {  	v8 =	vperm.xlane v7, v3;
	_ =	sdelay $0x1  }
0xa0: {  	v8 =	vadd.s32 v4, v8;
	_ =	sdelay $0x1  }
0xa1: {  	v7 =	vperm.xlane v7, v6;
	_ =	sdelay $0x1  }
0xa2: {  	s8 =	simm.s32 $0x9100;
	v7 =	vadd.s32 v4, v7  }
0xa3: {  	[tilespmem:s8], [sflag:$0x2] =	stream.indirect_vreg.gather [hbm4b:s3+s5], $0x80, v8, vm0, $0xb8;
	[tilespmem:$0x10C00] =	vst v63  }
0xa4: {  	s11 =	simm.s32 $0x9900  }
0xa5: {  	[tilespmem:s11], [sflag:$0x2] =	stream.indirect_vreg.gather [hbm4b:s9+s5], $0x80, v8, vm1, $0xb8;
	[tilespmem:$0x10C00] =	vst v63  }
0xa6: {  	s12 =	simm.s32 $0x9D00  }
0xa7: {  	[tilespmem:s12], [sflag:$0x2] =	stream.indirect_vreg.gather [hbm4b:s3+s5], $0x80, v7, vm0, $0xb8;
	[tilespmem:$0x10C00] =	vst v63  }
0xa8: {  	s13 =	simm.s32 $0xA500  }
0xa9: {  	[tilespmem:s13], [sflag:$0x2] =	stream.indirect_vreg.gather [hbm4b:s9+s5], $0x80, v7, vm1, $0xb8;
	[tilespmem:$0x10C00] =	vst v63  }
0xaa: {  	v7 =	vld [tilespmem:$0x10BA0];
	_ =	sdelay $0x4  }
0xab: {  	v8 =	vshrl.u32 v7, $0x3  }
0xac: {  	v8 =	vmul.u32 $0x18, v8  }
0xad: {  	v7 =	vand.u32 $0x7, v7  }
0xae: {  	v7 =	vor.u32 v7, v8  }
0xaf: {  	v8 =	vperm.xlane v7, v3;
	_ =	sdelay $0x1  }
0xb0: {  	v8 =	vadd.s32 v4, v8;
	_ =	sdelay $0x1  }
0xb1: {  	v7 =	vperm.xlane v7, v6;
	_ =	sdelay $0x1  }
0xb2: {  	v7 =	vadd.s32 v4, v7  }
0xb3: {  	[tilespmem:s14], [sflag:$0x2] =	stream.indirect_vreg.gather [hbm4b:s3+s5], $0x80, v8, vm0, $0xb8;
	[tilespmem:$0x10C00] =	vst v63  }
0xb4: {  	_ = 	snop  }
0xb5: {  	[tilespmem:s15], [sflag:$0x2] =	stream.indirect_vreg.gather [hbm4b:s9+s5], $0x80, v8, vm1, $0xb8;
	[tilespmem:$0x10C00] =	vst v63  }
0xb6: {  	_ = 	snop  }
0xb7: {  	[tilespmem:s16], [sflag:$0x2] =	stream.indirect_vreg.gather [hbm4b:s3+s5], $0x80, v7, vm0, $0xb8;
	[tilespmem:$0x10C00] =	vst v63  }
0xb8: {  	_ = 	snop  }
0xb9: {  	[tilespmem:s17], [sflag:$0x2] =	stream.indirect_vreg.gather [hbm4b:s9+s5], $0x80, v7, vm1, $0xb8;
	[tilespmem:$0x10C00] =	vst v63  }
0xba: {  	v7 =	vld [tilespmem:$0x10BB0];
	_ =	sdelay $0x4  }
0xbb: {  	v8 =	vshrl.u32 v7, $0x3  }
0xbc: {  	v8 =	vmul.u32 $0x18, v8  }
0xbd: {  	v7 =	vand.u32 $0x7, v7  }
0xbe: {  	v7 =	vor.u32 v7, v8  }
0xbf: {  	v8 =	vperm.xlane v7, v3;
	_ =	sdelay $0x1  }
0xc0: {  	v8 =	vadd.s32 v4, v8;
	_ =	sdelay $0x2  }
0xc1: {  	v7 =	vperm.xlane v7, v6;
	_ =	sdelay $0x1  }
0xc2: {  	v7 =	vadd.s32 v4, v7;
	[tilespmem:s18], [sflag:$0x2] =	stream.indirect_vreg.gather [hbm4b:s3+s5], $0x80, v8, vm0, $0xb8;
	[tilespmem:$0x10C00] =	vst v63  }
0xc3: {  	_ = 	snop  }
0xc4: {  	[tilespmem:s19], [sflag:$0x2] =	stream.indirect_vreg.gather [hbm4b:s9+s5], $0x80, v8, vm1, $0xb8;
	[tilespmem:$0x10C00] =	vst v63  }
.Ltmp2:
0xc5: {  	_ = 	snop;
	(pc) =	sbr.rel .LBB2_2-.Ltmp2, $4  }
0xc6: {  	_ = 	snop  }
0xc7: {  	[tilespmem:s20], [sflag:$0x2] =	stream.indirect_vreg.gather [hbm4b:s3+s5], $0x80, v7, vm0, $0xb8;
	[tilespmem:$0x10C00] =	vst v63  }
0xc8: {  	s31 =	simm.s32 $0x0  }
0xc9: {  	[tilespmem:s21], [sflag:$0x2] =	stream.indirect_vreg.gather [hbm4b:s9+s5], $0x80, v7, vm1, $0xb8;
	[tilespmem:$0x10C00] =	vst v63  }
.LBB2_10:
0xca: {  	s31 =	sadd.s32 $0x1, s31  }
0xcb: {  	s0 =	sadd.s32 s0, s10;
	p0 =	sne.s32 s31, $0x62  }
.Ltmp3:
0xcc: {  	s0 =	sshrl.u32 s0, $0x3;
	(pc) =	sbr.rel @!p0 .LBB2_11-.Ltmp3, $3  }
0xcd: {  	s0 =	smul.u32 $0x180, s0;
	_ =	sdelay $0x1  }
0xce: {  	s0 =	sadd.s32 s4, s0  }
0xcf: {  	[hbm4b:s0+s5] =	stream.linear.scatter [tilespmem:s30], [sflag:$0x4], $0x1800, $0x38;
	[tilespmem:$0x10C00] =	vst v63  }
.LBB2_2:
0xd0: {  	_ =	swait.ge [sflag:s22], $0x6000  }
0xd1: {  	p0 =	seq.s32 s31, $0x0;
	[sflag:s22] =	ssyncset.done $0x0  }
0xd2: {  	s2 =	simm.s32 $0x0;
	s0 =	simm.s32 @!p0 $0x3;
	[sflag:s22] =	ssyncadd.s32 $0xFFFFA000  }
0xd3: {  	s13 =	simm.s32 $0x0;
	s2 =	smul.u32 $0xC00, s2;
	_ =	swait.ge @!p0 [sflag:s0], $0x1800  }
0xd4: {  	s7 =	sand.u32 $0x380, s13;
	[sflag:s0] =	ssyncset.done @!p0 $0x0  }
0xd5: {  	[sflag:s0] =	ssyncadd.s32 @!p0 $0xFFFFE800;
	s0 =	sor.u32 s7, s2  }
0xd6: {  	v35 =	vld [tilespmem:s0+$0x6100]  }
0xd7: {  	v8 =	vld [tilespmem:s0+$0x6110]  }
0xd8: {  	v7 =	vld [tilespmem:s0+$0x6120]  }
0xd9: {  	v9 =	vld [tilespmem:s0+$0x6130]  }
0xda: {  	v10 =	vld [tilespmem:s0+$0x6140]  }
0xdb: {  	v11 =	vld [tilespmem:s0+$0x6150]  }
0xdc: {  	v13 =	vld [tilespmem:s0+$0x6160]  }
0xdd: {  	v14 =	vld [tilespmem:s0+$0x6170]  }
0xde: {  	v16 =	vld [tilespmem:s0+$0x6500]  }
0xdf: {  	v18 =	vld [tilespmem:s0+$0x6510]  }
0xe0: {  	v19 =	vld [tilespmem:s0+$0x6520]  }
0xe1: {  	v21 =	vld [tilespmem:s0+$0x6530]  }
0xe2: {  	v22 =	vld [tilespmem:s0+$0x6540]  }
0xe3: {  	v24 =	vld [tilespmem:s0+$0x6550]  }
0xe4: {  	v25 =	vld [tilespmem:s0+$0x6560]  }
0xe5: {  	v26 =	vld [tilespmem:s0+$0x6570]  }
0xe6: {  	v28 =	vld [tilespmem:s0+$0x6900]  }
0xe7: {  	v32 =	vld [tilespmem:s0+$0x6910]  }
0xe8: {  	v33 =	vld [tilespmem:s0+$0x6920]  }
0xe9: {  	v34 =	vld [tilespmem:s0+$0x6930]  }
0xea: {  	v36 =	vld [tilespmem:s0+$0x6940]  }
0xeb: {  	v38 =	vld [tilespmem:s0+$0x6950]  }
0xec: {  	v40 =	vld [tilespmem:s0+$0x6960]  }
0xed: {  	v42 =	vld [tilespmem:s0+$0x6970]  }
0xee: {  	v43 =	vld [tilespmem:s0+$0x4900]  }
0xef: {  	v12 =	vld [tilespmem:s0+$0x4920]  }
0xf0: {  	v15 =	vld [tilespmem:s0+$0x4940]  }
0xf1: {  	v17 =	vld [tilespmem:s0+$0x4960]  }
0xf2: {  	v27 =	vmov s13;
	v20 =	vld [tilespmem:s0+$0x4D00]  }
0xf3: {  	s2 =	sshll.u32 s31, $0x1;
	s7 =	simm.s32 $0x1;
	v23 =	vld [tilespmem:s0+$0x4D20]  }
.LBB2_3:
0xf4: {  	p1 =	sne.s32 s7, $0xF;
	v37 =	vld [tilespmem:s0+$0x4D40]  }
0xf5: {  	v39 =	vld [tilespmem:s0+$0x4D60]  }
0xf6: {  	v41 =	vld [tilespmem:s0+$0x5100]  }
0xf7: {  	v31 =	vld.idx.msk [tilespmem:v27+s23+$0x0], $0xffff  }
0xf8: {  	v44 =	vld.idx.msk [tilespmem:v27+s24+$0x0], $0xffff  }
0xf9: {  	v45 =	vld [tilespmem:s0+$0x5120]  }
0xfa: {  	v46 =	vld [tilespmem:s0+$0x5140]  }
0xfb: {  	v47 =	vld [tilespmem:s0+$0x1900]  }
0xfc: {  	v48 =	vld [tilespmem:s0+$0x2170]  }
0xfd: {  	v49 =	vld [tilespmem:s0+$0x3970]  }
0xfe: {  	v27 =	vsub.f32 $1.000000000e+00, v31;
	v30 =	vsub.f32 $1.000000000e+00, v44;
	v50 =	vld [tilespmem:s0+$0x3100]  }
0xff: {  	v51 =	vld [tilespmem:s0+$0x5170]  }
0x100: {  	v29 =	vmul.f32 v30, v27;
	v30 =	vmul.f32 v30, v31;
	v52 =	vld [tilespmem:s0+$0x2160]  }
0x101: {  	v27 =	vmul.f32 v44, v27;
	v53 =	vld [tilespmem:s0+$0x5160]  }
0x102: {  	v48 =	vmul.f32 v48, v29;
	v54 =	vld [tilespmem:s0+$0x3960];
	v49 =	vmul.f32 v49, v30  }
0x103: {  	v47 =	vmul.f32 v29, v47;
	v50 =	vmul.f32 v30, v50;
	v55 =	vld [tilespmem:s0+$0x2150]  }
0x104: {  	v31 =	vmul.f32 v44, v31;
	v44 =	vld [tilespmem:s0+$0x3950];
	v48 =	vadd.f32 v49, v48;
	v49 =	vmul.f32 v51, v27  }
0x105: {  	v43 =	vmul.f32 v43, v27;
	v47 =	vadd.f32 v50, v47;
	v50 =	vld [tilespmem:s0+$0x5150];
	v51 =	vmul.f32 v52, v29  }
0x106: {  	v35 =	vmul.f32 v35, v31;
	v42 =	vmul.f32 v42, v31;
	v52 =	vld [tilespmem:s0+$0x2140];
	v48 =	vadd.f32 v49, v48  }
0x107: {  	v53 =	vmul.f32 v53, v27;
	v43 =	vadd.f32 v43, v47;
	v47 =	vld [tilespmem:s0+$0x3940];
	v49 =	vmul.f32 v54, v30  }
0x108: {  	v40 =	vmul.f32 v40, v31;
	v54 =	vld [tilespmem:s0+$0x2130];
	v55 =	vmul.f32 v55, v29;
	v42 =	vadd.f32 v42, v48  }
0x109: {  	v35 =	vadd.f32 v35, v43;
	v43 =	vld [tilespmem:s0+$0x3930];
	v44 =	vmul.f32 v44, v30;
	v48 =	vadd.f32 v49, v51  }
0x10a: {  	v38 =	vmul.f32 v38, v31;
	v49 =	vld [tilespmem:s0+$0x5130];
	v50 =	vmul.f32 v50, v27;
	[tilespmem:s0+$0xE170] =	vst v42  }
0x10b: {  	[tilespmem:s0+$0xD900] =	vst v35;
	v35 =	vld [tilespmem:s0+$0x2120];
	v42 =	vmul.f32 v52, v29;
	v44 =	vadd.f32 v44, v55;
	v48 =	vadd.f32 v53, v48  }
0x10c: {  	v46 =	vmul.f32 v46, v27;
	v51 =	vld [tilespmem:s0+$0x3920];
	v47 =	vmul.f32 v47, v30  }
0x10d: {  	v36 =	vmul.f32 v36, v31;
	v52 =	vld [tilespmem:s0+$0x2110];
	v44 =	vadd.f32 v50, v44;
	v40 =	vadd.f32 v40, v48  }
0x10e: {  	v50 =	vmul.f32 v54, v29;
	v48 =	vld [tilespmem:s0+$0x3910];
	v43 =	vmul.f32 v43, v30;
	v42 =	vadd.f32 v47, v42  }
0x10f: {  	v34 =	vmul.f32 v34, v31;
	v47 =	vld [tilespmem:s0+$0x5110];
	v49 =	vmul.f32 v49, v27;
	v38 =	vadd.f32 v38, v44;
	[tilespmem:s0+$0xE160] =	vst v40  }
0x110: {  	v40 =	vld [tilespmem:s0+$0x2100];
	v35 =	vmul.f32 v35, v29;
	v43 =	vadd.f32 v43, v50;
	v42 =	vadd.f32 v46, v42  }
0x111: {  	v45 =	vmul.f32 v45, v27;
	v44 =	vld [tilespmem:s0+$0x3900];
	v46 =	vmul.f32 v51, v30;
	[tilespmem:s0+$0xE150] =	vst v38  }
0x112: {  	v33 =	vmul.f32 v33, v31;
	v38 =	vld [tilespmem:s0+$0x1D70];
	v43 =	vadd.f32 v49, v43;
	v36 =	vadd.f32 v36, v42  }
0x113: {  	v49 =	vmul.f32 v52, v29;
	v42 =	vld [tilespmem:s0+$0x3570];
	v48 =	vmul.f32 v48, v30;
	v35 =	vadd.f32 v46, v35  }
0x114: {  	v32 =	vmul.f32 v32, v31;
	v46 =	vld [tilespmem:s0+$0x4D70];
	v47 =	vmul.f32 v47, v27;
	v34 =	vadd.f32 v34, v43;
	[tilespmem:s0+$0xE140] =	vst v36  }
0x115: {  	v36 =	vld [tilespmem:s0+$0x1D60];
	v40 =	vmul.f32 v40, v29;
	v43 =	vadd.f32 v48, v49;
	v35 =	vadd.f32 v45, v35  }
0x116: {  	v41 =	vmul.f32 v41, v27;
	v45 =	vld [tilespmem:s0+$0x3560];
	v44 =	vmul.f32 v44, v30;
	[tilespmem:s0+$0xE130] =	vst v34  }
0x117: {  	v28 =	vmul.f32 v28, v31;
	v34 =	vld [tilespmem:s0+$0x1D50];
	v43 =	vadd.f32 v47, v43;
	v33 =	vadd.f32 v33, v35  }
0x118: {  	v38 =	vmul.f32 v38, v29;
	v35 =	vld [tilespmem:s0+$0x3550];
	v42 =	vmul.f32 v42, v30;
	v40 =	vadd.f32 v44, v40  }
0x119: {  	v26 =	vmul.f32 v26, v31;
	v44 =	vld [tilespmem:s0+$0x4D50];
	v46 =	vmul.f32 v46, v27;
	v32 =	vadd.f32 v32, v43;
	[tilespmem:s0+$0xE120] =	vst v33  }
0x11a: {  	v33 =	vld [tilespmem:s0+$0x1D40];
	v36 =	vmul.f32 v36, v29;
	v38 =	vadd.f32 v42, v38;
	v40 =	vadd.f32 v41, v40  }
0x11b: {  	v39 =	vmul.f32 v39, v27;
	v41 =	vld [tilespmem:s0+$0x3540];
	v42 =	vmul.f32 v45, v30;
	[tilespmem:s0+$0xE110] =	vst v32  }
0x11c: {  	v25 =	vmul.f32 v25, v31;
	v32 =	vld [tilespmem:s0+$0x1D30];
	v38 =	vadd.f32 v46, v38;
	v28 =	vadd.f32 v28, v40  }
0x11d: {  	v34 =	vmul.f32 v34, v29;
	v40 =	vld [tilespmem:s0+$0x3530];
	v35 =	vmul.f32 v35, v30;
	v36 =	vadd.f32 v42, v36  }
0x11e: {  	v24 =	vmul.f32 v24, v31;
	v42 =	vld [tilespmem:s0+$0x4D30];
	v43 =	vmul.f32 v44, v27;
	v26 =	vadd.f32 v26, v38;
	[tilespmem:s0+$0xE100] =	vst v28  }
0x11f: {  	v28 =	vld [tilespmem:s0+$0x1D20];
	v33 =	vmul.f32 v33, v29;
	v34 =	vadd.f32 v35, v34;
	v35 =	vadd.f32 v39, v36  }
0x120: {  	v37 =	vmul.f32 v37, v27;
	v36 =	vld [tilespmem:s0+$0x3520];
	v38 =	vmul.f32 v41, v30;
	[tilespmem:s0+$0xDD70] =	vst v26  }
0x121: {  	v22 =	vmul.f32 v22, v31;
	v26 =	vld [tilespmem:s0+$0x1D10];
	v34 =	vadd.f32 v43, v34;
	v25 =	vadd.f32 v25, v35  }
0x122: {  	v32 =	vmul.f32 v32, v29;
	v35 =	vld [tilespmem:s0+$0x3510];
	v39 =	vmul.f32 v40, v30;
	v33 =	vadd.f32 v38, v33  }
0x123: {  	v21 =	vmul.f32 v21, v31;
	v38 =	vld [tilespmem:s0+$0x4D10];
	v40 =	vmul.f32 v42, v27;
	v24 =	vadd.f32 v24, v34;
	[tilespmem:s0+$0xDD60] =	vst v25  }
0x124: {  	v25 =	vld [tilespmem:s0+$0x1D00];
	v28 =	vmul.f32 v28, v29;
	v32 =	vadd.f32 v39, v32;
	v33 =	vadd.f32 v37, v33  }
0x125: {  	v23 =	vmul.f32 v23, v27;
	v34 =	vld [tilespmem:s0+$0x3500];
	v36 =	vmul.f32 v36, v30;
	[tilespmem:s0+$0xDD50] =	vst v24  }
0x126: {  	v19 =	vmul.f32 v19, v31;
	v24 =	vld [tilespmem:s0+$0x1970];
	v32 =	vadd.f32 v40, v32;
	v22 =	vadd.f32 v22, v33  }
0x127: {  	v26 =	vmul.f32 v26, v29;
	v33 =	vld [tilespmem:s0+$0x3170];
	v35 =	vmul.f32 v35, v30;
	v28 =	vadd.f32 v36, v28  }
0x128: {  	v18 =	vmul.f32 v18, v31;
	v36 =	vld [tilespmem:s0+$0x4970];
	v37 =	vmul.f32 v38, v27;
	v21 =	vadd.f32 v21, v32;
	[tilespmem:s0+$0xDD40] =	vst v22  }
0x129: {  	v22 =	vld [tilespmem:s0+$0x1960];
	v25 =	vmul.f32 v25, v29;
	v26 =	vadd.f32 v35, v26;
	v23 =	vadd.f32 v23, v28  }
0x12a: {  	v20 =	vmul.f32 v20, v27;
	v28 =	vld [tilespmem:s0+$0x3160];
	v32 =	vmul.f32 v34, v30;
	[tilespmem:s0+$0xDD30] =	vst v21  }
0x12b: {  	v16 =	vmul.f32 v16, v31;
	v21 =	vld [tilespmem:s0+$0x1950];
	v26 =	vadd.f32 v37, v26;
	v19 =	vadd.f32 v19, v23  }
0x12c: {  	v24 =	vmul.f32 v24, v29;
	v23 =	vld [tilespmem:s0+$0x3150];
	v33 =	vmul.f32 v33, v30;
	v25 =	vadd.f32 v32, v25  }
0x12d: {  	v14 =	vmul.f32 v14, v31;
	v32 =	vld [tilespmem:s0+$0x4950];
	v34 =	vmul.f32 v36, v27;
	v18 =	vadd.f32 v18, v26;
	[tilespmem:s0+$0xDD20] =	vst v19  }
0x12e: {  	v19 =	vld [tilespmem:s0+$0x1940];
	v22 =	vmul.f32 v22, v29;
	v24 =	vadd.f32 v33, v24;
	v20 =	vadd.f32 v20, v25  }
0x12f: {  	v17 =	vmul.f32 v17, v27;
	v25 =	vld [tilespmem:s0+$0x3140];
	v26 =	vmul.f32 v28, v30;
	[tilespmem:s0+$0xDD10] =	vst v18  }
0x130: {  	v13 =	vmul.f32 v13, v31;
	v18 =	vld [tilespmem:s0+$0x1930];
	v24 =	vadd.f32 v34, v24;
	v16 =	vadd.f32 v16, v20  }
0x131: {  	v21 =	vmul.f32 v21, v29;
	v20 =	vld [tilespmem:s0+$0x3130];
	v23 =	vmul.f32 v23, v30;
	v22 =	vadd.f32 v26, v22  }
0x132: {  	v11 =	vmul.f32 v11, v31;
	v26 =	vld [tilespmem:s0+$0x4930];
	v28 =	vmul.f32 v32, v27;
	v14 =	vadd.f32 v14, v24;
	[tilespmem:s0+$0xDD00] =	vst v16  }
0x133: {  	v16 =	vld [tilespmem:s0+$0x1920];
	v19 =	vmul.f32 v19, v29;
	v21 =	vadd.f32 v23, v21;
	v17 =	vadd.f32 v17, v22  }
0x134: {  	s8 =	sshrl.u32 s7, $0x3;
	v15 =	vmul.f32 v15, v27;
	v22 =	vld [tilespmem:s0+$0x3120];
	v23 =	vmul.f32 v25, v30;
	[tilespmem:s0+$0xD970] =	vst v14  }
0x135: {  	s13 =	sadd.s32 $0x80, s13;
	s8 =	smul.u32 $0xC00, s8;
	v10 =	vmul.f32 v10, v31;
	v14 =	vld [tilespmem:s0+$0x1910];
	v21 =	vadd.f32 v28, v21;
	v13 =	vadd.f32 v13, v17  }
0x136: {  	s11 =	sand.u32 $0x380, s13;
	v18 =	vmul.f32 v18, v29;
	v17 =	vld [tilespmem:s0+$0x3110];
	v20 =	vmul.f32 v20, v30;
	v19 =	vadd.f32 v23, v19  }
0x137: {  	s8 =	sor.u32 s11, s8;
	v25 =	vmul.f32 v9, v31;
	v23 =	vld [tilespmem:s0+$0x4910];
	v24 =	vmul.f32 v26, v27;
	v9 =	vadd.f32 v11, v21;
	[tilespmem:s0+$0xD960] =	vst v13  }
0x138: {  	v35 =	vld [tilespmem:s8+$0x6100];
	v11 =	vmul.f32 v16, v29;
	v13 =	vadd.f32 v20, v18;
	v15 =	vadd.f32 v15, v19  }
0x139: {  	v12 =	vmul.f32 v12, v27;
	v16 =	vld [tilespmem:s8+$0x6110];
	v18 =	vmul.f32 v22, v30;
	[tilespmem:s0+$0xD950] =	vst v9  }
0x13a: {  	v19 =	vmul.f32 v7, v31;
	v7 =	vld [tilespmem:s8+$0x6120];
	v13 =	vadd.f32 v24, v13;
	v15 =	vadd.f32 v10, v15  }
0x13b: {  	v14 =	vmul.f32 v14, v29;
	v9 =	vld [tilespmem:s8+$0x6130];
	v17 =	vmul.f32 v17, v30;
	v18 =	vadd.f32 v18, v11  }
0x13c: {  	v21 =	vmul.f32 v8, v31;
	v10 =	vld [tilespmem:s8+$0x6140];
	v20 =	vmul.f32 v23, v27;
	v22 =	vadd.f32 v25, v13;
	[tilespmem:s0+$0xD940] =	vst v15  }
0x13d: {  	v11 =	vld [tilespmem:s8+$0x6150];
	v15 =	vadd.f32 v17, v14;
	v12 =	vadd.f32 v12, v18  }
0x13e: {  	v13 =	vld [tilespmem:s8+$0x6160];
	[tilespmem:s0+$0xD930] =	vst v22;
	v8 =	vmov v16  }
0x13f: {  	v14 =	vld [tilespmem:s8+$0x6170];
	v15 =	vadd.f32 v20, v15;
	v12 =	vadd.f32 v19, v12  }
0x140: {  	v16 =	vld [tilespmem:s8+$0x6500]  }
0x141: {  	v18 =	vld [tilespmem:s8+$0x6510];
	v15 =	vadd.f32 v21, v15;
	[tilespmem:s0+$0xD920] =	vst v12  }
0x142: {  	v19 =	vld [tilespmem:s8+$0x6520]  }
0x143: {  	v21 =	vld [tilespmem:s8+$0x6530];
	[tilespmem:s0+$0xD910] =	vst v15;
	s0 =	smov.u32 s8  }
0x144: {  	v22 =	vld [tilespmem:s0+$0x6540]  }
0x145: {  	v24 =	vld [tilespmem:s0+$0x6550]  }
0x146: {  	v25 =	vld [tilespmem:s0+$0x6560]  }
0x147: {  	v26 =	vld [tilespmem:s0+$0x6570]  }
0x148: {  	v28 =	vld [tilespmem:s0+$0x6900]  }
0x149: {  	v32 =	vld [tilespmem:s0+$0x6910]  }
0x14a: {  	v33 =	vld [tilespmem:s0+$0x6920]  }
0x14b: {  	v34 =	vld [tilespmem:s0+$0x6930]  }
0x14c: {  	v36 =	vld [tilespmem:s0+$0x6940]  }
0x14d: {  	v38 =	vld [tilespmem:s0+$0x6950]  }
0x14e: {  	v40 =	vld [tilespmem:s0+$0x6960]  }
0x14f: {  	v42 =	vld [tilespmem:s0+$0x6970]  }
0x150: {  	v43 =	vld [tilespmem:s0+$0x4900]  }
.Ltmp4:
0x151: {  	v12 =	vld [tilespmem:s0+$0x4920];
	(pc) =	sbr.rel @p1 .LBB2_3-.Ltmp4, $4  }
0x152: {  	v15 =	vld [tilespmem:s0+$0x4940]  }
0x153: {  	v17 =	vld [tilespmem:s0+$0x4960]  }
0x154: {  	v27 =	vmov s7;
	v20 =	vld [tilespmem:s0+$0x4D00]  }
0x155: {  	s7 =	sadd.s32 $0x1, s7;
	v23 =	vld [tilespmem:s0+$0x4D20]  }
0x156: {  	_ = 	snop  }
0x157: {  	v37 =	vld [tilespmem:s0+$0x4D40]  }
0x158: {  	v39 =	vld [tilespmem:s0+$0x4D60]  }
0x159: {  	v41 =	vld [tilespmem:s0+$0x5100]  }
0x15a: {  	v29 =	vld.idx.msk [tilespmem:v27+s23+$0x0], $0xffff  }
0x15b: {  	v44 =	vld.idx.msk [tilespmem:v27+s24+$0x0], $0xffff  }
0x15c: {  	v45 =	vld [tilespmem:s0+$0x5120]  }
0x15d: {  	v46 =	vld [tilespmem:s0+$0x5140]  }
0x15e: {  	v47 =	vld [tilespmem:s0+$0x1900]  }
0x15f: {  	v48 =	vld [tilespmem:s0+$0x2170]  }
0x160: {  	v49 =	vld [tilespmem:s0+$0x3970]  }
0x161: {  	v50 =	vld [tilespmem:s0+$0x3100]  }
0x162: {  	v51 =	vld [tilespmem:s0+$0x5170]  }
0x163: {  	v52 =	vld [tilespmem:s0+$0x2160];
	v61 =	vsub.f32 $1.000000000e+00, v29;
	v31 =	vsub.f32 $1.000000000e+00, v44  }
0x164: {  	v56 =	vld [tilespmem:s0+$0x3950]  }
0x165: {  	v54 =	vld [tilespmem:s0+$0x3960];
	v30 =	vmul.f32 v31, v61  }
0x166: {  	v53 =	vld [tilespmem:s0+$0x5160];
	v31 =	vmul.f32 v31, v29;
	v27 =	vmul.f32 v44, v61  }
0x167: {  	v55 =	vld [tilespmem:s0+$0x2150];
	v29 =	vmul.f32 v44, v29;
	v48 =	vmul.f32 v48, v30  }
0x168: {  	v49 =	vmul.f32 v49, v31;
	v57 =	vmul.f32 v52, v30;
	v52 =	vld [tilespmem:s0+$0x2110]  }
0x169: {  	v47 =	vmul.f32 v30, v47;
	v61 =	vmul.f32 v56, v31;
	v56 =	vld [tilespmem:s0+$0x3910]  }
0x16a: {  	v50 =	vmul.f32 v31, v50;
	v58 =	vmul.f32 v54, v31;
	v54 =	vld [tilespmem:s0+$0x1D60]  }
0x16b: {  	v63 =	vmul.f32 v51, v27;
	v62 =	vadd.f32 v49, v48;
	v49 =	vld [tilespmem:s0+$0x5150]  }
0x16c: {  	v43 =	vmul.f32 v43, v27;
	v42 =	vmul.f32 v42, v29;
	v47 =	vadd.f32 v50, v47;
	v50 =	vld [tilespmem:s0+$0x2140]  }
0x16d: {  	v35 =	vmul.f32 v35, v29;
	v59 =	vmul.f32 v53, v27;
	v48 =	vld [tilespmem:s0+$0x3940]  }
0x16e: {  	v60 =	vmul.f32 v55, v30;
	v40 =	vmul.f32 v40, v29;
	v51 =	vadd.f32 v58, v57;
	v57 =	vld [tilespmem:s0+$0x5110]  }
0x16f: {  	v38 =	vmul.f32 v38, v29;
	v58 =	vmul.f32 v46, v27;
	v46 =	vld [tilespmem:s0+$0x3500]  }
0x170: {  	v36 =	vmul.f32 v36, v29;
	v34 =	vmul.f32 v34, v29;
	v43 =	vadd.f32 v43, v47;
	v47 =	vld [tilespmem:s0+$0x2130]  }
0x171: {  	v33 =	vmul.f32 v33, v29;
	v32 =	vmul.f32 v32, v29;
	v44 =	vadd.f32 v63, v62;
	v62 =	vld [tilespmem:s0+$0x2120]  }
0x172: {  	v28 =	vmul.f32 v28, v29;
	v26 =	vmul.f32 v26, v29;
	v63 =	vld [tilespmem:s0+$0x3920]  }
0x173: {  	v25 =	vmul.f32 v25, v29;
	v55 =	vmul.f32 v52, v30;
	v52 =	vld [tilespmem:s0+$0x3530];
	v35 =	vadd.f32 v35, v43  }
0x174: {  	v42 =	vadd.f32 v42, v44;
	v44 =	vld [tilespmem:s0+$0x3930];
	v50 =	vmul.f32 v50, v30;
	v48 =	vmul.f32 v48, v31  }
0x175: {  	v24 =	vmul.f32 v24, v29;
	v43 =	vld [tilespmem:s0+$0x5130];
	v49 =	vmul.f32 v49, v27;
	[tilespmem:s0+$0xD900] =	vst v35;
	v35 =	vadd.f32 v61, v60  }
0x176: {  	v22 =	vmul.f32 v22, v29;
	[tilespmem:s0+$0xE170] =	vst v42;
	v42 =	vadd.f32 v59, v51;
	v59 =	vadd.f32 v48, v50;
	v48 =	vld [tilespmem:s0+$0x3900]  }
0x177: {  	v21 =	vmul.f32 v21, v29;
	v19 =	vmul.f32 v19, v29;
	v50 =	vld [tilespmem:s0+$0x4D70];
	v35 =	vadd.f32 v49, v35  }
0x178: {  	v18 =	vmul.f32 v18, v29;
	v40 =	vadd.f32 v40, v42;
	v42 =	vmul.f32 v56, v31;
	v56 =	vld [tilespmem:s0+$0x3560]  }
0x179: {  	v16 =	vmul.f32 v16, v29;
	v14 =	vmul.f32 v14, v29;
	v35 =	vadd.f32 v38, v35;
	v38 =	vld [tilespmem:s0+$0x2100]  }
0x17a: {  	v47 =	vmul.f32 v47, v30;
	v44 =	vmul.f32 v44, v31;
	[tilespmem:s0+$0xE160] =	vst v40;
	v40 =	vadd.f32 v58, v59;
	v58 =	vld [tilespmem:s0+$0x1D50]  }
0x17b: {  	v17 =	vmul.f32 v17, v27;
	v62 =	vmul.f32 v62, v30;
	v59 =	vld [tilespmem:s0+$0x3550]  }
0x17c: {  	v63 =	vmul.f32 v63, v31;
	v60 =	vmul.f32 v43, v27;
	v61 =	vadd.f32 v44, v47;
	v44 =	vld [tilespmem:s0+$0x1D70]  }
0x17d: {  	v13 =	vmul.f32 v13, v29;
	v11 =	vmul.f32 v11, v29;
	v36 =	vadd.f32 v36, v40;
	v40 =	vld [tilespmem:s0+$0x3570]  }
0x17e: {  	v51 =	vmul.f32 v45, v27;
	v53 =	vadd.f32 v63, v62;
	[tilespmem:s0+$0xE150] =	vst v35;
	v35 =	vadd.f32 v60, v61;
	v61 =	vld [tilespmem:s0+$0x4D50]  }
0x17f: {  	v15 =	vmul.f32 v15, v27;
	v60 =	vmul.f32 v48, v31;
	v48 =	vld [tilespmem:s0+$0x3540]  }
0x180: {  	v10 =	vmul.f32 v10, v29;
	v8 =	vmul.f32 v8, v29;
	[tilespmem:s0+$0xE140] =	vst v36;
	v36 =	vadd.f32 v51, v53;
	v51 =	vld [tilespmem:s0+$0x1D30]  }
0x181: {  	v57 =	vmul.f32 v57, v27;
	v53 =	vmul.f32 v56, v31;
	v56 =	vld [tilespmem:s0+$0x1D20]  }
0x182: {  	v42 =	vadd.f32 v42, v55;
	v34 =	vadd.f32 v34, v35;
	v35 =	vmul.f32 v54, v30;
	v54 =	vld [tilespmem:s0+$0x4D30]  }
0x183: {  	v38 =	vmul.f32 v38, v30;
	v63 =	vmul.f32 v44, v30;
	v44 =	vld [tilespmem:s0+$0x1D00]  }
0x184: {  	[tilespmem:s0+$0xE130] =	vst v34;
	v34 =	vadd.f32 v57, v42;
	v40 =	vmul.f32 v40, v31;
	v57 =	vmul.f32 v58, v30;
	v58 =	vld [tilespmem:s0+$0x3520]  }
0x185: {  	v62 =	vmul.f32 v41, v27;
	v33 =	vadd.f32 v33, v36;
	v38 =	vadd.f32 v60, v38;
	v42 =	vld [tilespmem:s0+$0x4D10]  }
0x186: {  	v49 =	vmul.f32 v50, v27;
	v32 =	vadd.f32 v32, v34;
	v34 =	vld [tilespmem:s0+$0x1D40];
	v50 =	vadd.f32 v40, v63  }
0x187: {  	v36 =	vmul.f32 v59, v31;
	[tilespmem:s0+$0xE120] =	vst v33;
	v59 =	vmul.f32 v61, v27;
	v61 =	vld [tilespmem:s0+$0x1D10];
	v33 =	vadd.f32 v62, v38  }
0x188: {  	v43 =	vmul.f32 v37, v27;
	v55 =	vmul.f32 v39, v27;
	v62 =	vld [tilespmem:s0+$0x3510];
	[tilespmem:s0+$0xE110] =	vst v32;
	v32 =	vadd.f32 v49, v50  }
0x189: {  	v35 =	vadd.f32 v53, v35;
	v63 =	vmul.f32 v48, v31;
	v48 =	vld [tilespmem:s0+$0x1970];
	v28 =	vadd.f32 v28, v33  }
0x18a: {  	v60 =	vadd.f32 v36, v57;
	v45 =	vmul.f32 v51, v30;
	v51 =	vld [tilespmem:s0+$0x4970];
	v26 =	vadd.f32 v26, v32  }
0x18b: {  	v38 =	vld [tilespmem:s0+$0x1940];
	v47 =	vmul.f32 v54, v27;
	[tilespmem:s0+$0xE100] =	vst v28;
	v28 =	vadd.f32 v55, v35;
	v34 =	vmul.f32 v34, v30  }
0x18c: {  	v54 =	vld [tilespmem:s0+$0x1960];
	v33 =	vmul.f32 v52, v31;
	v52 =	vmul.f32 v23, v27;
	[tilespmem:s0+$0xDD70] =	vst v26;
	v26 =	vadd.f32 v59, v60  }
0x18d: {  	v49 =	vld [tilespmem:s0+$0x3170];
	v50 =	vmul.f32 v58, v31;
	v25 =	vadd.f32 v25, v28;
	v34 =	vadd.f32 v63, v34  }
0x18e: {  	v33 =	vadd.f32 v33, v45;
	v32 =	vmul.f32 v56, v30;
	v56 =	vld [tilespmem:s0+$0x3160];
	v24 =	vadd.f32 v24, v26  }
0x18f: {  	v57 =	vmul.f32 v42, v27;
	v55 =	vmul.f32 v61, v30;
	v59 =	vld [tilespmem:s0+$0x1950];
	[tilespmem:s0+$0xDD60] =	vst v25;
	v25 =	vadd.f32 v43, v34  }
0x190: {  	v61 =	vmul.f32 v46, v31;
	v28 =	vmul.f32 v62, v31;
	v60 =	vld [tilespmem:s0+$0x3150];
	[tilespmem:s0+$0xDD50] =	vst v24;
	v24 =	vadd.f32 v47, v33  }
0x191: {  	v39 =	vmul.f32 v48, v30;
	v53 =	vadd.f32 v50, v32;
	v62 =	vld [tilespmem:s0+$0x4950];
	v22 =	vadd.f32 v22, v25  }
0x192: {  	v46 =	vmul.f32 v54, v30;
	v54 =	vld [tilespmem:s0+$0x3110];
	v58 =	vadd.f32 v28, v55;
	v21 =	vadd.f32 v21, v24  }
0x193: {  	v41 =	vmul.f32 v51, v27;
	v26 =	vmul.f32 v44, v30;
	[tilespmem:s0+$0xDD40] =	vst v22;
	v22 =	vadd.f32 v52, v53;
	v52 =	vld [tilespmem:s0+$0x1910]  }
0x194: {  	v40 =	vld [tilespmem:s0+$0x3140];
	v63 =	vmul.f32 v20, v27;
	v25 =	vmul.f32 v49, v31;
	[tilespmem:s0+$0xDD30] =	vst v21;
	v21 =	vadd.f32 v57, v58  }
0x195: {  	v37 =	vadd.f32 v61, v26;
	v47 =	vmul.f32 v56, v31;
	v56 =	vld [tilespmem:s0+$0x4910];
	v19 =	vadd.f32 v19, v22  }
0x196: {  	v48 =	vld [tilespmem:s0+$0x1920];
	v49 =	vmul.f32 v59, v30;
	v42 =	vadd.f32 v25, v39;
	v18 =	vadd.f32 v18, v21  }
0x197: {  	v50 =	vld [tilespmem:s0+$0x3120];
	v51 =	vmul.f32 v62, v27;
	v22 =	vmul.f32 v60, v31;
	[tilespmem:s0+$0xDD20] =	vst v19;
	v19 =	vadd.f32 v63, v37  }
0x198: {  	v43 =	vld [tilespmem:s0+$0x1930];
	v60 =	vmul.f32 v54, v31;
	[tilespmem:s0+$0xDD10] =	vst v18;
	v18 =	vadd.f32 v41, v42;
	v59 =	vmul.f32 v52, v30  }
0x199: {  	v44 =	vld [tilespmem:s0+$0x3130];
	v53 =	vmul.f32 v40, v31;
	v22 =	vadd.f32 v22, v49;
	v16 =	vadd.f32 v16, v19  }
0x19a: {  	v61 =	vmul.f32 v56, v27;
	v14 =	vadd.f32 v14, v18;
	v62 =	vadd.f32 v60, v59  }
0x19b: {  	v45 =	vld [tilespmem:s0+$0x4930];
	v57 =	vmul.f32 v48, v30;
	v21 =	vmul.f32 v38, v30;
	[tilespmem:s0+$0xDD00] =	vst v16;
	v16 =	vadd.f32 v47, v46  }
0x19c: {  	v58 =	vmul.f32 v50, v31;
	[tilespmem:s0+$0xD970] =	vst v14;
	v14 =	vadd.f32 v51, v22;
	v63 =	vadd.f32 v61, v62  }
0x19d: {  	v55 =	vmul.f32 v43, v30;
	v16 =	vadd.f32 v17, v16;
	v17 =	vadd.f32 v53, v21  }
0x19e: {  	v19 =	vmul.f32 v44, v31;
	v11 =	vadd.f32 v11, v14;
	v14 =	vadd.f32 v58, v57  }
0x19f: {  	v12 =	vmul.f32 v12, v27;
	v8 =	vadd.f32 v8, v63;
	v13 =	vadd.f32 v13, v16  }
0x1a0: {  	v20 =	vmul.f32 v45, v27;
	v16 =	vadd.f32 v19, v55;
	v15 =	vadd.f32 v15, v17  }
0x1a1: {  	p1 =	seq.s32 s31, $0x61;
	v7 =	vmul.f32 v7, v29;
	v12 =	vadd.f32 v12, v14;
	[tilespmem:s0+$0xD950] =	vst v11  }
.Ltmp5:
0x1a2: {  	v9 =	vmul.f32 v9, v29;
	[tilespmem:s0+$0xD910] =	vst v8;
	v16 =	vadd.f32 v20, v16;
	v10 =	vadd.f32 v10, v15;
	(pc) =	sbr.rel @p1 .LBB2_6-.Ltmp5, $4  }
0x1a3: {  	[tilespmem:s0+$0xD960] =	vst v13;
	v7 =	vadd.f32 v7, v12  }
0x1a4: {  	v9 =	vadd.f32 v9, v16;
	[tilespmem:s0+$0xD940] =	vst v10  }
0x1a5: {  	[tilespmem:s0+$0xD920] =	vst v7  }
0x1a6: {  	[tilespmem:s0+$0xD930] =	vst v9  }
0x1a7: {  	s0 =	sadd.s32 $0x2, s2  }
0x1a8: {  	s7 =	smulhi.u32 $0x92492493, s0;
	_ =	sdelay $0x1  }
0x1a9: {  	s7 =	sshrl.u32 s7, $0x3  }
0x1aa: {  	s8 =	smul.u32 $0xE, s7  }
0x1ab: {  	s11 =	sshll.u32 s0, $0x4  }
0x1ac: {  	v7 =	vld [tilespmem:s11+$0xC80];
	s0 =	ssub.s32 s0, s8  }
0x1ad: {  	v8 =	vld [tilespmem:s11+$0x0];
	s0 =	sshll.u32 s0, $0x4  }
0x1ae: {  	s7 =	sadd.s32 s6, s7;
	s0 =	scvt.s32.f32 s0  }
0x1af: {  	s7 =	scvt.s32.f32 s7  }
0x1b0: {  	v9 =	vadd.f32 s0, v2  }
0x1b1: {  	v7 =	vadd.f32 s7, v7  }
0x1b2: {  	v8 =	vadd.f32 v8, v9  }
0x1b3: {  	v7 =	vmax.f32 v7, $0.0e+00  }
0x1b4: {  	v7 =	vmin.f32 v7, $2.230000000e+02;
	v8 =	vmax.f32 v8, $0.0e+00  }
0x1b5: {  	v61 =	vtrunc.f32 v7;
	v8 =	vmin.f32 v8, $2.230000000e+02  }
0x1b6: {  	v9 =	vcvt.f32.s32 v61;
	v10 =	vtrunc.f32 v8  }
0x1b7: {  	v10 =	vcvt.f32.s32 v10  }
0x1b8: {  	vm2 =	vlt.s32 v9, $0xDE  }
0x1b9: {  	v9 =	vnsel vm2, $0xDE, v9;
	vm2 =	vlt.s32 v10, $0xDE  }
0x1ba: {  	v11 =	vmul.u32 $0xE0, v9;
	v10 =	vnsel vm2, $0xDE, v10  }
0x1bb: {  	v12 =	vadd.s32 v1, v10  }
0x1bc: {  	v11 =	vadd.s32 v11, v12  }
0x1bd: {  	v12 =	vshrl.u32 v11, $0x3  }
0x1be: {  	v9 =	vcvt.s32.f32 v9;
	v12 =	vmul.u32 $0x18, v12  }
0x1bf: {  	v13 =	vcvt.s32.f32 v10;
	v10 =	vand.u32 $0x7, v10  }
0x1c0: {  	v7 =	vsub.f32 v7, v9;
	v10 =	vor.u32 v10, v12  }
0x1c1: {  	v62 =	vperm.xlane v10, v3  }
0x1c2: {  	[tilespmem:$0x10A00] =	vst v7;
	v8 =	vsub.f32 v8, v13  }
0x1c3: {  	[tilespmem:$0x10B00] =	vst v11;
	v7 =	vadd.s32 v4, v62  }
0x1c4: {  	[tilespmem:$0x10900] =	vst v8;
	v8 =	vadd.s32 $0x1, v11  }
0x1c5: {  	[tilespmem:$0x10B10] =	vst v8;
	v8 =	vadd.s32 $0xE0, v11;
	v63 =	vperm.xlane v10, v6  }
0x1c6: {  	[tilespmem:$0x10B20] =	vst v8;
	v8 =	vadd.s32 $0xE1, v11  }
0x1c7: {  	s13 =	simm.s32 $0x1900;
	[tilespmem:$0x10B30] =	vst v8;
	v8 =	vadd.s32 v4, v63  }
0x1c8: {  	[tilespmem:s13], [sflag:$0x1] =	stream.indirect_vreg.gather [hbm4b:s3+s5], $0x80, v7, vm0, $0xb8;
	[tilespmem:$0x10C00] =	vst v63  }
0x1c9: {  	s7 =	simm.s32 $0x2100  }
0x1ca: {  	[tilespmem:s7], [sflag:$0x1] =	stream.indirect_vreg.gather [hbm4b:s9+s5], $0x80, v7, vm1, $0xb8;
	[tilespmem:$0x10C00] =	vst v63  }
0x1cb: {  	s8 =	simm.s32 $0x2500  }
0x1cc: {  	[tilespmem:s8], [sflag:$0x1] =	stream.indirect_vreg.gather [hbm4b:s3+s5], $0x80, v8, vm0, $0xb8;
	[tilespmem:$0x10C00] =	vst v63  }
0x1cd: {  	s11 =	simm.s32 $0x2D00  }
0x1ce: {  	[tilespmem:s11], [sflag:$0x1] =	stream.indirect_vreg.gather [hbm4b:s9+s5], $0x80, v8, vm1, $0xb8;
	[tilespmem:$0x10C00] =	vst v63  }
0x1cf: {  	v7 =	vld [tilespmem:$0x10B10];
	_ =	sdelay $0x4  }
0x1d0: {  	v8 =	vshrl.u32 v7, $0x3  }
0x1d1: {  	v8 =	vmul.u32 $0x18, v8  }
0x1d2: {  	v7 =	vand.u32 $0x7, v7  }
0x1d3: {  	v7 =	vor.u32 v7, v8  }
0x1d4: {  	v8 =	vperm.xlane v7, v3;
	_ =	sdelay $0x1  }
0x1d5: {  	v8 =	vadd.s32 v4, v8;
	_ =	sdelay $0x1  }
0x1d6: {  	v7 =	vperm.xlane v7, v6;
	_ =	sdelay $0x1  }
0x1d7: {  	s12 =	simm.s32 $0x3100;
	v7 =	vadd.s32 v4, v7  }
0x1d8: {  	[tilespmem:s12], [sflag:$0x1] =	stream.indirect_vreg.gather [hbm4b:s3+s5], $0x80, v8, vm0, $0xb8;
	[tilespmem:$0x10C00] =	vst v63  }
0x1d9: {  	s13 =	simm.s32 $0x3900  }
0x1da: {  	[tilespmem:s13], [sflag:$0x1] =	stream.indirect_vreg.gather [hbm4b:s9+s5], $0x80, v8, vm1, $0xb8;
	[tilespmem:$0x10C00] =	vst v63  }
0x1db: {  	s7 =	simm.s32 $0x3D00  }
0x1dc: {  	[tilespmem:s7], [sflag:$0x1] =	stream.indirect_vreg.gather [hbm4b:s3+s5], $0x80, v7, vm0, $0xb8;
	[tilespmem:$0x10C00] =	vst v63  }
0x1dd: {  	s8 =	simm.s32 $0x4500  }
0x1de: {  	[tilespmem:s8], [sflag:$0x1] =	stream.indirect_vreg.gather [hbm4b:s9+s5], $0x80, v7, vm1, $0xb8;
	[tilespmem:$0x10C00] =	vst v63  }
0x1df: {  	v7 =	vld [tilespmem:$0x10B20];
	_ =	sdelay $0x4  }
0x1e0: {  	v8 =	vshrl.u32 v7, $0x3  }
0x1e1: {  	v8 =	vmul.u32 $0x18, v8  }
0x1e2: {  	v7 =	vand.u32 $0x7, v7  }
0x1e3: {  	v7 =	vor.u32 v7, v8  }
0x1e4: {  	v8 =	vperm.xlane v7, v3;
	_ =	sdelay $0x1  }
0x1e5: {  	v8 =	vadd.s32 v4, v8;
	_ =	sdelay $0x1  }
0x1e6: {  	v7 =	vperm.xlane v7, v6;
	_ =	sdelay $0x1  }
0x1e7: {  	s11 =	simm.s32 $0x4900;
	v7 =	vadd.s32 v4, v7  }
0x1e8: {  	[tilespmem:s11], [sflag:$0x1] =	stream.indirect_vreg.gather [hbm4b:s3+s5], $0x80, v8, vm0, $0xb8;
	[tilespmem:$0x10C00] =	vst v63  }
0x1e9: {  	s12 =	simm.s32 $0x5100  }
0x1ea: {  	[tilespmem:s12], [sflag:$0x1] =	stream.indirect_vreg.gather [hbm4b:s9+s5], $0x80, v8, vm1, $0xb8;
	[tilespmem:$0x10C00] =	vst v63  }
0x1eb: {  	s13 =	simm.s32 $0x5500  }
0x1ec: {  	[tilespmem:s13], [sflag:$0x1] =	stream.indirect_vreg.gather [hbm4b:s3+s5], $0x80, v7, vm0, $0xb8;
	[tilespmem:$0x10C00] =	vst v63  }
0x1ed: {  	s7 =	simm.s32 $0x5D00  }
0x1ee: {  	[tilespmem:s7], [sflag:$0x1] =	stream.indirect_vreg.gather [hbm4b:s9+s5], $0x80, v7, vm1, $0xb8;
	[tilespmem:$0x10C00] =	vst v63  }
0x1ef: {  	v7 =	vld [tilespmem:$0x10B30];
	_ =	sdelay $0x4  }
0x1f0: {  	v8 =	vshrl.u32 v7, $0x3  }
0x1f1: {  	v8 =	vmul.u32 $0x18, v8  }
0x1f2: {  	v7 =	vand.u32 $0x7, v7  }
0x1f3: {  	v7 =	vor.u32 v7, v8  }
0x1f4: {  	v8 =	vperm.xlane v7, v3;
	_ =	sdelay $0x1  }
0x1f5: {  	v8 =	vadd.s32 v4, v8;
	_ =	sdelay $0x1  }
0x1f6: {  	v7 =	vperm.xlane v7, v6;
	_ =	sdelay $0x1  }
0x1f7: {  	s8 =	simm.s32 $0x6100;
	v7 =	vadd.s32 v4, v7  }
0x1f8: {  	[tilespmem:s8], [sflag:$0x1] =	stream.indirect_vreg.gather [hbm4b:s3+s5], $0x80, v8, vm0, $0xb8;
	[tilespmem:$0x10C00] =	vst v63  }
0x1f9: {  	s11 =	simm.s32 $0x6900  }
0x1fa: {  	[tilespmem:s11], [sflag:$0x1] =	stream.indirect_vreg.gather [hbm4b:s9+s5], $0x80, v8, vm1, $0xb8;
	[tilespmem:$0x10C00] =	vst v63  }
0x1fb: {  	s12 =	simm.s32 $0x6D00  }
0x1fc: {  	[tilespmem:s12], [sflag:$0x1] =	stream.indirect_vreg.gather [hbm4b:s3+s5], $0x80, v7, vm0, $0xb8;
	[tilespmem:$0x10C00] =	vst v63  }
0x1fd: {  	s13 =	simm.s32 $0x7500  }
0x1fe: {  	[tilespmem:s13], [sflag:$0x1] =	stream.indirect_vreg.gather [hbm4b:s9+s5], $0x80, v7, vm1, $0xb8;
	[tilespmem:$0x10C00] =	vst v63  }
.LBB2_6:
0x1ff: {  	s0 =	sshll.u32 s31, $0x5  }
0x200: {  	s7 =	sadd.s32 s1, s0  }
0x201: {  	s7 =	sshrl.u32 s7, $0x3  }
0x202: {  	s7 =	smul.u32 $0x180, s7;
	_ =	sdelay $0x1  }
0x203: {  	s7 =	sadd.s32 s4, s7  }
0x204: {  	[hbm4b:s7+s5] =	stream.linear.scatter [tilespmem:s25], [sflag:$0x3], $0x1800, $0x38;
	[tilespmem:$0x10C00] =	vst v63  }
0x205: {  	_ =	swait.ge [sflag:s26], $0x6000  }
0x206: {  	[sflag:s26] =	ssyncset.done $0x0  }
0x207: {  	s8 =	simm.s32 @!p0 $0x4;
	s11 =	simm.s32 $0x0;
	[sflag:s26] =	ssyncadd.s32 $0xFFFFA000  }
0x208: {  	s11 =	smul.u32 $0xC00, s11;
	s7 =	simm.s32 $0x0;
	_ =	swait.ge @!p0 [sflag:s8], $0x1800  }
0x209: {  	s13 =	sand.u32 $0x380, s7;
	[sflag:s8] =	ssyncset.done @!p0 $0x0  }
0x20a: {  	s13 =	sor.u32 s13, s11;
	[sflag:s8] =	ssyncadd.s32 @!p0 $0xFFFFE800  }
0x20b: {  	v35 =	vld [tilespmem:s13+$0xC100]  }
0x20c: {  	v8 =	vld [tilespmem:s13+$0xC110]  }
0x20d: {  	v7 =	vld [tilespmem:s13+$0xC120]  }
0x20e: {  	v9 =	vld [tilespmem:s13+$0xC130]  }
0x20f: {  	v10 =	vld [tilespmem:s13+$0xC140]  }
0x210: {  	v11 =	vld [tilespmem:s13+$0xC150]  }
0x211: {  	v13 =	vld [tilespmem:s13+$0xC160]  }
0x212: {  	v14 =	vld [tilespmem:s13+$0xC170]  }
0x213: {  	v16 =	vld [tilespmem:s13+$0xC500]  }
0x214: {  	v18 =	vld [tilespmem:s13+$0xC510]  }
0x215: {  	v19 =	vld [tilespmem:s13+$0xC520]  }
0x216: {  	v21 =	vld [tilespmem:s13+$0xC530]  }
0x217: {  	v22 =	vld [tilespmem:s13+$0xC540]  }
0x218: {  	v24 =	vld [tilespmem:s13+$0xC550]  }
0x219: {  	v25 =	vld [tilespmem:s13+$0xC560]  }
0x21a: {  	v26 =	vld [tilespmem:s13+$0xC570]  }
0x21b: {  	v30 =	vld [tilespmem:s13+$0xC900]  }
0x21c: {  	v32 =	vld [tilespmem:s13+$0xC910]  }
0x21d: {  	v33 =	vld [tilespmem:s13+$0xC920]  }
0x21e: {  	v34 =	vld [tilespmem:s13+$0xC930]  }
0x21f: {  	v36 =	vld [tilespmem:s13+$0xC940]  }
0x220: {  	v38 =	vld [tilespmem:s13+$0xC950]  }
0x221: {  	v40 =	vld [tilespmem:s13+$0xC960]  }
0x222: {  	v42 =	vld [tilespmem:s13+$0xC970]  }
0x223: {  	v43 =	vld [tilespmem:s13+$0xA900]  }
0x224: {  	v12 =	vld [tilespmem:s13+$0xA920]  }
0x225: {  	v15 =	vld [tilespmem:s13+$0xA940]  }
0x226: {  	v17 =	vld [tilespmem:s13+$0xA960]  }
0x227: {  	v27 =	vmov s7;
	v20 =	vld [tilespmem:s13+$0xAD00]  }
0x228: {  	s8 =	simm.s32 $0x1;
	v23 =	vld [tilespmem:s13+$0xAD20]  }
.LBB2_7:
0x229: {  	p0 =	sne.s32 s8, $0xF;
	v37 =	vld [tilespmem:s13+$0xAD40]  }
0x22a: {  	v39 =	vld [tilespmem:s13+$0xAD60]  }
0x22b: {  	v41 =	vld [tilespmem:s13+$0xB100]  }
0x22c: {  	v31 =	vld.idx.msk [tilespmem:v27+s28+$0x0], $0xffff  }
0x22d: {  	v44 =	vld.idx.msk [tilespmem:v27+s29+$0x0], $0xffff  }
0x22e: {  	v45 =	vld [tilespmem:s13+$0xB120]  }
0x22f: {  	v46 =	vld [tilespmem:s13+$0xB140]  }
0x230: {  	v47 =	vld [tilespmem:s13+$0x7900]  }
0x231: {  	v48 =	vld [tilespmem:s13+$0x8170]  }
0x232: {  	v49 =	vld [tilespmem:s13+$0x9970]  }
0x233: {  	v27 =	vsub.f32 $1.000000000e+00, v31;
	v29 =	vsub.f32 $1.000000000e+00, v44;
	v50 =	vld [tilespmem:s13+$0x9100]  }
0x234: {  	v51 =	vld [tilespmem:s13+$0xB170]  }
0x235: {  	v28 =	vmul.f32 v29, v27;
	v29 =	vmul.f32 v29, v31;
	v52 =	vld [tilespmem:s13+$0x8160]  }
0x236: {  	v27 =	vmul.f32 v44, v27;
	v53 =	vld [tilespmem:s13+$0xB160]  }
0x237: {  	v48 =	vmul.f32 v48, v28;
	v54 =	vld [tilespmem:s13+$0x9960];
	v49 =	vmul.f32 v49, v29  }
0x238: {  	v47 =	vmul.f32 v28, v47;
	v50 =	vmul.f32 v29, v50;
	v55 =	vld [tilespmem:s13+$0x8150]  }
0x239: {  	v31 =	vmul.f32 v44, v31;
	v44 =	vld [tilespmem:s13+$0x9950];
	v48 =	vadd.f32 v49, v48;
	v49 =	vmul.f32 v51, v27  }
0x23a: {  	v43 =	vmul.f32 v43, v27;
	v47 =	vadd.f32 v50, v47;
	v50 =	vld [tilespmem:s13+$0xB150];
	v51 =	vmul.f32 v52, v28  }
0x23b: {  	v35 =	vmul.f32 v35, v31;
	v42 =	vmul.f32 v42, v31;
	v52 =	vld [tilespmem:s13+$0x8140];
	v48 =	vadd.f32 v49, v48  }
0x23c: {  	v53 =	vmul.f32 v53, v27;
	v43 =	vadd.f32 v43, v47;
	v47 =	vld [tilespmem:s13+$0x9940];
	v49 =	vmul.f32 v54, v29  }
0x23d: {  	v40 =	vmul.f32 v40, v31;
	v54 =	vld [tilespmem:s13+$0x8130];
	v55 =	vmul.f32 v55, v28;
	v42 =	vadd.f32 v42, v48  }
0x23e: {  	v35 =	vadd.f32 v35, v43;
	v43 =	vld [tilespmem:s13+$0x9930];
	v44 =	vmul.f32 v44, v29;
	v48 =	vadd.f32 v49, v51  }
0x23f: {  	v38 =	vmul.f32 v38, v31;
	v49 =	vld [tilespmem:s13+$0xB130];
	v50 =	vmul.f32 v50, v27;
	[tilespmem:s13+$0xF970] =	vst v42  }
0x240: {  	[tilespmem:s13+$0xF100] =	vst v35;
	v35 =	vld [tilespmem:s13+$0x8120];
	v42 =	vmul.f32 v52, v28;
	v44 =	vadd.f32 v44, v55;
	v48 =	vadd.f32 v53, v48  }
0x241: {  	v46 =	vmul.f32 v46, v27;
	v51 =	vld [tilespmem:s13+$0x9920];
	v47 =	vmul.f32 v47, v29  }
0x242: {  	v36 =	vmul.f32 v36, v31;
	v52 =	vld [tilespmem:s13+$0x8110];
	v44 =	vadd.f32 v50, v44;
	v40 =	vadd.f32 v40, v48  }
0x243: {  	v50 =	vmul.f32 v54, v28;
	v48 =	vld [tilespmem:s13+$0x9910];
	v43 =	vmul.f32 v43, v29;
	v42 =	vadd.f32 v47, v42  }
0x244: {  	v34 =	vmul.f32 v34, v31;
	v47 =	vld [tilespmem:s13+$0xB110];
	v49 =	vmul.f32 v49, v27;
	v38 =	vadd.f32 v38, v44;
	[tilespmem:s13+$0xF960] =	vst v40  }
0x245: {  	v40 =	vld [tilespmem:s13+$0x8100];
	v35 =	vmul.f32 v35, v28;
	v43 =	vadd.f32 v43, v50;
	v42 =	vadd.f32 v46, v42  }
0x246: {  	v45 =	vmul.f32 v45, v27;
	v44 =	vld [tilespmem:s13+$0x9900];
	v46 =	vmul.f32 v51, v29;
	[tilespmem:s13+$0xF950] =	vst v38  }
0x247: {  	v33 =	vmul.f32 v33, v31;
	v38 =	vld [tilespmem:s13+$0x7D70];
	v43 =	vadd.f32 v49, v43;
	v36 =	vadd.f32 v36, v42  }
0x248: {  	v49 =	vmul.f32 v52, v28;
	v42 =	vld [tilespmem:s13+$0x9570];
	v48 =	vmul.f32 v48, v29;
	v35 =	vadd.f32 v46, v35  }
0x249: {  	v32 =	vmul.f32 v32, v31;
	v46 =	vld [tilespmem:s13+$0xAD70];
	v47 =	vmul.f32 v47, v27;
	v34 =	vadd.f32 v34, v43;
	[tilespmem:s13+$0xF940] =	vst v36  }
0x24a: {  	v36 =	vld [tilespmem:s13+$0x7D60];
	v40 =	vmul.f32 v40, v28;
	v43 =	vadd.f32 v48, v49;
	v35 =	vadd.f32 v45, v35  }
0x24b: {  	v41 =	vmul.f32 v41, v27;
	v45 =	vld [tilespmem:s13+$0x9560];
	v44 =	vmul.f32 v44, v29;
	[tilespmem:s13+$0xF930] =	vst v34  }
0x24c: {  	v30 =	vmul.f32 v30, v31;
	v34 =	vld [tilespmem:s13+$0x7D50];
	v43 =	vadd.f32 v47, v43;
	v33 =	vadd.f32 v33, v35  }
0x24d: {  	v38 =	vmul.f32 v38, v28;
	v35 =	vld [tilespmem:s13+$0x9550];
	v42 =	vmul.f32 v42, v29;
	v40 =	vadd.f32 v44, v40  }
0x24e: {  	v26 =	vmul.f32 v26, v31;
	v44 =	vld [tilespmem:s13+$0xAD50];
	v46 =	vmul.f32 v46, v27;
	v32 =	vadd.f32 v32, v43;
	[tilespmem:s13+$0xF920] =	vst v33  }
0x24f: {  	v33 =	vld [tilespmem:s13+$0x7D40];
	v36 =	vmul.f32 v36, v28;
	v38 =	vadd.f32 v42, v38;
	v40 =	vadd.f32 v41, v40  }
0x250: {  	v39 =	vmul.f32 v39, v27;
	v41 =	vld [tilespmem:s13+$0x9540];
	v42 =	vmul.f32 v45, v29;
	[tilespmem:s13+$0xF910] =	vst v32  }
0x251: {  	v25 =	vmul.f32 v25, v31;
	v32 =	vld [tilespmem:s13+$0x7D30];
	v38 =	vadd.f32 v46, v38;
	v30 =	vadd.f32 v30, v40  }
0x252: {  	v34 =	vmul.f32 v34, v28;
	v40 =	vld [tilespmem:s13+$0x9530];
	v35 =	vmul.f32 v35, v29;
	v36 =	vadd.f32 v42, v36  }
0x253: {  	v24 =	vmul.f32 v24, v31;
	v42 =	vld [tilespmem:s13+$0xAD30];
	v43 =	vmul.f32 v44, v27;
	v26 =	vadd.f32 v26, v38;
	[tilespmem:s13+$0xF900] =	vst v30  }
0x254: {  	v30 =	vld [tilespmem:s13+$0x7D20];
	v33 =	vmul.f32 v33, v28;
	v34 =	vadd.f32 v35, v34;
	v35 =	vadd.f32 v39, v36  }
0x255: {  	v37 =	vmul.f32 v37, v27;
	v36 =	vld [tilespmem:s13+$0x9520];
	v38 =	vmul.f32 v41, v29;
	[tilespmem:s13+$0xF570] =	vst v26  }
0x256: {  	v22 =	vmul.f32 v22, v31;
	v26 =	vld [tilespmem:s13+$0x7D10];
	v34 =	vadd.f32 v43, v34;
	v25 =	vadd.f32 v25, v35  }
0x257: {  	v32 =	vmul.f32 v32, v28;
	v35 =	vld [tilespmem:s13+$0x9510];
	v39 =	vmul.f32 v40, v29;
	v33 =	vadd.f32 v38, v33  }
0x258: {  	v21 =	vmul.f32 v21, v31;
	v38 =	vld [tilespmem:s13+$0xAD10];
	v40 =	vmul.f32 v42, v27;
	v24 =	vadd.f32 v24, v34;
	[tilespmem:s13+$0xF560] =	vst v25  }
0x259: {  	v25 =	vld [tilespmem:s13+$0x7D00];
	v30 =	vmul.f32 v30, v28;
	v32 =	vadd.f32 v39, v32;
	v33 =	vadd.f32 v37, v33  }
0x25a: {  	v23 =	vmul.f32 v23, v27;
	v34 =	vld [tilespmem:s13+$0x9500];
	v36 =	vmul.f32 v36, v29;
	[tilespmem:s13+$0xF550] =	vst v24  }
0x25b: {  	v19 =	vmul.f32 v19, v31;
	v24 =	vld [tilespmem:s13+$0x7970];
	v32 =	vadd.f32 v40, v32;
	v22 =	vadd.f32 v22, v33  }
0x25c: {  	v26 =	vmul.f32 v26, v28;
	v33 =	vld [tilespmem:s13+$0x9170];
	v35 =	vmul.f32 v35, v29;
	v30 =	vadd.f32 v36, v30  }
0x25d: {  	v18 =	vmul.f32 v18, v31;
	v36 =	vld [tilespmem:s13+$0xA970];
	v37 =	vmul.f32 v38, v27;
	v21 =	vadd.f32 v21, v32;
	[tilespmem:s13+$0xF540] =	vst v22  }
0x25e: {  	v22 =	vld [tilespmem:s13+$0x7960];
	v25 =	vmul.f32 v25, v28;
	v26 =	vadd.f32 v35, v26;
	v23 =	vadd.f32 v23, v30  }
0x25f: {  	v20 =	vmul.f32 v20, v27;
	v30 =	vld [tilespmem:s13+$0x9160];
	v32 =	vmul.f32 v34, v29;
	[tilespmem:s13+$0xF530] =	vst v21  }
0x260: {  	v16 =	vmul.f32 v16, v31;
	v21 =	vld [tilespmem:s13+$0x7950];
	v26 =	vadd.f32 v37, v26;
	v19 =	vadd.f32 v19, v23  }
0x261: {  	v24 =	vmul.f32 v24, v28;
	v23 =	vld [tilespmem:s13+$0x9150];
	v33 =	vmul.f32 v33, v29;
	v25 =	vadd.f32 v32, v25  }
0x262: {  	v14 =	vmul.f32 v14, v31;
	v32 =	vld [tilespmem:s13+$0xA950];
	v34 =	vmul.f32 v36, v27;
	v18 =	vadd.f32 v18, v26;
	[tilespmem:s13+$0xF520] =	vst v19  }
0x263: {  	v19 =	vld [tilespmem:s13+$0x7940];
	v22 =	vmul.f32 v22, v28;
	v24 =	vadd.f32 v33, v24;
	v20 =	vadd.f32 v20, v25  }
0x264: {  	v17 =	vmul.f32 v17, v27;
	v25 =	vld [tilespmem:s13+$0x9140];
	v26 =	vmul.f32 v30, v29;
	[tilespmem:s13+$0xF510] =	vst v18  }
0x265: {  	v13 =	vmul.f32 v13, v31;
	v18 =	vld [tilespmem:s13+$0x7930];
	v24 =	vadd.f32 v34, v24;
	v16 =	vadd.f32 v16, v20  }
0x266: {  	v21 =	vmul.f32 v21, v28;
	v20 =	vld [tilespmem:s13+$0x9130];
	v23 =	vmul.f32 v23, v29;
	v22 =	vadd.f32 v26, v22  }
0x267: {  	v11 =	vmul.f32 v11, v31;
	v26 =	vld [tilespmem:s13+$0xA930];
	v30 =	vmul.f32 v32, v27;
	v14 =	vadd.f32 v14, v24;
	[tilespmem:s13+$0xF500] =	vst v16  }
0x268: {  	v16 =	vld [tilespmem:s13+$0x7920];
	v19 =	vmul.f32 v19, v28;
	v21 =	vadd.f32 v23, v21;
	v17 =	vadd.f32 v17, v22  }
0x269: {  	s11 =	sshrl.u32 s8, $0x3;
	v15 =	vmul.f32 v15, v27;
	v22 =	vld [tilespmem:s13+$0x9120];
	v23 =	vmul.f32 v25, v29;
	[tilespmem:s13+$0xF170] =	vst v14  }
0x26a: {  	s7 =	sadd.s32 $0x80, s7;
	s11 =	smul.u32 $0xC00, s11;
	v10 =	vmul.f32 v10, v31;
	v14 =	vld [tilespmem:s13+$0x7910];
	v21 =	vadd.f32 v30, v21;
	v13 =	vadd.f32 v13, v17  }
0x26b: {  	s12 =	sand.u32 $0x380, s7;
	v18 =	vmul.f32 v18, v28;
	v17 =	vld [tilespmem:s13+$0x9110];
	v20 =	vmul.f32 v20, v29;
	v19 =	vadd.f32 v23, v19  }
0x26c: {  	s11 =	sor.u32 s12, s11;
	v25 =	vmul.f32 v9, v31;
	v23 =	vld [tilespmem:s13+$0xA910];
	v24 =	vmul.f32 v26, v27;
	v9 =	vadd.f32 v11, v21;
	[tilespmem:s13+$0xF160] =	vst v13  }
0x26d: {  	v35 =	vld [tilespmem:s11+$0xC100];
	v11 =	vmul.f32 v16, v28;
	v13 =	vadd.f32 v20, v18;
	v15 =	vadd.f32 v15, v19  }
0x26e: {  	v12 =	vmul.f32 v12, v27;
	v16 =	vld [tilespmem:s11+$0xC110];
	v18 =	vmul.f32 v22, v29;
	[tilespmem:s13+$0xF150] =	vst v9  }
0x26f: {  	v19 =	vmul.f32 v7, v31;
	v7 =	vld [tilespmem:s11+$0xC120];
	v13 =	vadd.f32 v24, v13;
	v15 =	vadd.f32 v10, v15  }
0x270: {  	v14 =	vmul.f32 v14, v28;
	v9 =	vld [tilespmem:s11+$0xC130];
	v17 =	vmul.f32 v17, v29;
	v18 =	vadd.f32 v18, v11  }
0x271: {  	v21 =	vmul.f32 v8, v31;
	v10 =	vld [tilespmem:s11+$0xC140];
	v20 =	vmul.f32 v23, v27;
	v22 =	vadd.f32 v25, v13;
	[tilespmem:s13+$0xF140] =	vst v15  }
0x272: {  	v11 =	vld [tilespmem:s11+$0xC150];
	v15 =	vadd.f32 v17, v14;
	v12 =	vadd.f32 v12, v18  }
0x273: {  	v13 =	vld [tilespmem:s11+$0xC160];
	[tilespmem:s13+$0xF130] =	vst v22;
	v8 =	vmov v16  }
0x274: {  	v14 =	vld [tilespmem:s11+$0xC170];
	v15 =	vadd.f32 v20, v15;
	v12 =	vadd.f32 v19, v12  }
0x275: {  	v16 =	vld [tilespmem:s11+$0xC500]  }
0x276: {  	v18 =	vld [tilespmem:s11+$0xC510];
	v15 =	vadd.f32 v21, v15;
	[tilespmem:s13+$0xF120] =	vst v12  }
0x277: {  	v19 =	vld [tilespmem:s11+$0xC520]  }
0x278: {  	v21 =	vld [tilespmem:s11+$0xC530];
	[tilespmem:s13+$0xF110] =	vst v15;
	s13 =	smov.u32 s11  }
0x279: {  	v22 =	vld [tilespmem:s13+$0xC540]  }
0x27a: {  	v24 =	vld [tilespmem:s13+$0xC550]  }
0x27b: {  	v25 =	vld [tilespmem:s13+$0xC560]  }
0x27c: {  	v26 =	vld [tilespmem:s13+$0xC570]  }
0x27d: {  	v30 =	vld [tilespmem:s13+$0xC900]  }
0x27e: {  	v32 =	vld [tilespmem:s13+$0xC910]  }
0x27f: {  	v33 =	vld [tilespmem:s13+$0xC920]  }
0x280: {  	v34 =	vld [tilespmem:s13+$0xC930]  }
0x281: {  	v36 =	vld [tilespmem:s13+$0xC940]  }
0x282: {  	v38 =	vld [tilespmem:s13+$0xC950]  }
0x283: {  	v40 =	vld [tilespmem:s13+$0xC960]  }
0x284: {  	v42 =	vld [tilespmem:s13+$0xC970]  }
0x285: {  	v43 =	vld [tilespmem:s13+$0xA900]  }
.Ltmp6:
0x286: {  	v12 =	vld [tilespmem:s13+$0xA920];
	(pc) =	sbr.rel @p0 .LBB2_7-.Ltmp6, $4  }
0x287: {  	v15 =	vld [tilespmem:s13+$0xA940]  }
0x288: {  	v17 =	vld [tilespmem:s13+$0xA960]  }
0x289: {  	v27 =	vmov s8;
	v20 =	vld [tilespmem:s13+$0xAD00]  }
0x28a: {  	s8 =	sadd.s32 $0x1, s8;
	v23 =	vld [tilespmem:s13+$0xAD20]  }
0x28b: {  	_ = 	snop  }
0x28c: {  	v37 =	vld [tilespmem:s13+$0xAD40]  }
0x28d: {  	v39 =	vld [tilespmem:s13+$0xAD60]  }
0x28e: {  	v41 =	vld [tilespmem:s13+$0xB100]  }
0x28f: {  	v28 =	vld.idx.msk [tilespmem:v27+s28+$0x0], $0xffff  }
0x290: {  	v44 =	vld.idx.msk [tilespmem:v27+s29+$0x0], $0xffff  }
0x291: {  	v45 =	vld [tilespmem:s13+$0xB120]  }
0x292: {  	v46 =	vld [tilespmem:s13+$0xB140]  }
0x293: {  	v47 =	vld [tilespmem:s13+$0x7900]  }
0x294: {  	v48 =	vld [tilespmem:s13+$0x8170]  }
0x295: {  	v49 =	vld [tilespmem:s13+$0x9970]  }
0x296: {  	v50 =	vld [tilespmem:s13+$0x9100]  }
0x297: {  	v51 =	vld [tilespmem:s13+$0xB170]  }
0x298: {  	v52 =	vld [tilespmem:s13+$0x8160];
	v61 =	vsub.f32 $1.000000000e+00, v28;
	v31 =	vsub.f32 $1.000000000e+00, v44  }
0x299: {  	v56 =	vld [tilespmem:s13+$0x9950]  }
0x29a: {  	v54 =	vld [tilespmem:s13+$0x9960];
	v29 =	vmul.f32 v31, v61  }
0x29b: {  	v53 =	vld [tilespmem:s13+$0xB160];
	v31 =	vmul.f32 v31, v28;
	v27 =	vmul.f32 v44, v61  }
0x29c: {  	v55 =	vld [tilespmem:s13+$0x8150];
	v28 =	vmul.f32 v44, v28;
	v48 =	vmul.f32 v48, v29  }
0x29d: {  	v49 =	vmul.f32 v49, v31;
	v57 =	vmul.f32 v52, v29;
	v52 =	vld [tilespmem:s13+$0x8110]  }
0x29e: {  	v47 =	vmul.f32 v29, v47;
	v61 =	vmul.f32 v56, v31;
	v56 =	vld [tilespmem:s13+$0x9910]  }
0x29f: {  	v50 =	vmul.f32 v31, v50;
	v58 =	vmul.f32 v54, v31;
	v54 =	vld [tilespmem:s13+$0x7D60]  }
0x2a0: {  	v63 =	vmul.f32 v51, v27;
	v62 =	vadd.f32 v49, v48;
	v49 =	vld [tilespmem:s13+$0xB150]  }
0x2a1: {  	v43 =	vmul.f32 v43, v27;
	v42 =	vmul.f32 v42, v28;
	v47 =	vadd.f32 v50, v47;
	v50 =	vld [tilespmem:s13+$0x8140]  }
0x2a2: {  	v35 =	vmul.f32 v35, v28;
	v59 =	vmul.f32 v53, v27;
	v48 =	vld [tilespmem:s13+$0x9940]  }
0x2a3: {  	v60 =	vmul.f32 v55, v29;
	v40 =	vmul.f32 v40, v28;
	v51 =	vadd.f32 v58, v57;
	v57 =	vld [tilespmem:s13+$0xB110]  }
0x2a4: {  	v38 =	vmul.f32 v38, v28;
	v58 =	vmul.f32 v46, v27;
	v46 =	vld [tilespmem:s13+$0x9500]  }
0x2a5: {  	v36 =	vmul.f32 v36, v28;
	v34 =	vmul.f32 v34, v28;
	v43 =	vadd.f32 v43, v47;
	v47 =	vld [tilespmem:s13+$0x8130]  }
0x2a6: {  	v33 =	vmul.f32 v33, v28;
	v32 =	vmul.f32 v32, v28;
	v44 =	vadd.f32 v63, v62;
	v62 =	vld [tilespmem:s13+$0x8120]  }
0x2a7: {  	v30 =	vmul.f32 v30, v28;
	v26 =	vmul.f32 v26, v28;
	v63 =	vld [tilespmem:s13+$0x9920]  }
0x2a8: {  	v25 =	vmul.f32 v25, v28;
	v55 =	vmul.f32 v52, v29;
	v52 =	vld [tilespmem:s13+$0x9530];
	v35 =	vadd.f32 v35, v43  }
0x2a9: {  	v42 =	vadd.f32 v42, v44;
	v44 =	vld [tilespmem:s13+$0x9930];
	v50 =	vmul.f32 v50, v29;
	v48 =	vmul.f32 v48, v31  }
0x2aa: {  	v24 =	vmul.f32 v24, v28;
	v43 =	vld [tilespmem:s13+$0xB130];
	v49 =	vmul.f32 v49, v27;
	[tilespmem:s13+$0xF100] =	vst v35;
	v35 =	vadd.f32 v61, v60  }
0x2ab: {  	v22 =	vmul.f32 v22, v28;
	[tilespmem:s13+$0xF970] =	vst v42;
	v42 =	vadd.f32 v59, v51;
	v59 =	vadd.f32 v48, v50;
	v48 =	vld [tilespmem:s13+$0x9900]  }
0x2ac: {  	v21 =	vmul.f32 v21, v28;
	v19 =	vmul.f32 v19, v28;
	v50 =	vld [tilespmem:s13+$0xAD70];
	v35 =	vadd.f32 v49, v35  }
0x2ad: {  	v18 =	vmul.f32 v18, v28;
	v40 =	vadd.f32 v40, v42;
	v42 =	vmul.f32 v56, v31;
	v56 =	vld [tilespmem:s13+$0x9560]  }
0x2ae: {  	v16 =	vmul.f32 v16, v28;
	v14 =	vmul.f32 v14, v28;
	v35 =	vadd.f32 v38, v35;
	v38 =	vld [tilespmem:s13+$0x8100]  }
0x2af: {  	v47 =	vmul.f32 v47, v29;
	v44 =	vmul.f32 v44, v31;
	[tilespmem:s13+$0xF960] =	vst v40;
	v40 =	vadd.f32 v58, v59;
	v58 =	vld [tilespmem:s13+$0x7D50]  }
0x2b0: {  	v17 =	vmul.f32 v17, v27;
	v62 =	vmul.f32 v62, v29;
	v59 =	vld [tilespmem:s13+$0x9550]  }
0x2b1: {  	v63 =	vmul.f32 v63, v31;
	v60 =	vmul.f32 v43, v27;
	v61 =	vadd.f32 v44, v47;
	v44 =	vld [tilespmem:s13+$0x7D70]  }
0x2b2: {  	v13 =	vmul.f32 v13, v28;
	v11 =	vmul.f32 v11, v28;
	v36 =	vadd.f32 v36, v40;
	v40 =	vld [tilespmem:s13+$0x9570]  }
0x2b3: {  	v51 =	vmul.f32 v45, v27;
	v53 =	vadd.f32 v63, v62;
	[tilespmem:s13+$0xF950] =	vst v35;
	v35 =	vadd.f32 v60, v61;
	v61 =	vld [tilespmem:s13+$0xAD50]  }
0x2b4: {  	v15 =	vmul.f32 v15, v27;
	v60 =	vmul.f32 v48, v31;
	v48 =	vld [tilespmem:s13+$0x9540]  }
0x2b5: {  	v10 =	vmul.f32 v10, v28;
	v8 =	vmul.f32 v8, v28;
	[tilespmem:s13+$0xF940] =	vst v36;
	v36 =	vadd.f32 v51, v53;
	v51 =	vld [tilespmem:s13+$0x7D30]  }
0x2b6: {  	v57 =	vmul.f32 v57, v27;
	v53 =	vmul.f32 v56, v31;
	v56 =	vld [tilespmem:s13+$0x7D20]  }
0x2b7: {  	v42 =	vadd.f32 v42, v55;
	v34 =	vadd.f32 v34, v35;
	v35 =	vmul.f32 v54, v29;
	v54 =	vld [tilespmem:s13+$0xAD30]  }
0x2b8: {  	v38 =	vmul.f32 v38, v29;
	v63 =	vmul.f32 v44, v29;
	v44 =	vld [tilespmem:s13+$0x7D00]  }
0x2b9: {  	[tilespmem:s13+$0xF930] =	vst v34;
	v34 =	vadd.f32 v57, v42;
	v40 =	vmul.f32 v40, v31;
	v57 =	vmul.f32 v58, v29;
	v58 =	vld [tilespmem:s13+$0x9520]  }
0x2ba: {  	v62 =	vmul.f32 v41, v27;
	v33 =	vadd.f32 v33, v36;
	v38 =	vadd.f32 v60, v38;
	v42 =	vld [tilespmem:s13+$0xAD10]  }
0x2bb: {  	v49 =	vmul.f32 v50, v27;
	v32 =	vadd.f32 v32, v34;
	v34 =	vld [tilespmem:s13+$0x7D40];
	v50 =	vadd.f32 v40, v63  }
0x2bc: {  	v36 =	vmul.f32 v59, v31;
	[tilespmem:s13+$0xF920] =	vst v33;
	v59 =	vmul.f32 v61, v27;
	v61 =	vld [tilespmem:s13+$0x7D10];
	v33 =	vadd.f32 v62, v38  }
0x2bd: {  	v43 =	vmul.f32 v37, v27;
	v55 =	vmul.f32 v39, v27;
	v62 =	vld [tilespmem:s13+$0x9510];
	[tilespmem:s13+$0xF910] =	vst v32;
	v32 =	vadd.f32 v49, v50  }
0x2be: {  	v35 =	vadd.f32 v53, v35;
	v63 =	vmul.f32 v48, v31;
	v48 =	vld [tilespmem:s13+$0x7970];
	v30 =	vadd.f32 v30, v33  }
0x2bf: {  	v60 =	vadd.f32 v36, v57;
	v45 =	vmul.f32 v51, v29;
	v51 =	vld [tilespmem:s13+$0xA970];
	v26 =	vadd.f32 v26, v32  }
0x2c0: {  	v38 =	vld [tilespmem:s13+$0x7940];
	v47 =	vmul.f32 v54, v27;
	[tilespmem:s13+$0xF900] =	vst v30;
	v30 =	vadd.f32 v55, v35;
	v34 =	vmul.f32 v34, v29  }
0x2c1: {  	v54 =	vld [tilespmem:s13+$0x7960];
	v33 =	vmul.f32 v52, v31;
	v52 =	vmul.f32 v23, v27;
	[tilespmem:s13+$0xF570] =	vst v26;
	v26 =	vadd.f32 v59, v60  }
0x2c2: {  	v49 =	vld [tilespmem:s13+$0x9170];
	v50 =	vmul.f32 v58, v31;
	v25 =	vadd.f32 v25, v30;
	v34 =	vadd.f32 v63, v34  }
0x2c3: {  	v33 =	vadd.f32 v33, v45;
	v32 =	vmul.f32 v56, v29;
	v56 =	vld [tilespmem:s13+$0x9160];
	v24 =	vadd.f32 v24, v26  }
0x2c4: {  	v57 =	vmul.f32 v42, v27;
	v55 =	vmul.f32 v61, v29;
	v59 =	vld [tilespmem:s13+$0x7950];
	[tilespmem:s13+$0xF560] =	vst v25;
	v25 =	vadd.f32 v43, v34  }
0x2c5: {  	v61 =	vmul.f32 v46, v31;
	v30 =	vmul.f32 v62, v31;
	v60 =	vld [tilespmem:s13+$0x9150];
	[tilespmem:s13+$0xF550] =	vst v24;
	v24 =	vadd.f32 v47, v33  }
0x2c6: {  	v39 =	vmul.f32 v48, v29;
	v53 =	vadd.f32 v50, v32;
	v62 =	vld [tilespmem:s13+$0xA950];
	v22 =	vadd.f32 v22, v25  }
0x2c7: {  	v46 =	vmul.f32 v54, v29;
	v54 =	vld [tilespmem:s13+$0x9110];
	v58 =	vadd.f32 v30, v55;
	v21 =	vadd.f32 v21, v24  }
0x2c8: {  	v41 =	vmul.f32 v51, v27;
	v26 =	vmul.f32 v44, v29;
	[tilespmem:s13+$0xF540] =	vst v22;
	v22 =	vadd.f32 v52, v53;
	v52 =	vld [tilespmem:s13+$0x7910]  }
0x2c9: {  	v40 =	vld [tilespmem:s13+$0x9140];
	v63 =	vmul.f32 v20, v27;
	v25 =	vmul.f32 v49, v31;
	[tilespmem:s13+$0xF530] =	vst v21;
	v21 =	vadd.f32 v57, v58  }
0x2ca: {  	v37 =	vadd.f32 v61, v26;
	v47 =	vmul.f32 v56, v31;
	v56 =	vld [tilespmem:s13+$0xA910];
	v19 =	vadd.f32 v19, v22  }
0x2cb: {  	v48 =	vld [tilespmem:s13+$0x7920];
	v49 =	vmul.f32 v59, v29;
	v42 =	vadd.f32 v25, v39;
	v18 =	vadd.f32 v18, v21  }
0x2cc: {  	v50 =	vld [tilespmem:s13+$0x9120];
	v51 =	vmul.f32 v62, v27;
	v22 =	vmul.f32 v60, v31;
	[tilespmem:s13+$0xF520] =	vst v19;
	v19 =	vadd.f32 v63, v37  }
0x2cd: {  	v43 =	vld [tilespmem:s13+$0x7930];
	v60 =	vmul.f32 v54, v31;
	[tilespmem:s13+$0xF510] =	vst v18;
	v18 =	vadd.f32 v41, v42;
	v59 =	vmul.f32 v52, v29  }
0x2ce: {  	v44 =	vld [tilespmem:s13+$0x9130];
	v53 =	vmul.f32 v40, v31;
	v22 =	vadd.f32 v22, v49;
	v16 =	vadd.f32 v16, v19  }
0x2cf: {  	v61 =	vmul.f32 v56, v27;
	v14 =	vadd.f32 v14, v18;
	v62 =	vadd.f32 v60, v59  }
0x2d0: {  	v45 =	vld [tilespmem:s13+$0xA930];
	v57 =	vmul.f32 v48, v29;
	v21 =	vmul.f32 v38, v29;
	[tilespmem:s13+$0xF500] =	vst v16;
	v16 =	vadd.f32 v47, v46  }
0x2d1: {  	v58 =	vmul.f32 v50, v31;
	[tilespmem:s13+$0xF170] =	vst v14;
	v14 =	vadd.f32 v51, v22;
	v63 =	vadd.f32 v61, v62  }
0x2d2: {  	v55 =	vmul.f32 v43, v29;
	v16 =	vadd.f32 v17, v16;
	v17 =	vadd.f32 v53, v21  }
0x2d3: {  	v19 =	vmul.f32 v44, v31;
	v11 =	vadd.f32 v11, v14;
	v14 =	vadd.f32 v58, v57  }
0x2d4: {  	v12 =	vmul.f32 v12, v27;
	v8 =	vadd.f32 v8, v63;
	v13 =	vadd.f32 v13, v16  }
0x2d5: {  	v20 =	vmul.f32 v45, v27;
	v16 =	vadd.f32 v19, v55;
	v15 =	vadd.f32 v15, v17  }
0x2d6: {  	v7 =	vmul.f32 v7, v28;
	v12 =	vadd.f32 v12, v14;
	[tilespmem:s13+$0xF150] =	vst v11  }
.Ltmp7:
0x2d7: {  	v9 =	vmul.f32 v9, v28;
	[tilespmem:s13+$0xF110] =	vst v8;
	v16 =	vadd.f32 v20, v16;
	v10 =	vadd.f32 v10, v15;
	(pc) =	sbr.rel @p1 .LBB2_10-.Ltmp7, $4  }
0x2d8: {  	[tilespmem:s13+$0xF160] =	vst v13;
	v7 =	vadd.f32 v7, v12  }
0x2d9: {  	v9 =	vadd.f32 v9, v16;
	[tilespmem:s13+$0xF140] =	vst v10  }
0x2da: {  	[tilespmem:s13+$0xF120] =	vst v7  }
0x2db: {  	[tilespmem:s13+$0xF130] =	vst v9  }
0x2dc: {  	s2 =	sadd.s32 $0x3, s2  }
0x2dd: {  	s7 =	smulhi.u32 $0x92492493, s2;
	_ =	sdelay $0x1  }
0x2de: {  	s7 =	sshrl.u32 s7, $0x3  }
0x2df: {  	s8 =	smul.u32 $0xE, s7  }
0x2e0: {  	s11 =	sshll.u32 s2, $0x4  }
0x2e1: {  	v7 =	vld [tilespmem:s11+$0xC80];
	s2 =	ssub.s32 s2, s8  }
0x2e2: {  	v8 =	vld [tilespmem:s11+$0x0];
	s2 =	sshll.u32 s2, $0x4  }
0x2e3: {  	s7 =	sadd.s32 s6, s7;
	s2 =	scvt.s32.f32 s2  }
0x2e4: {  	s7 =	scvt.s32.f32 s7  }
0x2e5: {  	v9 =	vadd.f32 s2, v2  }
0x2e6: {  	v7 =	vadd.f32 s7, v7  }
0x2e7: {  	v8 =	vadd.f32 v8, v9  }
0x2e8: {  	v7 =	vmax.f32 v7, $0.0e+00  }
0x2e9: {  	v7 =	vmin.f32 v7, $2.230000000e+02;
	v8 =	vmax.f32 v8, $0.0e+00  }
0x2ea: {  	v61 =	vtrunc.f32 v7;
	v8 =	vmin.f32 v8, $2.230000000e+02  }
0x2eb: {  	v9 =	vcvt.f32.s32 v61;
	v10 =	vtrunc.f32 v8  }
0x2ec: {  	v10 =	vcvt.f32.s32 v10  }
0x2ed: {  	vm2 =	vlt.s32 v9, $0xDE  }
0x2ee: {  	v9 =	vnsel vm2, $0xDE, v9;
	vm2 =	vlt.s32 v10, $0xDE  }
0x2ef: {  	v11 =	vmul.u32 $0xE0, v9;
	v10 =	vnsel vm2, $0xDE, v10  }
0x2f0: {  	v12 =	vadd.s32 v1, v10  }
0x2f1: {  	v11 =	vadd.s32 v11, v12  }
0x2f2: {  	v12 =	vshrl.u32 v11, $0x3  }
0x2f3: {  	v9 =	vcvt.s32.f32 v9;
	v12 =	vmul.u32 $0x18, v12  }
0x2f4: {  	v13 =	vcvt.s32.f32 v10;
	v10 =	vand.u32 $0x7, v10  }
0x2f5: {  	v7 =	vsub.f32 v7, v9;
	v10 =	vor.u32 v10, v12  }
0x2f6: {  	v62 =	vperm.xlane v10, v3  }
0x2f7: {  	[tilespmem:$0x10A80] =	vst v7;
	v8 =	vsub.f32 v8, v13  }
0x2f8: {  	[tilespmem:$0x10B80] =	vst v11;
	v7 =	vadd.s32 v4, v62  }
0x2f9: {  	[tilespmem:$0x10980] =	vst v8;
	v8 =	vadd.s32 $0x1, v11  }
0x2fa: {  	[tilespmem:$0x10B90] =	vst v8;
	v8 =	vadd.s32 $0xE0, v11;
	v63 =	vperm.xlane v10, v6  }
0x2fb: {  	[tilespmem:$0x10BA0] =	vst v8;
	v8 =	vadd.s32 $0xE1, v11  }
0x2fc: {  	s11 =	simm.s32 $0x7900;
	[tilespmem:$0x10BB0] =	vst v8;
	v8 =	vadd.s32 v4, v63  }
0x2fd: {  	[tilespmem:s11], [sflag:$0x2] =	stream.indirect_vreg.gather [hbm4b:s3+s5], $0x80, v7, vm0, $0xb8;
	[tilespmem:$0x10C00] =	vst v63  }
0x2fe: {  	s12 =	simm.s32 $0x8100  }
0x2ff: {  	[tilespmem:s12], [sflag:$0x2] =	stream.indirect_vreg.gather [hbm4b:s9+s5], $0x80, v7, vm1, $0xb8;
	[tilespmem:$0x10C00] =	vst v63  }
0x300: {  	s13 =	simm.s32 $0x8500  }
0x301: {  	[tilespmem:s13], [sflag:$0x2] =	stream.indirect_vreg.gather [hbm4b:s3+s5], $0x80, v8, vm0, $0xb8;
	[tilespmem:$0x10C00] =	vst v63  }
0x302: {  	s7 =	simm.s32 $0x8D00  }
0x303: {  	[tilespmem:s7], [sflag:$0x2] =	stream.indirect_vreg.gather [hbm4b:s9+s5], $0x80, v8, vm1, $0xb8;
	[tilespmem:$0x10C00] =	vst v63  }
0x304: {  	v7 =	vld [tilespmem:$0x10B90];
	_ =	sdelay $0x4  }
0x305: {  	v8 =	vshrl.u32 v7, $0x3  }
0x306: {  	v8 =	vmul.u32 $0x18, v8  }
0x307: {  	v7 =	vand.u32 $0x7, v7  }
0x308: {  	v7 =	vor.u32 v7, v8  }
0x309: {  	v8 =	vperm.xlane v7, v3;
	_ =	sdelay $0x1  }
0x30a: {  	v8 =	vadd.s32 v4, v8;
	_ =	sdelay $0x1  }
0x30b: {  	v7 =	vperm.xlane v7, v6;
	_ =	sdelay $0x1  }
0x30c: {  	s8 =	simm.s32 $0x9100;
	v7 =	vadd.s32 v4, v7  }
0x30d: {  	[tilespmem:s8], [sflag:$0x2] =	stream.indirect_vreg.gather [hbm4b:s3+s5], $0x80, v8, vm0, $0xb8;
	[tilespmem:$0x10C00] =	vst v63  }
0x30e: {  	s11 =	simm.s32 $0x9900  }
0x30f: {  	[tilespmem:s11], [sflag:$0x2] =	stream.indirect_vreg.gather [hbm4b:s9+s5], $0x80, v8, vm1, $0xb8;
	[tilespmem:$0x10C00] =	vst v63  }
0x310: {  	s12 =	simm.s32 $0x9D00  }
0x311: {  	[tilespmem:s12], [sflag:$0x2] =	stream.indirect_vreg.gather [hbm4b:s3+s5], $0x80, v7, vm0, $0xb8;
	[tilespmem:$0x10C00] =	vst v63  }
0x312: {  	s13 =	simm.s32 $0xA500  }
0x313: {  	[tilespmem:s13], [sflag:$0x2] =	stream.indirect_vreg.gather [hbm4b:s9+s5], $0x80, v7, vm1, $0xb8;
	[tilespmem:$0x10C00] =	vst v63  }
0x314: {  	v7 =	vld [tilespmem:$0x10BA0];
	_ =	sdelay $0x4  }
0x315: {  	v8 =	vshrl.u32 v7, $0x3  }
0x316: {  	v8 =	vmul.u32 $0x18, v8  }
0x317: {  	v7 =	vand.u32 $0x7, v7  }
0x318: {  	v7 =	vor.u32 v7, v8  }
0x319: {  	v8 =	vperm.xlane v7, v3;
	_ =	sdelay $0x1  }
0x31a: {  	v8 =	vadd.s32 v4, v8;
	_ =	sdelay $0x1  }
0x31b: {  	v7 =	vperm.xlane v7, v6;
	_ =	sdelay $0x1  }
0x31c: {  	v7 =	vadd.s32 v4, v7  }
0x31d: {  	[tilespmem:s14], [sflag:$0x2] =	stream.indirect_vreg.gather [hbm4b:s3+s5], $0x80, v8, vm0, $0xb8;
	[tilespmem:$0x10C00] =	vst v63  }
0x31e: {  	_ = 	snop  }
0x31f: {  	[tilespmem:s15], [sflag:$0x2] =	stream.indirect_vreg.gather [hbm4b:s9+s5], $0x80, v8, vm1, $0xb8;
	[tilespmem:$0x10C00] =	vst v63  }
0x320: {  	_ = 	snop  }
0x321: {  	[tilespmem:s16], [sflag:$0x2] =	stream.indirect_vreg.gather [hbm4b:s3+s5], $0x80, v7, vm0, $0xb8;
	[tilespmem:$0x10C00] =	vst v63  }
0x322: {  	_ = 	snop  }
0x323: {  	[tilespmem:s17], [sflag:$0x2] =	stream.indirect_vreg.gather [hbm4b:s9+s5], $0x80, v7, vm1, $0xb8;
	[tilespmem:$0x10C00] =	vst v63  }
0x324: {  	v7 =	vld [tilespmem:$0x10BB0];
	_ =	sdelay $0x4  }
0x325: {  	v8 =	vshrl.u32 v7, $0x3  }
0x326: {  	v8 =	vmul.u32 $0x18, v8  }
0x327: {  	v7 =	vand.u32 $0x7, v7  }
0x328: {  	v7 =	vor.u32 v7, v8  }
0x329: {  	v8 =	vperm.xlane v7, v3;
	_ =	sdelay $0x1  }
0x32a: {  	v8 =	vadd.s32 v4, v8;
	_ =	sdelay $0x2  }
0x32b: {  	v7 =	vperm.xlane v7, v6;
	_ =	sdelay $0x1  }
0x32c: {  	v7 =	vadd.s32 v4, v7;
	[tilespmem:s18], [sflag:$0x2] =	stream.indirect_vreg.gather [hbm4b:s3+s5], $0x80, v8, vm0, $0xb8;
	[tilespmem:$0x10C00] =	vst v63  }
0x32d: {  	_ = 	snop  }
0x32e: {  	[tilespmem:s19], [sflag:$0x2] =	stream.indirect_vreg.gather [hbm4b:s9+s5], $0x80, v8, vm1, $0xb8;
	[tilespmem:$0x10C00] =	vst v63  }
.Ltmp8:
0x32f: {  	_ = 	snop;
	(pc) =	sbr.rel .LBB2_10-.Ltmp8, $4  }
0x330: {  	_ = 	snop  }
0x331: {  	[tilespmem:s20], [sflag:$0x2] =	stream.indirect_vreg.gather [hbm4b:s3+s5], $0x80, v7, vm0, $0xb8;
	[tilespmem:$0x10C00] =	vst v63  }
0x332: {  	_ = 	snop  }
0x333: {  	[tilespmem:s21], [sflag:$0x2] =	stream.indirect_vreg.gather [hbm4b:s9+s5], $0x80, v7, vm1, $0xb8;
	[tilespmem:$0x10C00] =	vst v63  }
.LBB2_12:
0x334: {  	_ =	sfence.sel $0x180000  }
0x335: {  	[bflag:$0x0] =	sbarrier.arrive $0xFFFF  }
0x336: {  	_ =	strace $0x90000047  }
0x337: {  	s0 =	stileid.u32;
	[bflag:$0x2] =	sbarrier.arrive $0xFFFF  }
0x338: {  	p0 =	sne.s32 s0, $0x0;
	s0 =	rddreg [dreg:$0x3]  }
0x339: {  	s0 =	sadd.s32 @!p0 $0x100000, s0  }
0x33a: {  	[sflag:s0] =	ssyncadd.tile.s32 @!p0 $0x1;
	_ =	shalt  }
.Lfunc_end2:
_tile_overlayer_lowered:
.L_overlay_start_2:
0x33b: {  	(tag) =	ssettag $0x2  }
0x33c: {  	s0 =	rddreg [dreg:$0x0];
	s2 =	stileid.u32  }
0x33d: {  	s1 =	rddreg [dreg:$0x1];
	p0 =	sne.s32 s2, $0x0  }
0x33e: {  	s3 =	rddreg [dreg:$0x2];
	[bflag:$0x3] =	sbarrier.arrive $0xFFFF;
	s2 =	simm.s32 @!p0 $0x1C05  }
0x33f: {  	[timem:s3], [sflag:s2] =	dma.local @!p0 [hbm:s0], s1  }
0x340: {  	s0 =	simm.s32 @!p0 $0x5  }
0x341: {  	_ =	swait.ge @!p0 [sflag:s0], s1  }
0x342: {  	s1 =	ssub.s32 @!p0 $0x0, s1;
	[sflag:s0] =	ssyncset.done @!p0 $0x0  }
0x343: {  	[sflag:s0] =	ssyncadd.s32 @!p0 s1  }
0x344: {  	[bflag:$0x3] =	sbarrier.arrive $0xFFFF  }
0x345: {  	_ =	shalt  }

</sc_bundles>
